<compile_context>
chip_gen: v7x
topology: tpu7x:2x2x1
jax: 0.10.2.dev20260603
libtpu: 0.0.44.dev20260713+nightly
codegen_flags: <defaults>
</compile_context>

<pallas_src>
import functools

import jax
import jax.numpy as jnp
from jax import lax
from jax.experimental import pallas as pl
from jax.experimental.pallas import tpu as pltpu
from jax.experimental.pallas import tpu_sc as plsc

N = 100000
K = 64
NW = 32
BA = 64
NB = 49
APW = NB * BA
NPAD = NW * APW
SL = NPAD // 16
KBA = K * BA
NG = BA // 16

CUT2 = 2.5 * 2.5
R2MIN = 1e-4


@functools.partial(
    pl.kernel,
    out_type=(
        jax.ShapeDtypeStruct((2 * 3 * NPAD,), jnp.float32),
        jax.ShapeDtypeStruct((3 * NPAD,), jnp.float32),
        jax.ShapeDtypeStruct((NW * 16,), jnp.float32),
    ),
    mesh=plsc.VectorSubcoreMesh(core_axis_name="c", subcore_axis_name="s"),
    scratch_types=[
        pltpu.VMEM((KBA,), jnp.int32),
        pltpu.VMEM((KBA,), jnp.int32),
        pltpu.VMEM((KBA,), jnp.float32),
        pltpu.VMEM((KBA,), jnp.float32),
        pltpu.VMEM((KBA,), jnp.float32),
        pltpu.VMEM((KBA,), jnp.float32),
        pltpu.VMEM((KBA,), jnp.float32),
        pltpu.VMEM((KBA,), jnp.float32),
        pltpu.VMEM((4 * BA,), jnp.float32),
        pltpu.VMEM((4 * BA,), jnp.float32),
        pltpu.VMEM((KBA,), jnp.float32),
        pltpu.VMEM((KBA,), jnp.float32),
        pltpu.VMEM((KBA,), jnp.float32),
        pltpu.VMEM((KBA,), jnp.int32),
        pltpu.VMEM((APW,), jnp.float32),
        pltpu.VMEM((APW,), jnp.float32),
        pltpu.VMEM((APW,), jnp.float32),
        pltpu.VMEM((SL,), jnp.float32),
        pltpu.VMEM((16,), jnp.float32),
        pltpu.VMEM_SHARED((NPAD,), jnp.float32),
        pltpu.VMEM_SHARED((NPAD,), jnp.float32),
        pltpu.VMEM_SHARED((NPAD,), jnp.float32),
        pltpu.VMEM_SHARED((NPAD,), jnp.float32),
        pltpu.VMEM_SHARED((NPAD,), jnp.float32),
        pltpu.VMEM_SHARED((NPAD,), jnp.float32),
        pltpu.SemaphoreType.DMA,
        pltpu.SemaphoreType.DMA,
        pltpu.SemaphoreType.DMA,
    ],
)
def _lj_sc(px_h, py_h, pz_h, pb_h, nm_h, o_r, o_d, o_e,
           nmvA, nmvB, gxA, gyA, gzA, gxB, gyB, gzB, pbA, pbB,
           rfx, rfy, rfz, nms, fax, fay, faz, zb, eacc,
           spx, spy, spz, sfx, sfy, sfz, sgA, sgB, ssc):
    c = lax.axis_index("c")
    s = lax.axis_index("s")
    w = c * 16 + s
    base = w * APW
    sl = s * SL

    slotA = (nmvA, gxA, gyA, gzA, pbA, sgA)
    slotB = (nmvB, gxB, gyB, gzB, pbB, sgB)

    pltpu.sync_copy(px_h.at[pl.ds(sl, SL)], spx.at[pl.ds(sl, SL)])
    pltpu.sync_copy(py_h.at[pl.ds(sl, SL)], spy.at[pl.ds(sl, SL)])
    pltpu.sync_copy(pz_h.at[pl.ds(sl, SL)], spz.at[pl.ds(sl, SL)])

    zeros16 = jnp.zeros((16,), jnp.float32)

    def zi(i, carry):
        zb[pl.ds(i * 16, 16)] = zeros16
        return carry

    lax.fori_loop(0, SL // 16, zi, 0)
    pltpu.sync_copy(zb, sfx.at[pl.ds(sl, SL)])
    pltpu.sync_copy(zb, sfy.at[pl.ds(sl, SL)])
    pltpu.sync_copy(zb, sfz.at[pl.ds(sl, SL)])
    plsc.subcore_barrier()

    iot = lax.iota(jnp.int32, 16)

    def fire(b, slot):
        nmv, gx, gy, gz, pb, sg = slot
        pltpu.sync_copy(pb_h.at[pl.ds((w * NB + b) * (4 * BA), 4 * BA)], pb)
        pltpu.sync_copy(nm_h.at[pl.ds((w * NB + b) * KBA, KBA)], nmv)
        pltpu.async_copy(spx.at[nmv], gx, sg)
        pltpu.async_copy(spy.at[nmv], gy, sg)
        pltpu.async_copy(spz.at[nmv], gz, sg)

    def wait_gathers(slot):
        nmv, gx, gy, gz, _, sg = slot
        pltpu.make_async_copy(spx.at[nmv], gx, sg).wait()
        pltpu.make_async_copy(spy.at[nmv], gy, sg).wait()
        pltpu.make_async_copy(spz.at[nmv], gz, sg).wait()

    def drain_scatter():
        pltpu.make_async_copy(rfx, sfx.at[nms], ssc).wait()
        pltpu.make_async_copy(rfy, sfy.at[nms], ssc).wait()
        pltpu.make_async_copy(rfz, sfz.at[nms], ssc).wait()

    def compute(b, slot):
        nmv, gx, gy, gz, pb, _ = slot
        abase = base + b * BA
        pxv = [pb[pl.ds(a * 16, 16)] for a in range(NG)]
        pyv = [pb[pl.ds(BA + a * 16, 16)] for a in range(NG)]
        pzv = [pb[pl.ds(2 * BA + a * 16, 16)] for a in range(NG)]
        nnv = [pb[pl.ds(3 * BA + a * 16, 16)] for a in range(NG)]
        aiv = [abase + a * 16 + iot for a in range(NG)]

        def k_body(k, carry):
            kf = k.astype(jnp.float32)
            es, fxs, fys, fzs = carry
            nes, nfx, nfy, nfz = [], [], [], []
            for a in range(NG):
                ko = k * BA + a * 16
                j = nmv[pl.ds(ko, 16)]
                nms[pl.ds(ko, 16)] = j
                dx = pxv[a] - gx[pl.ds(ko, 16)]
                dy = pyv[a] - gy[pl.ds(ko, 16)]
                dz = pzv[a] - gz[pl.ds(ko, 16)]
                r2 = jnp.maximum(dx * dx + dy * dy + dz * dz,
                                 jnp.float32(R2MIN))
                m = (kf < nnv[a]) & (r2 < CUT2) & (j != aiv[a])
                inv2 = 1.0 / r2
                u = inv2 * inv2 * inv2
                um1 = u - 1.0
                e = jnp.where(m, (4.0 * u) * um1, 0.0)
                fcn = jnp.where(m, (-24.0 * inv2) * (u * (um1 + u)), 0.0)
                rx = fcn * dx
                ry = fcn * dy
                rz = fcn * dz
                rfx[pl.ds(ko, 16)] = rx
                rfy[pl.ds(ko, 16)] = ry
                rfz[pl.ds(ko, 16)] = rz
                nes.append(es[a] + e)
                nfx.append(fxs[a] - rx)
                nfy.append(fys[a] - ry)
                nfz.append(fzs[a] - rz)
            return tuple(nes), tuple(nfx), tuple(nfy), tuple(nfz)

        z4 = (zeros16,) * NG
        es, fxs, fys, fzs = lax.fori_loop(0, K, k_body, (z4, z4, z4, z4))
        for a in range(NG):
            o = b * BA + a * 16
            fax[pl.ds(o, 16)] = fxs[a]
            fay[pl.ds(o, 16)] = fys[a]
            faz[pl.ds(o, 16)] = fzs[a]
        pltpu.async_copy(rfx, sfx.at[nms], ssc, add=True)
        pltpu.async_copy(rfy, sfy.at[nms], ssc, add=True)
        pltpu.async_copy(rfz, sfz.at[nms], ssc, add=True)
        eacc[...] = eacc[...] + ((es[0] + es[1]) + (es[2] + es[3]))

    eacc[...] = zeros16

    fire(0, slotA)

    def pair_body(i, carry):
        b0 = 2 * i
        b1 = b0 + 1

        @pl.when(b1 < NB)
        def _():
            fire(b1, slotB)

        @pl.when(b0 > 0)
        def _():
            drain_scatter()

        wait_gathers(slotA)
        compute(b0, slotA)

        @pl.when(b1 < NB)
        def _():
            fire(b0 + 2, slotA)
            drain_scatter()
            wait_gathers(slotB)
            compute(b1, slotB)

        return carry

    lax.fori_loop(0, (NB + 1) // 2, pair_body, 0)
    drain_scatter()

    pltpu.sync_copy(fax, o_d.at[pl.ds(base, APW)])
    pltpu.sync_copy(fay, o_d.at[pl.ds(NPAD + base, APW)])
    pltpu.sync_copy(faz, o_d.at[pl.ds(2 * NPAD + base, APW)])
    pltpu.sync_copy(eacc, o_e.at[pl.ds(w * 16, 16)])

    plsc.subcore_barrier()
    rbase = c * (3 * NPAD)
    pltpu.sync_copy(sfx.at[pl.ds(sl, SL)], o_r.at[pl.ds(rbase + sl, SL)])
    pltpu.sync_copy(sfy.at[pl.ds(sl, SL)], o_r.at[pl.ds(rbase + NPAD + sl, SL)])
    pltpu.sync_copy(sfz.at[pl.ds(sl, SL)],
                    o_r.at[pl.ds(rbase + 2 * NPAD + sl, SL)])


def kernel(positions, neighbor_matrix, num_neighbors, batch_idx):
    pad = NPAD - N
    px = jnp.pad(positions[:, 0], (0, pad))
    py = jnp.pad(positions[:, 1], (0, pad))
    pz = jnp.pad(positions[:, 2], (0, pad))
    nn = jnp.pad(num_neighbors, (0, pad))
    nnf = nn.astype(jnp.float32)
    pb4 = jnp.stack([px.reshape(NW * NB, BA), py.reshape(NW * NB, BA),
                     pz.reshape(NW * NB, BA), nnf.reshape(NW * NB, BA)],
                    axis=1).reshape(-1)
    nmp = jnp.pad(neighbor_matrix, ((0, pad), (0, 0)))
    nmb = nmp.reshape(NW * NB, BA, K).transpose(0, 2, 1).reshape(-1)
    o_r, o_d, o_e = _lj_sc(px, py, pz, pb4, nmb)
    r = o_r.reshape(2, 3, NPAD)
    f = r[0] + r[1] + o_d.reshape(3, NPAD)
    forces = f.T[:N]
    energies = o_e.sum().reshape(1, 1)
    return energies, forces

# --- scband reference (transcript-rebuilt; emitter-appended) ---
"""Pipeline reference for scband-lennard-jones-model-wrapper-35424890257642 (READ-ONLY COPY).

The authoritative reference and input builder live on the scoring server;
editing this copy changes nothing except your own understanding.
"""

import jax, jax.numpy as jnp
import numpy as np

N = 100000
K = 64
EPSILON = 1.0
SIGMA = 1.0
CUTOFF = 2.5


def _lj_pairs(positions, neighbor_matrix, num_neighbors):
    # neighbor matrix format: neighbor_matrix[i, k] = index of k-th neighbor of atom i
    # slots with k >= num_neighbors[i] are padding (fill_value semantics)
    n = positions.shape[0]
    slot = jnp.arange(neighbor_matrix.shape[1], dtype=jnp.int32)[None, :]
    valid = slot < num_neighbors[:, None]
    j = jnp.where(valid, neighbor_matrix, 0)
    pos_j = positions[j]  # gather [N, K, 3]
    rij = positions[:, None, :] - pos_j
    r2 = jnp.sum(rij * rij, axis=-1)
    r2 = jnp.maximum(r2, 1e-4)  # numerical guard as in the kernel
    mask = valid & (r2 < CUTOFF * CUTOFF) & (j != jnp.arange(n, dtype=jnp.int32)[:, None])
    inv_r2 = (SIGMA * SIGMA) / r2
    inv_r6 = inv_r2 ** 3
    inv_r12 = inv_r6 * inv_r6
    e_pair = jnp.where(mask, 4.0 * EPSILON * (inv_r12 - inv_r6), 0.0)
    fcoef = jnp.where(mask, 24.0 * EPSILON * (2.0 * inv_r12 - inv_r6) / r2, 0.0)
    fij = fcoef[..., None] * rij  # force on i from pair (i, j)
    return e_pair, fij, j


def setup_inputs(seed: int = 0) -> dict:
    key = jax.random.key(seed)
    k1, k2, k3 = jax.random.split(key, 3)
    positions = jax.random.normal(k1, (N, 3), dtype=jnp.float32)
    neighbor_matrix = jax.random.randint(k2, (N, K), 0, N, dtype=jnp.int32)
    num_neighbors = jax.random.randint(k3, (N,), 0, K + 1, dtype=jnp.int32)
    batch_idx = jnp.zeros((N,), dtype=jnp.int32)
    return {"positions": positions, "neighbor_matrix": neighbor_matrix, "num_neighbors": num_neighbors, "batch_idx": batch_idx}


def reference(positions, neighbor_matrix, num_neighbors, batch_idx):
    # half_list=True: each pair appears once; pair energy counted once,
    # force applied to i and reaction force scattered to j.
    e_pair, fij, j = _lj_pairs(positions, neighbor_matrix, num_neighbors)
    atomic_e = jnp.sum(e_pair, axis=1)
    energies = jax.ops.segment_sum(atomic_e, batch_idx, num_segments=1).reshape(1, 1)
    forces = jnp.sum(fij, axis=1)
    forces = forces.at[j.reshape(-1)].add(-fij.reshape(-1, 3))
    return energies, forces

if __name__ == "__main__":
    import jax
    _d = setup_inputs()
    print(jax.jit(kernel)(*tuple(_d.values())))

</pallas_src>

<mosaic_0001>
#map = affine_map<(d0, d1) -> (0)>
module attributes {stable_mosaic.version = 14 : i64} {
  func.func @_lj_sc(%arg0: i32, %arg1: i32, %arg2: memref<100352xf32, #tpu.memory_space<hbm>>, %arg3: memref<100352xf32, #tpu.memory_space<hbm>>, %arg4: memref<100352xf32, #tpu.memory_space<hbm>>, %arg5: memref<401408xf32, #tpu.memory_space<hbm>>, %arg6: memref<6422528xi32, #tpu.memory_space<hbm>>, %arg7: memref<602112xf32, #tpu.memory_space<hbm>>, %arg8: memref<301056xf32, #tpu.memory_space<hbm>>, %arg9: memref<512xf32, #tpu.memory_space<hbm>>, %arg10: memref<4096xi32, #tpu.memory_space<vmem>>, %arg11: memref<4096xi32, #tpu.memory_space<vmem>>, %arg12: memref<4096xf32, #tpu.memory_space<vmem>>, %arg13: memref<4096xf32, #tpu.memory_space<vmem>>, %arg14: memref<4096xf32, #tpu.memory_space<vmem>>, %arg15: memref<4096xf32, #tpu.memory_space<vmem>>, %arg16: memref<4096xf32, #tpu.memory_space<vmem>>, %arg17: memref<4096xf32, #tpu.memory_space<vmem>>, %arg18: memref<256xf32, #tpu.memory_space<vmem>>, %arg19: memref<256xf32, #tpu.memory_space<vmem>>, %arg20: memref<4096xf32, #tpu.memory_space<vmem>>, %arg21: memref<4096xf32, #tpu.memory_space<vmem>>, %arg22: memref<4096xf32, #tpu.memory_space<vmem>>, %arg23: memref<4096xi32, #tpu.memory_space<vmem>>, %arg24: memref<3136xf32, #tpu.memory_space<vmem>>, %arg25: memref<3136xf32, #tpu.memory_space<vmem>>, %arg26: memref<3136xf32, #tpu.memory_space<vmem>>, %arg27: memref<6272xf32, #tpu.memory_space<vmem>>, %arg28: memref<16xf32, #tpu.memory_space<vmem>>, %arg29: memref<100352xf32, #tpu.memory_space<vmem_shared>>, %arg30: memref<100352xf32, #tpu.memory_space<vmem_shared>>, %arg31: memref<100352xf32, #tpu.memory_space<vmem_shared>>, %arg32: memref<100352xf32, #tpu.memory_space<vmem_shared>>, %arg33: memref<100352xf32, #tpu.memory_space<vmem_shared>>, %arg34: memref<100352xf32, #tpu.memory_space<vmem_shared>>, %arg35: memref<!tpu.dma_semaphore, #tpu.memory_space<semaphore_mem>>, %arg36: memref<!tpu.dma_semaphore, #tpu.memory_space<semaphore_mem>>, %arg37: memref<!tpu.dma_semaphore, #tpu.memory_space<semaphore_mem>>) attributes {dimension_semantics = [#tpu.dimension_semantics<core_parallel>, #tpu.dimension_semantics<subcore_parallel>], iteration_bounds = array<i64: 2, 16>, scalar_prefetch = 0 : i64, scratch_operands = 28 : i64, tpu.core_type = #tpu.core_type<sc_vector_subcore>, window_params = [{transform_indices = #map}, {transform_indices = #map}, {transform_indices = #map}, {transform_indices = #map}, {transform_indices = #map}, {transform_indices = #map}, {transform_indices = #map}, {transform_indices = #map}]} {
    %mul3A = arith.constant 16 : i32
    %mul3A_0 = arith.muli %arg0, %mul3A : i32
    %add3A = arith.addi %mul3A_0, %arg1 : i32
    %mul3A_1 = arith.constant 3136 : i32
    %mul3A_2 = arith.muli %add3A, %mul3A_1 : i32
    %mul3A_3 = arith.constant 6272 : i32
    %mul3A_4 = arith.muli %arg1, %mul3A_3 : i32
    "tpu.region"() ({
      %run_scoped3A = tpu.sem_alloc : memref<!tpu.dma_semaphore, #tpu.memory_space<semaphore_mem>>
      %dma_start3A_58 = tpu.memref_slice %arg29[%mul3A_4] : memref<100352xf32, #tpu.memory_space<vmem_shared>> -> memref<6272xf32, #tpu.memory_space<vmem_shared>>
      %dma_start3A_59 = tpu.memref_slice %arg2[%mul3A_4] : memref<100352xf32, #tpu.memory_space<hbm>> -> memref<6272xf32, #tpu.memory_space<hbm>>
      tpu.enqueue_dma source(%dma_start3A_59 : memref<6272xf32, #tpu.memory_space<hbm>>) target(%dma_start3A_58 : memref<6272xf32, #tpu.memory_space<vmem_shared>>) target_semaphore(%run_scoped3A : memref<!tpu.dma_semaphore, #tpu.memory_space<semaphore_mem>>)
      %dma_wait3A_60 = tpu.memref_slice %arg29[%mul3A_4] : memref<100352xf32, #tpu.memory_space<vmem_shared>> -> memref<6272xf32, #tpu.memory_space<vmem_shared>>
      %dma_wait3A_61 = tpu.memref_slice %arg2[%mul3A_4] : memref<100352xf32, #tpu.memory_space<hbm>> -> memref<6272xf32, #tpu.memory_space<hbm>>
      tpu.wait_dma2 semaphore(%run_scoped3A : memref<!tpu.dma_semaphore, #tpu.memory_space<semaphore_mem>>) src(%dma_wait3A_61 : memref<6272xf32, #tpu.memory_space<hbm>>) dst(%dma_wait3A_60 : memref<6272xf32, #tpu.memory_space<vmem_shared>>)
      tpu.yield
    }) : () -> ()
    "tpu.region"() ({
      %run_scoped3A = tpu.sem_alloc : memref<!tpu.dma_semaphore, #tpu.memory_space<semaphore_mem>>
      %dma_start3A_58 = tpu.memref_slice %arg30[%mul3A_4] : memref<100352xf32, #tpu.memory_space<vmem_shared>> -> memref<6272xf32, #tpu.memory_space<vmem_shared>>
      %dma_start3A_59 = tpu.memref_slice %arg3[%mul3A_4] : memref<100352xf32, #tpu.memory_space<hbm>> -> memref<6272xf32, #tpu.memory_space<hbm>>
      tpu.enqueue_dma source(%dma_start3A_59 : memref<6272xf32, #tpu.memory_space<hbm>>) target(%dma_start3A_58 : memref<6272xf32, #tpu.memory_space<vmem_shared>>) target_semaphore(%run_scoped3A : memref<!tpu.dma_semaphore, #tpu.memory_space<semaphore_mem>>)
      %dma_wait3A_60 = tpu.memref_slice %arg30[%mul3A_4] : memref<100352xf32, #tpu.memory_space<vmem_shared>> -> memref<6272xf32, #tpu.memory_space<vmem_shared>>
      %dma_wait3A_61 = tpu.memref_slice %arg3[%mul3A_4] : memref<100352xf32, #tpu.memory_space<hbm>> -> memref<6272xf32, #tpu.memory_space<hbm>>
      tpu.wait_dma2 semaphore(%run_scoped3A : memref<!tpu.dma_semaphore, #tpu.memory_space<semaphore_mem>>) src(%dma_wait3A_61 : memref<6272xf32, #tpu.memory_space<hbm>>) dst(%dma_wait3A_60 : memref<6272xf32, #tpu.memory_space<vmem_shared>>)
      tpu.yield
    }) : () -> ()
    "tpu.region"() ({
      %run_scoped3A = tpu.sem_alloc : memref<!tpu.dma_semaphore, #tpu.memory_space<semaphore_mem>>
      %dma_start3A_58 = tpu.memref_slice %arg31[%mul3A_4] : memref<100352xf32, #tpu.memory_space<vmem_shared>> -> memref<6272xf32, #tpu.memory_space<vmem_shared>>
      %dma_start3A_59 = tpu.memref_slice %arg4[%mul3A_4] : memref<100352xf32, #tpu.memory_space<hbm>> -> memref<6272xf32, #tpu.memory_space<hbm>>
      tpu.enqueue_dma source(%dma_start3A_59 : memref<6272xf32, #tpu.memory_space<hbm>>) target(%dma_start3A_58 : memref<6272xf32, #tpu.memory_space<vmem_shared>>) target_semaphore(%run_scoped3A : memref<!tpu.dma_semaphore, #tpu.memory_space<semaphore_mem>>)
      %dma_wait3A_60 = tpu.memref_slice %arg31[%mul3A_4] : memref<100352xf32, #tpu.memory_space<vmem_shared>> -> memref<6272xf32, #tpu.memory_space<vmem_shared>>
      %dma_wait3A_61 = tpu.memref_slice %arg4[%mul3A_4] : memref<100352xf32, #tpu.memory_space<hbm>> -> memref<6272xf32, #tpu.memory_space<hbm>>
      tpu.wait_dma2 semaphore(%run_scoped3A : memref<!tpu.dma_semaphore, #tpu.memory_space<semaphore_mem>>) src(%dma_wait3A_61 : memref<6272xf32, #tpu.memory_space<hbm>>) dst(%dma_wait3A_60 : memref<6272xf32, #tpu.memory_space<vmem_shared>>)
      tpu.yield
    }) : () -> ()
    %broadcast_in_dim3A = arith.constant 0.000000e+00 : f32
    %broadcast_in_dim3A_5 = vector.broadcast %broadcast_in_dim3A : f32 to vector<16xf32>
    %scan3A = arith.constant 0 : i32
    %scan3A_6 = arith.constant 0 : i32
    %scan3A_7 = arith.constant 392 : i32
    %scan3A_8 = arith.addi %scan3A_6, %scan3A_7 : i32
    %scan3A_9 = arith.constant 1 : i32
    scf.for %scan3A_58 = %scan3A_6 to %scan3A_8 step %scan3A_9  : i32 {
      %mul3A_59 = arith.constant 16 : i32
      %mul3A_60 = arith.muli %scan3A_58, %mul3A_59 : i32
      %swap3A_61 = arith.index_cast %mul3A_60 : i32 to index
      %swap3A_62 = tpu.vector_load %arg27[%swap3A_61] {strides = array<i32>} : memref<6272xf32, #tpu.memory_space<vmem>>, vector<16xf32>,
      %swap3A_63 = vector.shape_cast %swap3A_62 : vector<16xf32> to vector<16xf32>
      %swap3A_64 = vector.shape_cast %broadcast_in_dim3A_5 : vector<16xf32> to vector<16xf32>
      tpu.vector_store %arg27[%swap3A_61], %swap3A_64 {strides = array<i32>} : memref<6272xf32, #tpu.memory_space<vmem>>, vector<16xf32>,
    }
    %scan3A_10 = arith.constant 392 : i32
    "tpu.region"() ({
      %run_scoped3A = tpu.sem_alloc : memref<!tpu.dma_semaphore, #tpu.memory_space<semaphore_mem>>
      %dma_start3A_58 = tpu.memref_slice %arg32[%mul3A_4] : memref<100352xf32, #tpu.memory_space<vmem_shared>> -> memref<6272xf32, #tpu.memory_space<vmem_shared>>
      %dma_start3A_59 = tpu.memref_slice %arg32[%mul3A_4] : memref<100352xf32, #tpu.memory_space<vmem_shared>> -> memref<6272xf32, #tpu.memory_space<vmem_shared>>
      tpu.enqueue_dma source(%arg27 : memref<6272xf32, #tpu.memory_space<vmem>>) target(%dma_start3A_59 : memref<6272xf32, #tpu.memory_space<vmem_shared>>) target_semaphore(%run_scoped3A : memref<!tpu.dma_semaphore, #tpu.memory_space<semaphore_mem>>)
      %dma_wait3A_60 = tpu.memref_slice %arg32[%mul3A_4] : memref<100352xf32, #tpu.memory_space<vmem_shared>> -> memref<6272xf32, #tpu.memory_space<vmem_shared>>
      %dma_wait3A_61 = tpu.memref_slice %arg32[%mul3A_4] : memref<100352xf32, #tpu.memory_space<vmem_shared>> -> memref<6272xf32, #tpu.memory_space<vmem_shared>>
      tpu.wait_dma2 semaphore(%run_scoped3A : memref<!tpu.dma_semaphore, #tpu.memory_space<semaphore_mem>>) src(%arg27 : memref<6272xf32, #tpu.memory_space<vmem>>) dst(%dma_wait3A_61 : memref<6272xf32, #tpu.memory_space<vmem_shared>>)
      tpu.yield
    }) : () -> ()
    "tpu.region"() ({
      %run_scoped3A = tpu.sem_alloc : memref<!tpu.dma_semaphore, #tpu.memory_space<semaphore_mem>>
      %dma_start3A_58 = tpu.memref_slice %arg33[%mul3A_4] : memref<100352xf32, #tpu.memory_space<vmem_shared>> -> memref<6272xf32, #tpu.memory_space<vmem_shared>>
      %dma_start3A_59 = tpu.memref_slice %arg33[%mul3A_4] : memref<100352xf32, #tpu.memory_space<vmem_shared>> -> memref<6272xf32, #tpu.memory_space<vmem_shared>>
      tpu.enqueue_dma source(%arg27 : memref<6272xf32, #tpu.memory_space<vmem>>) target(%dma_start3A_59 : memref<6272xf32, #tpu.memory_space<vmem_shared>>) target_semaphore(%run_scoped3A : memref<!tpu.dma_semaphore, #tpu.memory_space<semaphore_mem>>)
      %dma_wait3A_60 = tpu.memref_slice %arg33[%mul3A_4] : memref<100352xf32, #tpu.memory_space<vmem_shared>> -> memref<6272xf32, #tpu.memory_space<vmem_shared>>
      %dma_wait3A_61 = tpu.memref_slice %arg33[%mul3A_4] : memref<100352xf32, #tpu.memory_space<vmem_shared>> -> memref<6272xf32, #tpu.memory_space<vmem_shared>>
      tpu.wait_dma2 semaphore(%run_scoped3A : memref<!tpu.dma_semaphore, #tpu.memory_space<semaphore_mem>>) src(%arg27 : memref<6272xf32, #tpu.memory_space<vmem>>) dst(%dma_wait3A_61 : memref<6272xf32, #tpu.memory_space<vmem_shared>>)
      tpu.yield
    }) : () -> ()
    "tpu.region"() ({
      %run_scoped3A = tpu.sem_alloc : memref<!tpu.dma_semaphore, #tpu.memory_space<semaphore_mem>>
      %dma_start3A_58 = tpu.memref_slice %arg34[%mul3A_4] : memref<100352xf32, #tpu.memory_space<vmem_shared>> -> memref<6272xf32, #tpu.memory_space<vmem_shared>>
      %dma_start3A_59 = tpu.memref_slice %arg34[%mul3A_4] : memref<100352xf32, #tpu.memory_space<vmem_shared>> -> memref<6272xf32, #tpu.memory_space<vmem_shared>>
      tpu.enqueue_dma source(%arg27 : memref<6272xf32, #tpu.memory_space<vmem>>) target(%dma_start3A_59 : memref<6272xf32, #tpu.memory_space<vmem_shared>>) target_semaphore(%run_scoped3A : memref<!tpu.dma_semaphore, #tpu.memory_space<semaphore_mem>>)
      %dma_wait3A_60 = tpu.memref_slice %arg34[%mul3A_4] : memref<100352xf32, #tpu.memory_space<vmem_shared>> -> memref<6272xf32, #tpu.memory_space<vmem_shared>>
      %dma_wait3A_61 = tpu.memref_slice %arg34[%mul3A_4] : memref<100352xf32, #tpu.memory_space<vmem_shared>> -> memref<6272xf32, #tpu.memory_space<vmem_shared>>
      tpu.wait_dma2 semaphore(%run_scoped3A : memref<!tpu.dma_semaphore, #tpu.memory_space<semaphore_mem>>) src(%arg27 : memref<6272xf32, #tpu.memory_space<vmem>>) dst(%dma_wait3A_61 : memref<6272xf32, #tpu.memory_space<vmem_shared>>)
      tpu.yield
    }) : () -> ()
    %barrier3A = arith.constant 0 : index
    tpu.barrier barrier_id(%barrier3A)
    %iota3A = tpu.iota {dimensions = array<i32: 0>} : vector<16xi32>
    %swap3A = arith.constant 0 : index
    %swap3A_11 = tpu.vector_load %arg28[%swap3A] {strides = array<i32>} : memref<16xf32, #tpu.memory_space<vmem>>, vector<16xf32>,
    %swap3A_12 = vector.shape_cast %swap3A_11 : vector<16xf32> to vector<16xf32>
    %swap3A_13 = vector.shape_cast %broadcast_in_dim3A_5 : vector<16xf32> to vector<16xf32>
    tpu.vector_store %arg28[%swap3A], %swap3A_13 {strides = array<i32>} : memref<16xf32, #tpu.memory_space<vmem>>, vector<16xf32>,
    %mul3A_14 = arith.constant 49 : i32
    %mul3A_15 = arith.muli %add3A, %mul3A_14 : i32
    %add3A_16 = arith.constant 0 : i32
    %add3A_17 = arith.addi %mul3A_15, %add3A_16 : i32
    %mul3A_18 = arith.constant 256 : i32
    %mul3A_19 = arith.muli %add3A_17, %mul3A_18 : i32
    "tpu.region"() ({
      %run_scoped3A = tpu.sem_alloc : memref<!tpu.dma_semaphore, #tpu.memory_space<semaphore_mem>>
      %dma_start3A_58 = tpu.memref_slice %arg5[%mul3A_19] : memref<401408xf32, #tpu.memory_space<hbm>> -> memref<256xf32, #tpu.memory_space<hbm>>
      %dma_start3A_59 = tpu.memref_slice %arg5[%mul3A_19] : memref<401408xf32, #tpu.memory_space<hbm>> -> memref<256xf32, #tpu.memory_space<hbm>>
      tpu.enqueue_dma source(%dma_start3A_59 : memref<256xf32, #tpu.memory_space<hbm>>) target(%arg18 : memref<256xf32, #tpu.memory_space<vmem>>) target_semaphore(%run_scoped3A : memref<!tpu.dma_semaphore, #tpu.memory_space<semaphore_mem>>)
      %dma_wait3A_60 = tpu.memref_slice %arg5[%mul3A_19] : memref<401408xf32, #tpu.memory_space<hbm>> -> memref<256xf32, #tpu.memory_space<hbm>>
      %dma_wait3A_61 = tpu.memref_slice %arg5[%mul3A_19] : memref<401408xf32, #tpu.memory_space<hbm>> -> memref<256xf32, #tpu.memory_space<hbm>>
      tpu.wait_dma2 semaphore(%run_scoped3A : memref<!tpu.dma_semaphore, #tpu.memory_space<semaphore_mem>>) src(%dma_wait3A_61 : memref<256xf32, #tpu.memory_space<hbm>>) dst(%arg18 : memref<256xf32, #tpu.memory_space<vmem>>)
      tpu.yield
    }) : () -> ()
    %mul3A_20 = arith.constant 49 : i32
    %mul3A_21 = arith.muli %add3A, %mul3A_20 : i32
    %add3A_22 = arith.constant 0 : i32
    %add3A_23 = arith.addi %mul3A_21, %add3A_22 : i32
    %mul3A_24 = arith.constant 4096 : i32
    %mul3A_25 = arith.muli %add3A_23, %mul3A_24 : i32
    "tpu.region"() ({
      %run_scoped3A = tpu.sem_alloc : memref<!tpu.dma_semaphore, #tpu.memory_space<semaphore_mem>>
      %dma_start3A_58 = tpu.memref_slice %arg6[%mul3A_25] : memref<6422528xi32, #tpu.memory_space<hbm>> -> memref<4096xi32, #tpu.memory_space<hbm>>
      %dma_start3A_59 = tpu.memref_slice %arg6[%mul3A_25] : memref<6422528xi32, #tpu.memory_space<hbm>> -> memref<4096xi32, #tpu.memory_space<hbm>>
      tpu.enqueue_dma source(%dma_start3A_59 : memref<4096xi32, #tpu.memory_space<hbm>>) target(%arg10 : memref<4096xi32, #tpu.memory_space<vmem>>) target_semaphore(%run_scoped3A : memref<!tpu.dma_semaphore, #tpu.memory_space<semaphore_mem>>)
      %dma_wait3A_60 = tpu.memref_slice %arg6[%mul3A_25] : memref<6422528xi32, #tpu.memory_space<hbm>> -> memref<4096xi32, #tpu.memory_space<hbm>>
      %dma_wait3A_61 = tpu.memref_slice %arg6[%mul3A_25] : memref<6422528xi32, #tpu.memory_space<hbm>> -> memref<4096xi32, #tpu.memory_space<hbm>>
      tpu.wait_dma2 semaphore(%run_scoped3A : memref<!tpu.dma_semaphore, #tpu.memory_space<semaphore_mem>>) src(%dma_wait3A_61 : memref<4096xi32, #tpu.memory_space<hbm>>) dst(%arg10 : memref<4096xi32, #tpu.memory_space<vmem>>)
      tpu.yield
    }) : () -> ()
    %dma_start3A = arith.constant 0 : i32
    %dma_start3A_26 = tpu.memref_slice %arg29[%dma_start3A] : memref<100352xf32, #tpu.memory_space<vmem_shared>> -> memref<100352xf32, #tpu.memory_space<vmem_shared>>
    tpu.enqueue_indirect_dma source(%dma_start3A_26 : memref<100352xf32, #tpu.memory_space<vmem_shared>>) target(%arg12 : memref<4096xf32, #tpu.memory_space<vmem>>) offsets(%arg10 : memref<4096xi32, #tpu.memory_space<vmem>>) semaphore(%arg35 : memref<!tpu.dma_semaphore, #tpu.memory_space<semaphore_mem>>)
    %dma_start3A_27 = arith.constant 0 : i32
    %dma_start3A_28 = tpu.memref_slice %arg30[%dma_start3A_27] : memref<100352xf32, #tpu.memory_space<vmem_shared>> -> memref<100352xf32, #tpu.memory_space<vmem_shared>>
    tpu.enqueue_indirect_dma source(%dma_start3A_28 : memref<100352xf32, #tpu.memory_space<vmem_shared>>) target(%arg13 : memref<4096xf32, #tpu.memory_space<vmem>>) offsets(%arg10 : memref<4096xi32, #tpu.memory_space<vmem>>) semaphore(%arg35 : memref<!tpu.dma_semaphore, #tpu.memory_space<semaphore_mem>>)
    %dma_start3A_29 = arith.constant 0 : i32
    %dma_start3A_30 = tpu.memref_slice %arg31[%dma_start3A_29] : memref<100352xf32, #tpu.memory_space<vmem_shared>> -> memref<100352xf32, #tpu.memory_space<vmem_shared>>
    tpu.enqueue_indirect_dma source(%dma_start3A_30 : memref<100352xf32, #tpu.memory_space<vmem_shared>>) target(%arg14 : memref<4096xf32, #tpu.memory_space<vmem>>) offsets(%arg10 : memref<4096xi32, #tpu.memory_space<vmem>>) semaphore(%arg35 : memref<!tpu.dma_semaphore, #tpu.memory_space<semaphore_mem>>)
    %scan3A_31 = arith.constant 0 : i32
    %scan3A_32 = arith.constant 0 : i32
    %scan3A_33 = arith.constant 25 : i32
    %scan3A_34 = arith.addi %scan3A_32, %scan3A_33 : i32
    %scan3A_35 = arith.constant 1 : i32
    scf.for %scan3A_58 = %scan3A_32 to %scan3A_34 step %scan3A_35  : i32 {
      %mul3A_59 = arith.constant 2 : i32
      %mul3A_60 = arith.muli %mul3A_59, %scan3A_58 : i32
      %add3A_61 = arith.constant 1 : i32
      %add3A_62 = arith.addi %mul3A_60, %add3A_61 : i32
      %lt3A = arith.constant 49 : i32
      %lt3A_63 = arith.cmpi slt, %add3A_62, %lt3A : i32
      %convert_element_type3A = arith.extui %lt3A_63 : i1 to i32
      %cond3A = arith.constant 0 : i32
      %cond3A_64 = arith.cmpi ne, %convert_element_type3A, %cond3A : i32
      scf.if %cond3A_64 {
        %mul3A_233 = arith.constant 49 : i32
        %mul3A_234 = arith.muli %add3A, %mul3A_233 : i32
        %add3A_235 = arith.addi %mul3A_234, %add3A_62 : i32
        %mul3A_236 = arith.constant 256 : i32
        %mul3A_237 = arith.muli %add3A_235, %mul3A_236 : i32
        "tpu.region"() ({
          %run_scoped3A = tpu.sem_alloc : memref<!tpu.dma_semaphore, #tpu.memory_space<semaphore_mem>>
          %dma_start3A_249 = tpu.memref_slice %arg5[%mul3A_237] : memref<401408xf32, #tpu.memory_space<hbm>> -> memref<256xf32, #tpu.memory_space<hbm>>
          %dma_start3A_250 = tpu.memref_slice %arg5[%mul3A_237] : memref<401408xf32, #tpu.memory_space<hbm>> -> memref<256xf32, #tpu.memory_space<hbm>>
          tpu.enqueue_dma source(%dma_start3A_250 : memref<256xf32, #tpu.memory_space<hbm>>) target(%arg19 : memref<256xf32, #tpu.memory_space<vmem>>) target_semaphore(%run_scoped3A : memref<!tpu.dma_semaphore, #tpu.memory_space<semaphore_mem>>)
          %dma_wait3A_251 = tpu.memref_slice %arg5[%mul3A_237] : memref<401408xf32, #tpu.memory_space<hbm>> -> memref<256xf32, #tpu.memory_space<hbm>>
          %dma_wait3A_252 = tpu.memref_slice %arg5[%mul3A_237] : memref<401408xf32, #tpu.memory_space<hbm>> -> memref<256xf32, #tpu.memory_space<hbm>>
          tpu.wait_dma2 semaphore(%run_scoped3A : memref<!tpu.dma_semaphore, #tpu.memory_space<semaphore_mem>>) src(%dma_wait3A_252 : memref<256xf32, #tpu.memory_space<hbm>>) dst(%arg19 : memref<256xf32, #tpu.memory_space<vmem>>)
          tpu.yield
        }) : () -> ()
        %mul3A_238 = arith.constant 49 : i32
        %mul3A_239 = arith.muli %add3A, %mul3A_238 : i32
        %add3A_240 = arith.addi %mul3A_239, %add3A_62 : i32
        %mul3A_241 = arith.constant 4096 : i32
        %mul3A_242 = arith.muli %add3A_240, %mul3A_241 : i32
        "tpu.region"() ({
          %run_scoped3A = tpu.sem_alloc : memref<!tpu.dma_semaphore, #tpu.memory_space<semaphore_mem>>
          %dma_start3A_249 = tpu.memref_slice %arg6[%mul3A_242] : memref<6422528xi32, #tpu.memory_space<hbm>> -> memref<4096xi32, #tpu.memory_space<hbm>>
          %dma_start3A_250 = tpu.memref_slice %arg6[%mul3A_242] : memref<6422528xi32, #tpu.memory_space<hbm>> -> memref<4096xi32, #tpu.memory_space<hbm>>
          tpu.enqueue_dma source(%dma_start3A_250 : memref<4096xi32, #tpu.memory_space<hbm>>) target(%arg11 : memref<4096xi32, #tpu.memory_space<vmem>>) target_semaphore(%run_scoped3A : memref<!tpu.dma_semaphore, #tpu.memory_space<semaphore_mem>>)
          %dma_wait3A_251 = tpu.memref_slice %arg6[%mul3A_242] : memref<6422528xi32, #tpu.memory_space<hbm>> -> memref<4096xi32, #tpu.memory_space<hbm>>
          %dma_wait3A_252 = tpu.memref_slice %arg6[%mul3A_242] : memref<6422528xi32, #tpu.memory_space<hbm>> -> memref<4096xi32, #tpu.memory_space<hbm>>
          tpu.wait_dma2 semaphore(%run_scoped3A : memref<!tpu.dma_semaphore, #tpu.memory_space<semaphore_mem>>) src(%dma_wait3A_252 : memref<4096xi32, #tpu.memory_space<hbm>>) dst(%arg11 : memref<4096xi32, #tpu.memory_space<vmem>>)
          tpu.yield
        }) : () -> ()
        %dma_start3A_243 = arith.constant 0 : i32
        %dma_start3A_244 = tpu.memref_slice %arg29[%dma_start3A_243] : memref<100352xf32, #tpu.memory_space<vmem_shared>> -> memref<100352xf32, #tpu.memory_space<vmem_shared>>
        tpu.enqueue_indirect_dma source(%dma_start3A_244 : memref<100352xf32, #tpu.memory_space<vmem_shared>>) target(%arg15 : memref<4096xf32, #tpu.memory_space<vmem>>) offsets(%arg11 : memref<4096xi32, #tpu.memory_space<vmem>>) semaphore(%arg36 : memref<!tpu.dma_semaphore, #tpu.memory_space<semaphore_mem>>)
        %dma_start3A_245 = arith.constant 0 : i32
        %dma_start3A_246 = tpu.memref_slice %arg30[%dma_start3A_245] : memref<100352xf32, #tpu.memory_space<vmem_shared>> -> memref<100352xf32, #tpu.memory_space<vmem_shared>>
        tpu.enqueue_indirect_dma source(%dma_start3A_246 : memref<100352xf32, #tpu.memory_space<vmem_shared>>) target(%arg16 : memref<4096xf32, #tpu.memory_space<vmem>>) offsets(%arg11 : memref<4096xi32, #tpu.memory_space<vmem>>) semaphore(%arg36 : memref<!tpu.dma_semaphore, #tpu.memory_space<semaphore_mem>>)
        %dma_start3A_247 = arith.constant 0 : i32
        %dma_start3A_248 = tpu.memref_slice %arg31[%dma_start3A_247] : memref<100352xf32, #tpu.memory_space<vmem_shared>> -> memref<100352xf32, #tpu.memory_space<vmem_shared>>
        tpu.enqueue_indirect_dma source(%dma_start3A_248 : memref<100352xf32, #tpu.memory_space<vmem_shared>>) target(%arg17 : memref<4096xf32, #tpu.memory_space<vmem>>) offsets(%arg11 : memref<4096xi32, #tpu.memory_space<vmem>>) semaphore(%arg36 : memref<!tpu.dma_semaphore, #tpu.memory_space<semaphore_mem>>)
      } else {
      }
      %gt3A = arith.constant 0 : i32
      %gt3A_65 = arith.cmpi sgt, %mul3A_60, %gt3A : i32
      %convert_element_type3A_66 = arith.extui %gt3A_65 : i1 to i32
      %cond3A_67 = arith.constant 0 : i32
      %cond3A_68 = arith.cmpi ne, %convert_element_type3A_66, %cond3A_67 : i32
      scf.if %cond3A_68 {
        %dma_wait3A_233 = arith.constant 0 : i32
        %dma_wait3A_234 = tpu.memref_slice %arg32[%dma_wait3A_233] : memref<100352xf32, #tpu.memory_space<vmem_shared>> -> memref<100352xf32, #tpu.memory_space<vmem_shared>>
        tpu.wait_indirect_dma semaphore(%arg37 : memref<!tpu.dma_semaphore, #tpu.memory_space<semaphore_mem>>) src(%arg20 : memref<4096xf32, #tpu.memory_space<vmem>>) dst(%dma_wait3A_234 : memref<100352xf32, #tpu.memory_space<vmem_shared>>)
        %dma_wait3A_235 = arith.constant 0 : i32
        %dma_wait3A_236 = tpu.memref_slice %arg33[%dma_wait3A_235] : memref<100352xf32, #tpu.memory_space<vmem_shared>> -> memref<100352xf32, #tpu.memory_space<vmem_shared>>
        tpu.wait_indirect_dma semaphore(%arg37 : memref<!tpu.dma_semaphore, #tpu.memory_space<semaphore_mem>>) src(%arg21 : memref<4096xf32, #tpu.memory_space<vmem>>) dst(%dma_wait3A_236 : memref<100352xf32, #tpu.memory_space<vmem_shared>>)
        %dma_wait3A_237 = arith.constant 0 : i32
        %dma_wait3A_238 = tpu.memref_slice %arg34[%dma_wait3A_237] : memref<100352xf32, #tpu.memory_space<vmem_shared>> -> memref<100352xf32, #tpu.memory_space<vmem_shared>>
        tpu.wait_indirect_dma semaphore(%arg37 : memref<!tpu.dma_semaphore, #tpu.memory_space<semaphore_mem>>) src(%arg22 : memref<4096xf32, #tpu.memory_space<vmem>>) dst(%dma_wait3A_238 : memref<100352xf32, #tpu.memory_space<vmem_shared>>)
      } else {
      }
      %dma_wait3A_69 = arith.constant 0 : i32
      %dma_wait3A_70 = tpu.memref_slice %arg29[%dma_wait3A_69] : memref<100352xf32, #tpu.memory_space<vmem_shared>> -> memref<100352xf32, #tpu.memory_space<vmem_shared>>
      tpu.wait_indirect_dma semaphore(%arg35 : memref<!tpu.dma_semaphore, #tpu.memory_space<semaphore_mem>>) src(%dma_wait3A_70 : memref<100352xf32, #tpu.memory_space<vmem_shared>>) dst(%arg12 : memref<4096xf32, #tpu.memory_space<vmem>>)
      %dma_wait3A_71 = arith.constant 0 : i32
      %dma_wait3A_72 = tpu.memref_slice %arg30[%dma_wait3A_71] : memref<100352xf32, #tpu.memory_space<vmem_shared>> -> memref<100352xf32, #tpu.memory_space<vmem_shared>>
      tpu.wait_indirect_dma semaphore(%arg35 : memref<!tpu.dma_semaphore, #tpu.memory_space<semaphore_mem>>) src(%dma_wait3A_72 : memref<100352xf32, #tpu.memory_space<vmem_shared>>) dst(%arg13 : memref<4096xf32, #tpu.memory_space<vmem>>)
      %dma_wait3A_73 = arith.constant 0 : i32
      %dma_wait3A_74 = tpu.memref_slice %arg31[%dma_wait3A_73] : memref<100352xf32, #tpu.memory_space<vmem_shared>> -> memref<100352xf32, #tpu.memory_space<vmem_shared>>
      tpu.wait_indirect_dma semaphore(%arg35 : memref<!tpu.dma_semaphore, #tpu.memory_space<semaphore_mem>>) src(%dma_wait3A_74 : memref<100352xf32, #tpu.memory_space<vmem_shared>>) dst(%arg14 : memref<4096xf32, #tpu.memory_space<vmem>>)
      %mul3A_75 = arith.constant 64 : i32
      %mul3A_76 = arith.muli %mul3A_60, %mul3A_75 : i32
      %add3A_77 = arith.addi %mul3A_2, %mul3A_76 : i32
      %get3A = arith.constant 0 : index
      %get3A_78 = tpu.vector_load %arg18[%get3A] {strides = array<i32>} : memref<256xf32, #tpu.memory_space<vmem>>, vector<16xf32>,
      %get3A_79 = vector.shape_cast %get3A_78 : vector<16xf32> to vector<16xf32>
      %get3A_80 = arith.constant 16 : index
      %get3A_81 = tpu.vector_load %arg18[%get3A_80] {strides = array<i32>} : memref<256xf32, #tpu.memory_space<vmem>>, vector<16xf32>,
      %get3A_82 = vector.shape_cast %get3A_81 : vector<16xf32> to vector<16xf32>
      %get3A_83 = arith.constant 32 : index
      %get3A_84 = tpu.vector_load %arg18[%get3A_83] {strides = array<i32>} : memref<256xf32, #tpu.memory_space<vmem>>, vector<16xf32>,
      %get3A_85 = vector.shape_cast %get3A_84 : vector<16xf32> to vector<16xf32>
      %get3A_86 = arith.constant 48 : index
      %get3A_87 = tpu.vector_load %arg18[%get3A_86] {strides = array<i32>} : memref<256xf32, #tpu.memory_space<vmem>>, vector<16xf32>,
      %get3A_88 = vector.shape_cast %get3A_87 : vector<16xf32> to vector<16xf32>
      %get3A_89 = arith.constant 64 : index
      %get3A_90 = tpu.vector_load %arg18[%get3A_89] {strides = array<i32>} : memref<256xf32, #tpu.memory_space<vmem>>, vector<16xf32>,
      %get3A_91 = vector.shape_cast %get3A_90 : vector<16xf32> to vector<16xf32>
      %get3A_92 = arith.constant 80 : index
      %get3A_93 = tpu.vector_load %arg18[%get3A_92] {strides = array<i32>} : memref<256xf32, #tpu.memory_space<vmem>>, vector<16xf32>,
      %get3A_94 = vector.shape_cast %get3A_93 : vector<16xf32> to vector<16xf32>
      %get3A_95 = arith.constant 96 : index
      %get3A_96 = tpu.vector_load %arg18[%get3A_95] {strides = array<i32>} : memref<256xf32, #tpu.memory_space<vmem>>, vector<16xf32>,
      %get3A_97 = vector.shape_cast %get3A_96 : vector<16xf32> to vector<16xf32>
      %get3A_98 = arith.constant 112 : index
      %get3A_99 = tpu.vector_load %arg18[%get3A_98] {strides = array<i32>} : memref<256xf32, #tpu.memory_space<vmem>>, vector<16xf32>,
      %get3A_100 = vector.shape_cast %get3A_99 : vector<16xf32> to vector<16xf32>
      %get3A_101 = arith.constant 128 : index
      %get3A_102 = tpu.vector_load %arg18[%get3A_101] {strides = array<i32>} : memref<256xf32, #tpu.memory_space<vmem>>, vector<16xf32>,
      %get3A_103 = vector.shape_cast %get3A_102 : vector<16xf32> to vector<16xf32>
      %get3A_104 = arith.constant 144 : index
      %get3A_105 = tpu.vector_load %arg18[%get3A_104] {strides = array<i32>} : memref<256xf32, #tpu.memory_space<vmem>>, vector<16xf32>,
      %get3A_106 = vector.shape_cast %get3A_105 : vector<16xf32> to vector<16xf32>
      %get3A_107 = arith.constant 160 : index
      %get3A_108 = tpu.vector_load %arg18[%get3A_107] {strides = array<i32>} : memref<256xf32, #tpu.memory_space<vmem>>, vector<16xf32>,
      %get3A_109 = vector.shape_cast %get3A_108 : vector<16xf32> to vector<16xf32>
      %get3A_110 = arith.constant 176 : index
      %get3A_111 = tpu.vector_load %arg18[%get3A_110] {strides = array<i32>} : memref<256xf32, #tpu.memory_space<vmem>>, vector<16xf32>,
      %get3A_112 = vector.shape_cast %get3A_111 : vector<16xf32> to vector<16xf32>
      %get3A_113 = arith.constant 192 : index
      %get3A_114 = tpu.vector_load %arg18[%get3A_113] {strides = array<i32>} : memref<256xf32, #tpu.memory_space<vmem>>, vector<16xf32>,
      %get3A_115 = vector.shape_cast %get3A_114 : vector<16xf32> to vector<16xf32>
      %get3A_116 = arith.constant 208 : index
      %get3A_117 = tpu.vector_load %arg18[%get3A_116] {strides = array<i32>} : memref<256xf32, #tpu.memory_space<vmem>>, vector<16xf32>,
      %get3A_118 = vector.shape_cast %get3A_117 : vector<16xf32> to vector<16xf32>
      %get3A_119 = arith.constant 224 : index
      %get3A_120 = tpu.vector_load %arg18[%get3A_119] {strides = array<i32>} : memref<256xf32, #tpu.memory_space<vmem>>, vector<16xf32>,
      %get3A_121 = vector.shape_cast %get3A_120 : vector<16xf32> to vector<16xf32>
      %get3A_122 = arith.constant 240 : index
      %get3A_123 = tpu.vector_load %arg18[%get3A_122] {strides = array<i32>} : memref<256xf32, #tpu.memory_space<vmem>>, vector<16xf32>,
      %get3A_124 = vector.shape_cast %get3A_123 : vector<16xf32> to vector<16xf32>
      %add3A_125 = arith.constant 0 : i32
      %add3A_126 = arith.addi %add3A_77, %add3A_125 : i32
      %add3A_127 = vector.broadcast %add3A_126 : i32 to vector<16xi32>
      %add3A_128 = arith.addi %add3A_127, %iota3A : vector<16xi32>
      %add3A_129 = arith.constant 16 : i32
      %add3A_130 = arith.addi %add3A_77, %add3A_129 : i32
      %add3A_131 = vector.broadcast %add3A_130 : i32 to vector<16xi32>
      %add3A_132 = arith.addi %add3A_131, %iota3A : vector<16xi32>
      %add3A_133 = arith.constant 32 : i32
      %add3A_134 = arith.addi %add3A_77, %add3A_133 : i32
      %add3A_135 = vector.broadcast %add3A_134 : i32 to vector<16xi32>
      %add3A_136 = arith.addi %add3A_135, %iota3A : vector<16xi32>
      %add3A_137 = arith.constant 48 : i32
      %add3A_138 = arith.addi %add3A_77, %add3A_137 : i32
      %add3A_139 = vector.broadcast %add3A_138 : i32 to vector<16xi32>
      %add3A_140 = arith.addi %add3A_139, %iota3A : vector<16xi32>
      %scan3A_141 = arith.constant 0 : i32
      %scan3A_142 = arith.constant 64 : i32
      %scan3A_143 = arith.addi %scan3A_141, %scan3A_142 : i32
      %scan3A_144 = arith.constant 1 : i32
      %scan3A_145:16 = scf.for %scan3A_233 = %scan3A_141 to %scan3A_143 step %scan3A_144 iter_args(%scan3A_234 = %broadcast_in_dim3A_5, %scan3A_235 = %broadcast_in_dim3A_5, %scan3A_236 = %broadcast_in_dim3A_5, %scan3A_237 = %broadcast_in_dim3A_5, %scan3A_238 = %broadcast_in_dim3A_5, %scan3A_239 = %broadcast_in_dim3A_5, %scan3A_240 = %broadcast_in_dim3A_5, %scan3A_241 = %broadcast_in_dim3A_5, %scan3A_242 = %broadcast_in_dim3A_5, %scan3A_243 = %broadcast_in_dim3A_5, %scan3A_244 = %broadcast_in_dim3A_5, %scan3A_245 = %broadcast_in_dim3A_5, %scan3A_246 = %broadcast_in_dim3A_5, %scan3A_247 = %broadcast_in_dim3A_5, %scan3A_248 = %broadcast_in_dim3A_5, %scan3A_249 = %broadcast_in_dim3A_5) -> (vector<16xf32>, vector<16xf32>, vector<16xf32>, vector<16xf32>, vector<16xf32>, vector<16xf32>, vector<16xf32>, vector<16xf32>, vector<16xf32>, vector<16xf32>, vector<16xf32>, vector<16xf32>, vector<16xf32>, vector<16xf32>, vector<16xf32>, vector<16xf32>)  : i32 {
        %convert_element_type3A_250 = arith.sitofp %scan3A_233 : i32 to f32
        %mul3A_251 = arith.constant 64 : i32
        %mul3A_252 = arith.muli %scan3A_233, %mul3A_251 : i32
        %add3A_253 = arith.constant 0 : i32
        %add3A_254 = arith.addi %mul3A_252, %add3A_253 : i32
        %get3A_255 = arith.index_cast %add3A_254 : i32 to index
        %get3A_256 = tpu.vector_load %arg10[%get3A_255] {strides = array<i32>} : memref<4096xi32, #tpu.memory_space<vmem>>, vector<16xi32>,
        %get3A_257 = vector.shape_cast %get3A_256 : vector<16xi32> to vector<16xi32>
        %swap3A_258 = arith.index_cast %add3A_254 : i32 to index
        %swap3A_259 = tpu.vector_load %arg23[%swap3A_258] {strides = array<i32>} : memref<4096xi32, #tpu.memory_space<vmem>>, vector<16xi32>,
        %swap3A_260 = vector.shape_cast %swap3A_259 : vector<16xi32> to vector<16xi32>
        %swap3A_261 = vector.shape_cast %get3A_257 : vector<16xi32> to vector<16xi32>
        tpu.vector_store %arg23[%swap3A_258], %swap3A_261 {strides = array<i32>} : memref<4096xi32, #tpu.memory_space<vmem>>, vector<16xi32>,
        %get3A_262 = arith.index_cast %add3A_254 : i32 to index
        %get3A_263 = tpu.vector_load %arg12[%get3A_262] {strides = array<i32>} : memref<4096xf32, #tpu.memory_space<vmem>>, vector<16xf32>,
        %get3A_264 = vector.shape_cast %get3A_263 : vector<16xf32> to vector<16xf32>
        %sub3A = arith.subf %get3A_79, %get3A_264 : vector<16xf32>
        %get3A_265 = arith.index_cast %add3A_254 : i32 to index
        %get3A_266 = tpu.vector_load %arg13[%get3A_265] {strides = array<i32>} : memref<4096xf32, #tpu.memory_space<vmem>>, vector<16xf32>,
        %get3A_267 = vector.shape_cast %get3A_266 : vector<16xf32> to vector<16xf32>
        %sub3A_268 = arith.subf %get3A_91, %get3A_267 : vector<16xf32>
        %get3A_269 = arith.index_cast %add3A_254 : i32 to index
        %get3A_270 = tpu.vector_load %arg14[%get3A_269] {strides = array<i32>} : memref<4096xf32, #tpu.memory_space<vmem>>, vector<16xf32>,
        %get3A_271 = vector.shape_cast %get3A_270 : vector<16xf32> to vector<16xf32>
        %sub3A_272 = arith.subf %get3A_103, %get3A_271 : vector<16xf32>
        %mul3A_273 = arith.mulf %sub3A, %sub3A : vector<16xf32>
        %mul3A_274 = arith.mulf %sub3A_268, %sub3A_268 : vector<16xf32>
        %add3A_275 = arith.addf %mul3A_273, %mul3A_274 : vector<16xf32>
        %mul3A_276 = arith.mulf %sub3A_272, %sub3A_272 : vector<16xf32>
        %add3A_277 = arith.addf %add3A_275, %mul3A_276 : vector<16xf32>
        %max3A = arith.constant 9.99999974E-5 : f32
        %max3A_278 = vector.broadcast %max3A : f32 to vector<16xf32>
        %max3A_279 = arith.maximumf %add3A_277, %max3A_278 : vector<16xf32>
        %lt3A_280 = vector.broadcast %convert_element_type3A_250 : f32 to vector<16xf32>
        %lt3A_281 = arith.cmpf olt, %lt3A_280, %get3A_115 : vector<16xf32>
        %lt3A_282 = arith.constant 6.250000e+00 : f32
        %lt3A_283 = vector.broadcast %lt3A_282 : f32 to vector<16xf32>
        %lt3A_284 = arith.cmpf olt, %max3A_279, %lt3A_283 : vector<16xf32>
        %and3A = arith.andi %lt3A_281, %lt3A_284 : vector<16xi1>
        %ne3A = arith.cmpi ne, %get3A_257, %add3A_128 : vector<16xi32>
        %and3A_285 = arith.andi %and3A, %ne3A : vector<16xi1>
        %div3A = arith.constant 1.000000e+00 : f32
        %div3A_286 = vector.broadcast %div3A : f32 to vector<16xf32>
        %div3A_287 = arith.divf %div3A_286, %max3A_279 : vector<16xf32>
        %mul3A_288 = arith.mulf %div3A_287, %div3A_287 : vector<16xf32>
        %mul3A_289 = arith.mulf %mul3A_288, %div3A_287 : vector<16xf32>
        %sub3A_290 = arith.constant 1.000000e+00 : f32
        %sub3A_291 = vector.broadcast %sub3A_290 : f32 to vector<16xf32>
        %sub3A_292 = arith.subf %mul3A_289, %sub3A_291 : vector<16xf32>
        %mul3A_293 = arith.constant 4.000000e+00 : f32
        %mul3A_294 = vector.broadcast %mul3A_293 : f32 to vector<16xf32>
        %mul3A_295 = arith.mulf %mul3A_294, %mul3A_289 : vector<16xf32>
        %mul3A_296 = arith.mulf %mul3A_295, %sub3A_292 : vector<16xf32>
        %jit3A = arith.constant 0.000000e+00 : f32
        %broadcast_in_dim3A_297 = vector.broadcast %jit3A : f32 to vector<16xf32>
        %select_n3A = arith.select %and3A_285, %mul3A_296, %broadcast_in_dim3A_297 : vector<16xi1>, vector<16xf32>
        %mul3A_298 = arith.constant -2.400000e+01 : f32
        %mul3A_299 = vector.broadcast %mul3A_298 : f32 to vector<16xf32>
        %mul3A_300 = arith.mulf %mul3A_299, %div3A_287 : vector<16xf32>
        %add3A_301 = arith.addf %sub3A_292, %mul3A_289 : vector<16xf32>
        %mul3A_302 = arith.mulf %mul3A_289, %add3A_301 : vector<16xf32>
        %mul3A_303 = arith.mulf %mul3A_300, %mul3A_302 : vector<16xf32>
        %jit3A_304 = arith.constant 0.000000e+00 : f32
        %broadcast_in_dim3A_305 = vector.broadcast %jit3A_304 : f32 to vector<16xf32>
        %select_n3A_306 = arith.select %and3A_285, %mul3A_303, %broadcast_in_dim3A_305 : vector<16xi1>, vector<16xf32>
        %mul3A_307 = arith.mulf %select_n3A_306, %sub3A : vector<16xf32>
        %mul3A_308 = arith.mulf %select_n3A_306, %sub3A_268 : vector<16xf32>
        %mul3A_309 = arith.mulf %select_n3A_306, %sub3A_272 : vector<16xf32>
        %swap3A_310 = arith.index_cast %add3A_254 : i32 to index
        %swap3A_311 = tpu.vector_load %arg20[%swap3A_310] {strides = array<i32>} : memref<4096xf32, #tpu.memory_space<vmem>>, vector<16xf32>,
        %swap3A_312 = vector.shape_cast %swap3A_311 : vector<16xf32> to vector<16xf32>
        %swap3A_313 = vector.shape_cast %mul3A_307 : vector<16xf32> to vector<16xf32>
        tpu.vector_store %arg20[%swap3A_310], %swap3A_313 {strides = array<i32>} : memref<4096xf32, #tpu.memory_space<vmem>>, vector<16xf32>,
        %swap3A_314 = arith.index_cast %add3A_254 : i32 to index
        %swap3A_315 = tpu.vector_load %arg21[%swap3A_314] {strides = array<i32>} : memref<4096xf32, #tpu.memory_space<vmem>>, vector<16xf32>,
        %swap3A_316 = vector.shape_cast %swap3A_315 : vector<16xf32> to vector<16xf32>
        %swap3A_317 = vector.shape_cast %mul3A_308 : vector<16xf32> to vector<16xf32>
        tpu.vector_store %arg21[%swap3A_314], %swap3A_317 {strides = array<i32>} : memref<4096xf32, #tpu.memory_space<vmem>>, vector<16xf32>,
        %swap3A_318 = arith.index_cast %add3A_254 : i32 to index
        %swap3A_319 = tpu.vector_load %arg22[%swap3A_318] {strides = array<i32>} : memref<4096xf32, #tpu.memory_space<vmem>>, vector<16xf32>,
        %swap3A_320 = vector.shape_cast %swap3A_319 : vector<16xf32> to vector<16xf32>
        %swap3A_321 = vector.shape_cast %mul3A_309 : vector<16xf32> to vector<16xf32>
        tpu.vector_store %arg22[%swap3A_318], %swap3A_321 {strides = array<i32>} : memref<4096xf32, #tpu.memory_space<vmem>>, vector<16xf32>,
        %add3A_322 = arith.addf %scan3A_234, %select_n3A : vector<16xf32>
        %sub3A_323 = arith.subf %scan3A_238, %mul3A_307 : vector<16xf32>
        %sub3A_324 = arith.subf %scan3A_242, %mul3A_308 : vector<16xf32>
        %sub3A_325 = arith.subf %scan3A_246, %mul3A_309 : vector<16xf32>
        %mul3A_326 = arith.constant 64 : i32
        %mul3A_327 = arith.muli %scan3A_233, %mul3A_326 : i32
        %add3A_328 = arith.constant 16 : i32
        %add3A_329 = arith.addi %mul3A_327, %add3A_328 : i32
        %get3A_330 = arith.index_cast %add3A_329 : i32 to index
        %get3A_331 = tpu.vector_load %arg10[%get3A_330] {strides = array<i32>} : memref<4096xi32, #tpu.memory_space<vmem>>, vector<16xi32>,
        %get3A_332 = vector.shape_cast %get3A_331 : vector<16xi32> to vector<16xi32>
        %swap3A_333 = arith.index_cast %add3A_329 : i32 to index
        %swap3A_334 = tpu.vector_load %arg23[%swap3A_333] {strides = array<i32>} : memref<4096xi32, #tpu.memory_space<vmem>>, vector<16xi32>,
        %swap3A_335 = vector.shape_cast %swap3A_334 : vector<16xi32> to vector<16xi32>
        %swap3A_336 = vector.shape_cast %get3A_332 : vector<16xi32> to vector<16xi32>
        tpu.vector_store %arg23[%swap3A_333], %swap3A_336 {strides = array<i32>} : memref<4096xi32, #tpu.memory_space<vmem>>, vector<16xi32>,
        %get3A_337 = arith.index_cast %add3A_329 : i32 to index
        %get3A_338 = tpu.vector_load %arg12[%get3A_337] {strides = array<i32>} : memref<4096xf32, #tpu.memory_space<vmem>>, vector<16xf32>,
        %get3A_339 = vector.shape_cast %get3A_338 : vector<16xf32> to vector<16xf32>
        %sub3A_340 = arith.subf %get3A_82, %get3A_339 : vector<16xf32>
        %get3A_341 = arith.index_cast %add3A_329 : i32 to index
        %get3A_342 = tpu.vector_load %arg13[%get3A_341] {strides = array<i32>} : memref<4096xf32, #tpu.memory_space<vmem>>, vector<16xf32>,
        %get3A_343 = vector.shape_cast %get3A_342 : vector<16xf32> to vector<16xf32>
        %sub3A_344 = arith.subf %get3A_94, %get3A_343 : vector<16xf32>
        %get3A_345 = arith.index_cast %add3A_329 : i32 to index
        %get3A_346 = tpu.vector_load %arg14[%get3A_345] {strides = array<i32>} : memref<4096xf32, #tpu.memory_space<vmem>>, vector<16xf32>,
        %get3A_347 = vector.shape_cast %get3A_346 : vector<16xf32> to vector<16xf32>
        %sub3A_348 = arith.subf %get3A_106, %get3A_347 : vector<16xf32>
        %mul3A_349 = arith.mulf %sub3A_340, %sub3A_340 : vector<16xf32>
        %mul3A_350 = arith.mulf %sub3A_344, %sub3A_344 : vector<16xf32>
        %add3A_351 = arith.addf %mul3A_349, %mul3A_350 : vector<16xf32>
        %mul3A_352 = arith.mulf %sub3A_348, %sub3A_348 : vector<16xf32>
        %add3A_353 = arith.addf %add3A_351, %mul3A_352 : vector<16xf32>
        %max3A_354 = arith.constant 9.99999974E-5 : f32
        %max3A_355 = vector.broadcast %max3A_354 : f32 to vector<16xf32>
        %max3A_356 = arith.maximumf %add3A_353, %max3A_355 : vector<16xf32>
        %lt3A_357 = vector.broadcast %convert_element_type3A_250 : f32 to vector<16xf32>
        %lt3A_358 = arith.cmpf olt, %lt3A_357, %get3A_118 : vector<16xf32>
        %lt3A_359 = arith.constant 6.250000e+00 : f32
        %lt3A_360 = vector.broadcast %lt3A_359 : f32 to vector<16xf32>
        %lt3A_361 = arith.cmpf olt, %max3A_356, %lt3A_360 : vector<16xf32>
        %and3A_362 = arith.andi %lt3A_358, %lt3A_361 : vector<16xi1>
        %ne3A_363 = arith.cmpi ne, %get3A_332, %add3A_132 : vector<16xi32>
        %and3A_364 = arith.andi %and3A_362, %ne3A_363 : vector<16xi1>
        %div3A_365 = arith.constant 1.000000e+00 : f32
        %div3A_366 = vector.broadcast %div3A_365 : f32 to vector<16xf32>
        %div3A_367 = arith.divf %div3A_366, %max3A_356 : vector<16xf32>
        %mul3A_368 = arith.mulf %div3A_367, %div3A_367 : vector<16xf32>
        %mul3A_369 = arith.mulf %mul3A_368, %div3A_367 : vector<16xf32>
        %sub3A_370 = arith.constant 1.000000e+00 : f32
        %sub3A_371 = vector.broadcast %sub3A_370 : f32 to vector<16xf32>
        %sub3A_372 = arith.subf %mul3A_369, %sub3A_371 : vector<16xf32>
        %mul3A_373 = arith.constant 4.000000e+00 : f32
        %mul3A_374 = vector.broadcast %mul3A_373 : f32 to vector<16xf32>
        %mul3A_375 = arith.mulf %mul3A_374, %mul3A_369 : vector<16xf32>
        %mul3A_376 = arith.mulf %mul3A_375, %sub3A_372 : vector<16xf32>
        %jit3A_377 = arith.constant 0.000000e+00 : f32
        %broadcast_in_dim3A_378 = vector.broadcast %jit3A_377 : f32 to vector<16xf32>
        %select_n3A_379 = arith.select %and3A_364, %mul3A_376, %broadcast_in_dim3A_378 : vector<16xi1>, vector<16xf32>
        %mul3A_380 = arith.constant -2.400000e+01 : f32
        %mul3A_381 = vector.broadcast %mul3A_380 : f32 to vector<16xf32>
        %mul3A_382 = arith.mulf %mul3A_381, %div3A_367 : vector<16xf32>
        %add3A_383 = arith.addf %sub3A_372, %mul3A_369 : vector<16xf32>
        %mul3A_384 = arith.mulf %mul3A_369, %add3A_383 : vector<16xf32>
        %mul3A_385 = arith.mulf %mul3A_382, %mul3A_384 : vector<16xf32>
        %jit3A_386 = arith.constant 0.000000e+00 : f32
        %broadcast_in_dim3A_387 = vector.broadcast %jit3A_386 : f32 to vector<16xf32>
        %select_n3A_388 = arith.select %and3A_364, %mul3A_385, %broadcast_in_dim3A_387 : vector<16xi1>, vector<16xf32>
        %mul3A_389 = arith.mulf %select_n3A_388, %sub3A_340 : vector<16xf32>
        %mul3A_390 = arith.mulf %select_n3A_388, %sub3A_344 : vector<16xf32>
        %mul3A_391 = arith.mulf %select_n3A_388, %sub3A_348 : vector<16xf32>
        %swap3A_392 = arith.index_cast %add3A_329 : i32 to index
        %swap3A_393 = tpu.vector_load %arg20[%swap3A_392] {strides = array<i32>} : memref<4096xf32, #tpu.memory_space<vmem>>, vector<16xf32>,
        %swap3A_394 = vector.shape_cast %swap3A_393 : vector<16xf32> to vector<16xf32>
        %swap3A_395 = vector.shape_cast %mul3A_389 : vector<16xf32> to vector<16xf32>
        tpu.vector_store %arg20[%swap3A_392], %swap3A_395 {strides = array<i32>} : memref<4096xf32, #tpu.memory_space<vmem>>, vector<16xf32>,
        %swap3A_396 = arith.index_cast %add3A_329 : i32 to index
        %swap3A_397 = tpu.vector_load %arg21[%swap3A_396] {strides = array<i32>} : memref<4096xf32, #tpu.memory_space<vmem>>, vector<16xf32>,
        %swap3A_398 = vector.shape_cast %swap3A_397 : vector<16xf32> to vector<16xf32>
        %swap3A_399 = vector.shape_cast %mul3A_390 : vector<16xf32> to vector<16xf32>
        tpu.vector_store %arg21[%swap3A_396], %swap3A_399 {strides = array<i32>} : memref<4096xf32, #tpu.memory_space<vmem>>, vector<16xf32>,
        %swap3A_400 = arith.index_cast %add3A_329 : i32 to index
        %swap3A_401 = tpu.vector_load %arg22[%swap3A_400] {strides = array<i32>} : memref<4096xf32, #tpu.memory_space<vmem>>, vector<16xf32>,
        %swap3A_402 = vector.shape_cast %swap3A_401 : vector<16xf32> to vector<16xf32>
        %swap3A_403 = vector.shape_cast %mul3A_391 : vector<16xf32> to vector<16xf32>
        tpu.vector_store %arg22[%swap3A_400], %swap3A_403 {strides = array<i32>} : memref<4096xf32, #tpu.memory_space<vmem>>, vector<16xf32>,
        %add3A_404 = arith.addf %scan3A_235, %select_n3A_379 : vector<16xf32>
        %sub3A_405 = arith.subf %scan3A_239, %mul3A_389 : vector<16xf32>
        %sub3A_406 = arith.subf %scan3A_243, %mul3A_390 : vector<16xf32>
        %sub3A_407 = arith.subf %scan3A_247, %mul3A_391 : vector<16xf32>
        %mul3A_408 = arith.constant 64 : i32
        %mul3A_409 = arith.muli %scan3A_233, %mul3A_408 : i32
        %add3A_410 = arith.constant 32 : i32
        %add3A_411 = arith.addi %mul3A_409, %add3A_410 : i32
        %get3A_412 = arith.index_cast %add3A_411 : i32 to index
        %get3A_413 = tpu.vector_load %arg10[%get3A_412] {strides = array<i32>} : memref<4096xi32, #tpu.memory_space<vmem>>, vector<16xi32>,
        %get3A_414 = vector.shape_cast %get3A_413 : vector<16xi32> to vector<16xi32>
        %swap3A_415 = arith.index_cast %add3A_411 : i32 to index
        %swap3A_416 = tpu.vector_load %arg23[%swap3A_415] {strides = array<i32>} : memref<4096xi32, #tpu.memory_space<vmem>>, vector<16xi32>,
        %swap3A_417 = vector.shape_cast %swap3A_416 : vector<16xi32> to vector<16xi32>
        %swap3A_418 = vector.shape_cast %get3A_414 : vector<16xi32> to vector<16xi32>
        tpu.vector_store %arg23[%swap3A_415], %swap3A_418 {strides = array<i32>} : memref<4096xi32, #tpu.memory_space<vmem>>, vector<16xi32>,
        %get3A_419 = arith.index_cast %add3A_411 : i32 to index
        %get3A_420 = tpu.vector_load %arg12[%get3A_419] {strides = array<i32>} : memref<4096xf32, #tpu.memory_space<vmem>>, vector<16xf32>,
        %get3A_421 = vector.shape_cast %get3A_420 : vector<16xf32> to vector<16xf32>
        %sub3A_422 = arith.subf %get3A_85, %get3A_421 : vector<16xf32>
        %get3A_423 = arith.index_cast %add3A_411 : i32 to index
        %get3A_424 = tpu.vector_load %arg13[%get3A_423] {strides = array<i32>} : memref<4096xf32, #tpu.memory_space<vmem>>, vector<16xf32>,
        %get3A_425 = vector.shape_cast %get3A_424 : vector<16xf32> to vector<16xf32>
        %sub3A_426 = arith.subf %get3A_97, %get3A_425 : vector<16xf32>
        %get3A_427 = arith.index_cast %add3A_411 : i32 to index
        %get3A_428 = tpu.vector_load %arg14[%get3A_427] {strides = array<i32>} : memref<4096xf32, #tpu.memory_space<vmem>>, vector<16xf32>,
        %get3A_429 = vector.shape_cast %get3A_428 : vector<16xf32> to vector<16xf32>
        %sub3A_430 = arith.subf %get3A_109, %get3A_429 : vector<16xf32>
        %mul3A_431 = arith.mulf %sub3A_422, %sub3A_422 : vector<16xf32>
        %mul3A_432 = arith.mulf %sub3A_426, %sub3A_426 : vector<16xf32>
        %add3A_433 = arith.addf %mul3A_431, %mul3A_432 : vector<16xf32>
        %mul3A_434 = arith.mulf %sub3A_430, %sub3A_430 : vector<16xf32>
        %add3A_435 = arith.addf %add3A_433, %mul3A_434 : vector<16xf32>
        %max3A_436 = arith.constant 9.99999974E-5 : f32
        %max3A_437 = vector.broadcast %max3A_436 : f32 to vector<16xf32>
        %max3A_438 = arith.maximumf %add3A_435, %max3A_437 : vector<16xf32>
        %lt3A_439 = vector.broadcast %convert_element_type3A_250 : f32 to vector<16xf32>
        %lt3A_440 = arith.cmpf olt, %lt3A_439, %get3A_121 : vector<16xf32>
        %lt3A_441 = arith.constant 6.250000e+00 : f32
        %lt3A_442 = vector.broadcast %lt3A_441 : f32 to vector<16xf32>
        %lt3A_443 = arith.cmpf olt, %max3A_438, %lt3A_442 : vector<16xf32>
        %and3A_444 = arith.andi %lt3A_440, %lt3A_443 : vector<16xi1>
        %ne3A_445 = arith.cmpi ne, %get3A_414, %add3A_136 : vector<16xi32>
        %and3A_446 = arith.andi %and3A_444, %ne3A_445 : vector<16xi1>
        %div3A_447 = arith.constant 1.000000e+00 : f32
        %div3A_448 = vector.broadcast %div3A_447 : f32 to vector<16xf32>
        %div3A_449 = arith.divf %div3A_448, %max3A_438 : vector<16xf32>
        %mul3A_450 = arith.mulf %div3A_449, %div3A_449 : vector<16xf32>
        %mul3A_451 = arith.mulf %mul3A_450, %div3A_449 : vector<16xf32>
        %sub3A_452 = arith.constant 1.000000e+00 : f32
        %sub3A_453 = vector.broadcast %sub3A_452 : f32 to vector<16xf32>
        %sub3A_454 = arith.subf %mul3A_451, %sub3A_453 : vector<16xf32>
        %mul3A_455 = arith.constant 4.000000e+00 : f32
        %mul3A_456 = vector.broadcast %mul3A_455 : f32 to vector<16xf32>
        %mul3A_457 = arith.mulf %mul3A_456, %mul3A_451 : vector<16xf32>
        %mul3A_458 = arith.mulf %mul3A_457, %sub3A_454 : vector<16xf32>
        %jit3A_459 = arith.constant 0.000000e+00 : f32
        %broadcast_in_dim3A_460 = vector.broadcast %jit3A_459 : f32 to vector<16xf32>
        %select_n3A_461 = arith.select %and3A_446, %mul3A_458, %broadcast_in_dim3A_460 : vector<16xi1>, vector<16xf32>
        %mul3A_462 = arith.constant -2.400000e+01 : f32
        %mul3A_463 = vector.broadcast %mul3A_462 : f32 to vector<16xf32>
        %mul3A_464 = arith.mulf %mul3A_463, %div3A_449 : vector<16xf32>
        %add3A_465 = arith.addf %sub3A_454, %mul3A_451 : vector<16xf32>
        %mul3A_466 = arith.mulf %mul3A_451, %add3A_465 : vector<16xf32>
        %mul3A_467 = arith.mulf %mul3A_464, %mul3A_466 : vector<16xf32>
        %jit3A_468 = arith.constant 0.000000e+00 : f32
        %broadcast_in_dim3A_469 = vector.broadcast %jit3A_468 : f32 to vector<16xf32>
        %select_n3A_470 = arith.select %and3A_446, %mul3A_467, %broadcast_in_dim3A_469 : vector<16xi1>, vector<16xf32>
        %mul3A_471 = arith.mulf %select_n3A_470, %sub3A_422 : vector<16xf32>
        %mul3A_472 = arith.mulf %select_n3A_470, %sub3A_426 : vector<16xf32>
        %mul3A_473 = arith.mulf %select_n3A_470, %sub3A_430 : vector<16xf32>
        %swap3A_474 = arith.index_cast %add3A_411 : i32 to index
        %swap3A_475 = tpu.vector_load %arg20[%swap3A_474] {strides = array<i32>} : memref<4096xf32, #tpu.memory_space<vmem>>, vector<16xf32>,
        %swap3A_476 = vector.shape_cast %swap3A_475 : vector<16xf32> to vector<16xf32>
        %swap3A_477 = vector.shape_cast %mul3A_471 : vector<16xf32> to vector<16xf32>
        tpu.vector_store %arg20[%swap3A_474], %swap3A_477 {strides = array<i32>} : memref<4096xf32, #tpu.memory_space<vmem>>, vector<16xf32>,
        %swap3A_478 = arith.index_cast %add3A_411 : i32 to index
        %swap3A_479 = tpu.vector_load %arg21[%swap3A_478] {strides = array<i32>} : memref<4096xf32, #tpu.memory_space<vmem>>, vector<16xf32>,
        %swap3A_480 = vector.shape_cast %swap3A_479 : vector<16xf32> to vector<16xf32>
        %swap3A_481 = vector.shape_cast %mul3A_472 : vector<16xf32> to vector<16xf32>
        tpu.vector_store %arg21[%swap3A_478], %swap3A_481 {strides = array<i32>} : memref<4096xf32, #tpu.memory_space<vmem>>, vector<16xf32>,
        %swap3A_482 = arith.index_cast %add3A_411 : i32 to index
        %swap3A_483 = tpu.vector_load %arg22[%swap3A_482] {strides = array<i32>} : memref<4096xf32, #tpu.memory_space<vmem>>, vector<16xf32>,
        %swap3A_484 = vector.shape_cast %swap3A_483 : vector<16xf32> to vector<16xf32>
        %swap3A_485 = vector.shape_cast %mul3A_473 : vector<16xf32> to vector<16xf32>
        tpu.vector_store %arg22[%swap3A_482], %swap3A_485 {strides = array<i32>} : memref<4096xf32, #tpu.memory_space<vmem>>, vector<16xf32>,
        %add3A_486 = arith.addf %scan3A_236, %select_n3A_461 : vector<16xf32>
        %sub3A_487 = arith.subf %scan3A_240, %mul3A_471 : vector<16xf32>
        %sub3A_488 = arith.subf %scan3A_244, %mul3A_472 : vector<16xf32>
        %sub3A_489 = arith.subf %scan3A_248, %mul3A_473 : vector<16xf32>
        %mul3A_490 = arith.constant 64 : i32
        %mul3A_491 = arith.muli %scan3A_233, %mul3A_490 : i32
        %add3A_492 = arith.constant 48 : i32
        %add3A_493 = arith.addi %mul3A_491, %add3A_492 : i32
        %get3A_494 = arith.index_cast %add3A_493 : i32 to index
        %get3A_495 = tpu.vector_load %arg10[%get3A_494] {strides = array<i32>} : memref<4096xi32, #tpu.memory_space<vmem>>, vector<16xi32>,
        %get3A_496 = vector.shape_cast %get3A_495 : vector<16xi32> to vector<16xi32>
        %swap3A_497 = arith.index_cast %add3A_493 : i32 to index
        %swap3A_498 = tpu.vector_load %arg23[%swap3A_497] {strides = array<i32>} : memref<4096xi32, #tpu.memory_space<vmem>>, vector<16xi32>,
        %swap3A_499 = vector.shape_cast %swap3A_498 : vector<16xi32> to vector<16xi32>
        %swap3A_500 = vector.shape_cast %get3A_496 : vector<16xi32> to vector<16xi32>
        tpu.vector_store %arg23[%swap3A_497], %swap3A_500 {strides = array<i32>} : memref<4096xi32, #tpu.memory_space<vmem>>, vector<16xi32>,
        %get3A_501 = arith.index_cast %add3A_493 : i32 to index
        %get3A_502 = tpu.vector_load %arg12[%get3A_501] {strides = array<i32>} : memref<4096xf32, #tpu.memory_space<vmem>>, vector<16xf32>,
        %get3A_503 = vector.shape_cast %get3A_502 : vector<16xf32> to vector<16xf32>
        %sub3A_504 = arith.subf %get3A_88, %get3A_503 : vector<16xf32>
        %get3A_505 = arith.index_cast %add3A_493 : i32 to index
        %get3A_506 = tpu.vector_load %arg13[%get3A_505] {strides = array<i32>} : memref<4096xf32, #tpu.memory_space<vmem>>, vector<16xf32>,
        %get3A_507 = vector.shape_cast %get3A_506 : vector<16xf32> to vector<16xf32>
        %sub3A_508 = arith.subf %get3A_100, %get3A_507 : vector<16xf32>
        %get3A_509 = arith.index_cast %add3A_493 : i32 to index
        %get3A_510 = tpu.vector_load %arg14[%get3A_509] {strides = array<i32>} : memref<4096xf32, #tpu.memory_space<vmem>>, vector<16xf32>,
        %get3A_511 = vector.shape_cast %get3A_510 : vector<16xf32> to vector<16xf32>
        %sub3A_512 = arith.subf %get3A_112, %get3A_511 : vector<16xf32>
        %mul3A_513 = arith.mulf %sub3A_504, %sub3A_504 : vector<16xf32>
        %mul3A_514 = arith.mulf %sub3A_508, %sub3A_508 : vector<16xf32>
        %add3A_515 = arith.addf %mul3A_513, %mul3A_514 : vector<16xf32>
        %mul3A_516 = arith.mulf %sub3A_512, %sub3A_512 : vector<16xf32>
        %add3A_517 = arith.addf %add3A_515, %mul3A_516 : vector<16xf32>
        %max3A_518 = arith.constant 9.99999974E-5 : f32
        %max3A_519 = vector.broadcast %max3A_518 : f32 to vector<16xf32>
        %max3A_520 = arith.maximumf %add3A_517, %max3A_519 : vector<16xf32>
        %lt3A_521 = vector.broadcast %convert_element_type3A_250 : f32 to vector<16xf32>
        %lt3A_522 = arith.cmpf olt, %lt3A_521, %get3A_124 : vector<16xf32>
        %lt3A_523 = arith.constant 6.250000e+00 : f32
        %lt3A_524 = vector.broadcast %lt3A_523 : f32 to vector<16xf32>
        %lt3A_525 = arith.cmpf olt, %max3A_520, %lt3A_524 : vector<16xf32>
        %and3A_526 = arith.andi %lt3A_522, %lt3A_525 : vector<16xi1>
        %ne3A_527 = arith.cmpi ne, %get3A_496, %add3A_140 : vector<16xi32>
        %and3A_528 = arith.andi %and3A_526, %ne3A_527 : vector<16xi1>
        %div3A_529 = arith.constant 1.000000e+00 : f32
        %div3A_530 = vector.broadcast %div3A_529 : f32 to vector<16xf32>
        %div3A_531 = arith.divf %div3A_530, %max3A_520 : vector<16xf32>
        %mul3A_532 = arith.mulf %div3A_531, %div3A_531 : vector<16xf32>
        %mul3A_533 = arith.mulf %mul3A_532, %div3A_531 : vector<16xf32>
        %sub3A_534 = arith.constant 1.000000e+00 : f32
        %sub3A_535 = vector.broadcast %sub3A_534 : f32 to vector<16xf32>
        %sub3A_536 = arith.subf %mul3A_533, %sub3A_535 : vector<16xf32>
        %mul3A_537 = arith.constant 4.000000e+00 : f32
        %mul3A_538 = vector.broadcast %mul3A_537 : f32 to vector<16xf32>
        %mul3A_539 = arith.mulf %mul3A_538, %mul3A_533 : vector<16xf32>
        %mul3A_540 = arith.mulf %mul3A_539, %sub3A_536 : vector<16xf32>
        %jit3A_541 = arith.constant 0.000000e+00 : f32
        %broadcast_in_dim3A_542 = vector.broadcast %jit3A_541 : f32 to vector<16xf32>
        %select_n3A_543 = arith.select %and3A_528, %mul3A_540, %broadcast_in_dim3A_542 : vector<16xi1>, vector<16xf32>
        %mul3A_544 = arith.constant -2.400000e+01 : f32
        %mul3A_545 = vector.broadcast %mul3A_544 : f32 to vector<16xf32>
        %mul3A_546 = arith.mulf %mul3A_545, %div3A_531 : vector<16xf32>
        %add3A_547 = arith.addf %sub3A_536, %mul3A_533 : vector<16xf32>
        %mul3A_548 = arith.mulf %mul3A_533, %add3A_547 : vector<16xf32>
        %mul3A_549 = arith.mulf %mul3A_546, %mul3A_548 : vector<16xf32>
        %jit3A_550 = arith.constant 0.000000e+00 : f32
        %broadcast_in_dim3A_551 = vector.broadcast %jit3A_550 : f32 to vector<16xf32>
        %select_n3A_552 = arith.select %and3A_528, %mul3A_549, %broadcast_in_dim3A_551 : vector<16xi1>, vector<16xf32>
        %mul3A_553 = arith.mulf %select_n3A_552, %sub3A_504 : vector<16xf32>
        %mul3A_554 = arith.mulf %select_n3A_552, %sub3A_508 : vector<16xf32>
        %mul3A_555 = arith.mulf %select_n3A_552, %sub3A_512 : vector<16xf32>
        %swap3A_556 = arith.index_cast %add3A_493 : i32 to index
        %swap3A_557 = tpu.vector_load %arg20[%swap3A_556] {strides = array<i32>} : memref<4096xf32, #tpu.memory_space<vmem>>, vector<16xf32>,
        %swap3A_558 = vector.shape_cast %swap3A_557 : vector<16xf32> to vector<16xf32>
        %swap3A_559 = vector.shape_cast %mul3A_553 : vector<16xf32> to vector<16xf32>
        tpu.vector_store %arg20[%swap3A_556], %swap3A_559 {strides = array<i32>} : memref<4096xf32, #tpu.memory_space<vmem>>, vector<16xf32>,
        %swap3A_560 = arith.index_cast %add3A_493 : i32 to index
        %swap3A_561 = tpu.vector_load %arg21[%swap3A_560] {strides = array<i32>} : memref<4096xf32, #tpu.memory_space<vmem>>, vector<16xf32>,
        %swap3A_562 = vector.shape_cast %swap3A_561 : vector<16xf32> to vector<16xf32>
        %swap3A_563 = vector.shape_cast %mul3A_554 : vector<16xf32> to vector<16xf32>
        tpu.vector_store %arg21[%swap3A_560], %swap3A_563 {strides = array<i32>} : memref<4096xf32, #tpu.memory_space<vmem>>, vector<16xf32>,
        %swap3A_564 = arith.index_cast %add3A_493 : i32 to index
        %swap3A_565 = tpu.vector_load %arg22[%swap3A_564] {strides = array<i32>} : memref<4096xf32, #tpu.memory_space<vmem>>, vector<16xf32>,
        %swap3A_566 = vector.shape_cast %swap3A_565 : vector<16xf32> to vector<16xf32>
        %swap3A_567 = vector.shape_cast %mul3A_555 : vector<16xf32> to vector<16xf32>
        tpu.vector_store %arg22[%swap3A_564], %swap3A_567 {strides = array<i32>} : memref<4096xf32, #tpu.memory_space<vmem>>, vector<16xf32>,
        %add3A_568 = arith.addf %scan3A_237, %select_n3A_543 : vector<16xf32>
        %sub3A_569 = arith.subf %scan3A_241, %mul3A_553 : vector<16xf32>
        %sub3A_570 = arith.subf %scan3A_245, %mul3A_554 : vector<16xf32>
        %sub3A_571 = arith.subf %scan3A_249, %mul3A_555 : vector<16xf32>
        scf.yield %add3A_322, %add3A_404, %add3A_486, %add3A_568, %sub3A_323, %sub3A_405, %sub3A_487, %sub3A_569, %sub3A_324, %sub3A_406, %sub3A_488, %sub3A_570, %sub3A_325, %sub3A_407, %sub3A_489, %sub3A_571 : vector<16xf32>, vector<16xf32>, vector<16xf32>, vector<16xf32>, vector<16xf32>, vector<16xf32>, vector<16xf32>, vector<16xf32>, vector<16xf32>, vector<16xf32>, vector<16xf32>, vector<16xf32>, vector<16xf32>, vector<16xf32>, vector<16xf32>, vector<16xf32>
      }
      %scan3A_146 = arith.constant 64 : i32
      %mul3A_147 = arith.constant 64 : i32
      %mul3A_148 = arith.muli %mul3A_60, %mul3A_147 : i32
      %add3A_149 = arith.constant 0 : i32
      %add3A_150 = arith.addi %mul3A_148, %add3A_149 : i32
      %swap3A_151 = arith.index_cast %add3A_150 : i32 to index
      %swap3A_152 = tpu.vector_load %arg24[%swap3A_151] {strides = array<i32>} : memref<3136xf32, #tpu.memory_space<vmem>>, vector<16xf32>,
      %swap3A_153 = vector.shape_cast %swap3A_152 : vector<16xf32> to vector<16xf32>
      %swap3A_154 = vector.shape_cast %scan3A_145#4 : vector<16xf32> to vector<16xf32>
      tpu.vector_store %arg24[%swap3A_151], %swap3A_154 {strides = array<i32>} : memref<3136xf32, #tpu.memory_space<vmem>>, vector<16xf32>,
      %swap3A_155 = arith.index_cast %add3A_150 : i32 to index
      %swap3A_156 = tpu.vector_load %arg25[%swap3A_155] {strides = array<i32>} : memref<3136xf32, #tpu.memory_space<vmem>>, vector<16xf32>,
      %swap3A_157 = vector.shape_cast %swap3A_156 : vector<16xf32> to vector<16xf32>
      %swap3A_158 = vector.shape_cast %scan3A_145#8 : vector<16xf32> to vector<16xf32>
      tpu.vector_store %arg25[%swap3A_155], %swap3A_158 {strides = array<i32>} : memref<3136xf32, #tpu.memory_space<vmem>>, vector<16xf32>,
      %swap3A_159 = arith.index_cast %add3A_150 : i32 to index
      %swap3A_160 = tpu.vector_load %arg26[%swap3A_159] {strides = array<i32>} : memref<3136xf32, #tpu.memory_space<vmem>>, vector<16xf32>,
      %swap3A_161 = vector.shape_cast %swap3A_160 : vector<16xf32> to vector<16xf32>
      %swap3A_162 = vector.shape_cast %scan3A_145#12 : vector<16xf32> to vector<16xf32>
      tpu.vector_store %arg26[%swap3A_159], %swap3A_162 {strides = array<i32>} : memref<3136xf32, #tpu.memory_space<vmem>>, vector<16xf32>,
      %mul3A_163 = arith.constant 64 : i32
      %mul3A_164 = arith.muli %mul3A_60, %mul3A_163 : i32
      %add3A_165 = arith.constant 16 : i32
      %add3A_166 = arith.addi %mul3A_164, %add3A_165 : i32
      %swap3A_167 = arith.index_cast %add3A_166 : i32 to index
      %swap3A_168 = tpu.vector_load %arg24[%swap3A_167] {strides = array<i32>} : memref<3136xf32, #tpu.memory_space<vmem>>, vector<16xf32>,
      %swap3A_169 = vector.shape_cast %swap3A_168 : vector<16xf32> to vector<16xf32>
      %swap3A_170 = vector.shape_cast %scan3A_145#5 : vector<16xf32> to vector<16xf32>
      tpu.vector_store %arg24[%swap3A_167], %swap3A_170 {strides = array<i32>} : memref<3136xf32, #tpu.memory_space<vmem>>, vector<16xf32>,
      %swap3A_171 = arith.index_cast %add3A_166 : i32 to index
      %swap3A_172 = tpu.vector_load %arg25[%swap3A_171] {strides = array<i32>} : memref<3136xf32, #tpu.memory_space<vmem>>, vector<16xf32>,
      %swap3A_173 = vector.shape_cast %swap3A_172 : vector<16xf32> to vector<16xf32>
      %swap3A_174 = vector.shape_cast %scan3A_145#9 : vector<16xf32> to vector<16xf32>
      tpu.vector_store %arg25[%swap3A_171], %swap3A_174 {strides = array<i32>} : memref<3136xf32, #tpu.memory_space<vmem>>, vector<16xf32>,
      %swap3A_175 = arith.index_cast %add3A_166 : i32 to index
      %swap3A_176 = tpu.vector_load %arg26[%swap3A_175] {strides = array<i32>} : memref<3136xf32, #tpu.memory_space<vmem>>, vector<16xf32>,
      %swap3A_177 = vector.shape_cast %swap3A_176 : vector<16xf32> to vector<16xf32>
      %swap3A_178 = vector.shape_cast %scan3A_145#13 : vector<16xf32> to vector<16xf32>
      tpu.vector_store %arg26[%swap3A_175], %swap3A_178 {strides = array<i32>} : memref<3136xf32, #tpu.memory_space<vmem>>, vector<16xf32>,
      %mul3A_179 = arith.constant 64 : i32
      %mul3A_180 = arith.muli %mul3A_60, %mul3A_179 : i32
      %add3A_181 = arith.constant 32 : i32
      %add3A_182 = arith.addi %mul3A_180, %add3A_181 : i32
      %swap3A_183 = arith.index_cast %add3A_182 : i32 to index
      %swap3A_184 = tpu.vector_load %arg24[%swap3A_183] {strides = array<i32>} : memref<3136xf32, #tpu.memory_space<vmem>>, vector<16xf32>,
      %swap3A_185 = vector.shape_cast %swap3A_184 : vector<16xf32> to vector<16xf32>
      %swap3A_186 = vector.shape_cast %scan3A_145#6 : vector<16xf32> to vector<16xf32>
      tpu.vector_store %arg24[%swap3A_183], %swap3A_186 {strides = array<i32>} : memref<3136xf32, #tpu.memory_space<vmem>>, vector<16xf32>,
      %swap3A_187 = arith.index_cast %add3A_182 : i32 to index
      %swap3A_188 = tpu.vector_load %arg25[%swap3A_187] {strides = array<i32>} : memref<3136xf32, #tpu.memory_space<vmem>>, vector<16xf32>,
      %swap3A_189 = vector.shape_cast %swap3A_188 : vector<16xf32> to vector<16xf32>
      %swap3A_190 = vector.shape_cast %scan3A_145#10 : vector<16xf32> to vector<16xf32>
      tpu.vector_store %arg25[%swap3A_187], %swap3A_190 {strides = array<i32>} : memref<3136xf32, #tpu.memory_space<vmem>>, vector<16xf32>,
      %swap3A_191 = arith.index_cast %add3A_182 : i32 to index
      %swap3A_192 = tpu.vector_load %arg26[%swap3A_191] {strides = array<i32>} : memref<3136xf32, #tpu.memory_space<vmem>>, vector<16xf32>,
      %swap3A_193 = vector.shape_cast %swap3A_192 : vector<16xf32> to vector<16xf32>
      %swap3A_194 = vector.shape_cast %scan3A_145#14 : vector<16xf32> to vector<16xf32>
      tpu.vector_store %arg26[%swap3A_191], %swap3A_194 {strides = array<i32>} : memref<3136xf32, #tpu.memory_space<vmem>>, vector<16xf32>,
      %mul3A_195 = arith.constant 64 : i32
      %mul3A_196 = arith.muli %mul3A_60, %mul3A_195 : i32
      %add3A_197 = arith.constant 48 : i32
      %add3A_198 = arith.addi %mul3A_196, %add3A_197 : i32
      %swap3A_199 = arith.index_cast %add3A_198 : i32 to index
      %swap3A_200 = tpu.vector_load %arg24[%swap3A_199] {strides = array<i32>} : memref<3136xf32, #tpu.memory_space<vmem>>, vector<16xf32>,
      %swap3A_201 = vector.shape_cast %swap3A_200 : vector<16xf32> to vector<16xf32>
      %swap3A_202 = vector.shape_cast %scan3A_145#7 : vector<16xf32> to vector<16xf32>
      tpu.vector_store %arg24[%swap3A_199], %swap3A_202 {strides = array<i32>} : memref<3136xf32, #tpu.memory_space<vmem>>, vector<16xf32>,
      %swap3A_203 = arith.index_cast %add3A_198 : i32 to index
      %swap3A_204 = tpu.vector_load %arg25[%swap3A_203] {strides = array<i32>} : memref<3136xf32, #tpu.memory_space<vmem>>, vector<16xf32>,
      %swap3A_205 = vector.shape_cast %swap3A_204 : vector<16xf32> to vector<16xf32>
      %swap3A_206 = vector.shape_cast %scan3A_145#11 : vector<16xf32> to vector<16xf32>
      tpu.vector_store %arg25[%swap3A_203], %swap3A_206 {strides = array<i32>} : memref<3136xf32, #tpu.memory_space<vmem>>, vector<16xf32>,
      %swap3A_207 = arith.index_cast %add3A_198 : i32 to index
      %swap3A_208 = tpu.vector_load %arg26[%swap3A_207] {strides = array<i32>} : memref<3136xf32, #tpu.memory_space<vmem>>, vector<16xf32>,
      %swap3A_209 = vector.shape_cast %swap3A_208 : vector<16xf32> to vector<16xf32>
      %swap3A_210 = vector.shape_cast %scan3A_145#15 : vector<16xf32> to vector<16xf32>
      tpu.vector_store %arg26[%swap3A_207], %swap3A_210 {strides = array<i32>} : memref<3136xf32, #tpu.memory_space<vmem>>, vector<16xf32>,
      %dma_start3A_211 = arith.constant 0 : i32
      %dma_start3A_212 = tpu.memref_slice %arg32[%dma_start3A_211] : memref<100352xf32, #tpu.memory_space<vmem_shared>> -> memref<100352xf32, #tpu.memory_space<vmem_shared>>
      tpu.enqueue_indirect_dma source(%arg20 : memref<4096xf32, #tpu.memory_space<vmem>>) target(%dma_start3A_212 : memref<100352xf32, #tpu.memory_space<vmem_shared>>) offsets(%arg23 : memref<4096xi32, #tpu.memory_space<vmem>>) semaphore(%arg37 : memref<!tpu.dma_semaphore, #tpu.memory_space<semaphore_mem>>) {add = true}
      %dma_start3A_213 = arith.constant 0 : i32
      %dma_start3A_214 = tpu.memref_slice %arg33[%dma_start3A_213] : memref<100352xf32, #tpu.memory_space<vmem_shared>> -> memref<100352xf32, #tpu.memory_space<vmem_shared>>
      tpu.enqueue_indirect_dma source(%arg21 : memref<4096xf32, #tpu.memory_space<vmem>>) target(%dma_start3A_214 : memref<100352xf32, #tpu.memory_space<vmem_shared>>) offsets(%arg23 : memref<4096xi32, #tpu.memory_space<vmem>>) semaphore(%arg37 : memref<!tpu.dma_semaphore, #tpu.memory_space<semaphore_mem>>) {add = true}
      %dma_start3A_215 = arith.constant 0 : i32
      %dma_start3A_216 = tpu.memref_slice %arg34[%dma_start3A_215] : memref<100352xf32, #tpu.memory_space<vmem_shared>> -> memref<100352xf32, #tpu.memory_space<vmem_shared>>
      tpu.enqueue_indirect_dma source(%arg22 : memref<4096xf32, #tpu.memory_space<vmem>>) target(%dma_start3A_216 : memref<100352xf32, #tpu.memory_space<vmem_shared>>) offsets(%arg23 : memref<4096xi32, #tpu.memory_space<vmem>>) semaphore(%arg37 : memref<!tpu.dma_semaphore, #tpu.memory_space<semaphore_mem>>) {add = true}
      %get3A_217 = arith.constant 0 : index
      %get3A_218 = tpu.vector_load %arg28[%get3A_217] {strides = array<i32>} : memref<16xf32, #tpu.memory_space<vmem>>, vector<16xf32>,
      %get3A_219 = vector.shape_cast %get3A_218 : vector<16xf32> to vector<16xf32>
      %add3A_220 = arith.addf %scan3A_145#0, %scan3A_145#1 : vector<16xf32>
      %add3A_221 = arith.addf %scan3A_145#2, %scan3A_145#3 : vector<16xf32>
      %add3A_222 = arith.addf %add3A_220, %add3A_221 : vector<16xf32>
      %add3A_223 = arith.addf %get3A_219, %add3A_222 : vector<16xf32>
      %swap3A_224 = arith.constant 0 : index
      %swap3A_225 = tpu.vector_load %arg28[%swap3A_224] {strides = array<i32>} : memref<16xf32, #tpu.memory_space<vmem>>, vector<16xf32>,
      %swap3A_226 = vector.shape_cast %swap3A_225 : vector<16xf32> to vector<16xf32>
      %swap3A_227 = vector.shape_cast %add3A_223 : vector<16xf32> to vector<16xf32>
      tpu.vector_store %arg28[%swap3A_224], %swap3A_227 {strides = array<i32>} : memref<16xf32, #tpu.memory_space<vmem>>, vector<16xf32>,
      %lt3A_228 = arith.constant 49 : i32
      %lt3A_229 = arith.cmpi slt, %add3A_62, %lt3A_228 : i32
      %convert_element_type3A_230 = arith.extui %lt3A_229 : i1 to i32
      %cond3A_231 = arith.constant 0 : i32
      %cond3A_232 = arith.cmpi ne, %convert_element_type3A_230, %cond3A_231 : i32
      scf.if %cond3A_232 {
        %add3A_233 = arith.constant 2 : i32
        %add3A_234 = arith.addi %mul3A_60, %add3A_233 : i32
        %mul3A_235 = arith.constant 49 : i32
        %mul3A_236 = arith.muli %add3A, %mul3A_235 : i32
        %add3A_237 = arith.addi %mul3A_236, %add3A_234 : i32
        %mul3A_238 = arith.constant 256 : i32
        %mul3A_239 = arith.muli %add3A_237, %mul3A_238 : i32
        "tpu.region"() ({
          %run_scoped3A = tpu.sem_alloc : memref<!tpu.dma_semaphore, #tpu.memory_space<semaphore_mem>>
          %dma_start3A_417 = tpu.memref_slice %arg5[%mul3A_239] : memref<401408xf32, #tpu.memory_space<hbm>> -> memref<256xf32, #tpu.memory_space<hbm>>
          %dma_start3A_418 = tpu.memref_slice %arg5[%mul3A_239] : memref<401408xf32, #tpu.memory_space<hbm>> -> memref<256xf32, #tpu.memory_space<hbm>>
          tpu.enqueue_dma source(%dma_start3A_418 : memref<256xf32, #tpu.memory_space<hbm>>) target(%arg18 : memref<256xf32, #tpu.memory_space<vmem>>) target_semaphore(%run_scoped3A : memref<!tpu.dma_semaphore, #tpu.memory_space<semaphore_mem>>)
          %dma_wait3A_419 = tpu.memref_slice %arg5[%mul3A_239] : memref<401408xf32, #tpu.memory_space<hbm>> -> memref<256xf32, #tpu.memory_space<hbm>>
          %dma_wait3A_420 = tpu.memref_slice %arg5[%mul3A_239] : memref<401408xf32, #tpu.memory_space<hbm>> -> memref<256xf32, #tpu.memory_space<hbm>>
          tpu.wait_dma2 semaphore(%run_scoped3A : memref<!tpu.dma_semaphore, #tpu.memory_space<semaphore_mem>>) src(%dma_wait3A_420 : memref<256xf32, #tpu.memory_space<hbm>>) dst(%arg18 : memref<256xf32, #tpu.memory_space<vmem>>)
          tpu.yield
        }) : () -> ()
        %mul3A_240 = arith.constant 49 : i32
        %mul3A_241 = arith.muli %add3A, %mul3A_240 : i32
        %add3A_242 = arith.addi %mul3A_241, %add3A_234 : i32
        %mul3A_243 = arith.constant 4096 : i32
        %mul3A_244 = arith.muli %add3A_242, %mul3A_243 : i32
        "tpu.region"() ({
          %run_scoped3A = tpu.sem_alloc : memref<!tpu.dma_semaphore, #tpu.memory_space<semaphore_mem>>
          %dma_start3A_417 = tpu.memref_slice %arg6[%mul3A_244] : memref<6422528xi32, #tpu.memory_space<hbm>> -> memref<4096xi32, #tpu.memory_space<hbm>>
          %dma_start3A_418 = tpu.memref_slice %arg6[%mul3A_244] : memref<6422528xi32, #tpu.memory_space<hbm>> -> memref<4096xi32, #tpu.memory_space<hbm>>
          tpu.enqueue_dma source(%dma_start3A_418 : memref<4096xi32, #tpu.memory_space<hbm>>) target(%arg10 : memref<4096xi32, #tpu.memory_space<vmem>>) target_semaphore(%run_scoped3A : memref<!tpu.dma_semaphore, #tpu.memory_space<semaphore_mem>>)
          %dma_wait3A_419 = tpu.memref_slice %arg6[%mul3A_244] : memref<6422528xi32, #tpu.memory_space<hbm>> -> memref<4096xi32, #tpu.memory_space<hbm>>
          %dma_wait3A_420 = tpu.memref_slice %arg6[%mul3A_244] : memref<6422528xi32, #tpu.memory_space<hbm>> -> memref<4096xi32, #tpu.memory_space<hbm>>
          tpu.wait_dma2 semaphore(%run_scoped3A : memref<!tpu.dma_semaphore, #tpu.memory_space<semaphore_mem>>) src(%dma_wait3A_420 : memref<4096xi32, #tpu.memory_space<hbm>>) dst(%arg10 : memref<4096xi32, #tpu.memory_space<vmem>>)
          tpu.yield
        }) : () -> ()
        %dma_start3A_245 = arith.constant 0 : i32
        %dma_start3A_246 = tpu.memref_slice %arg29[%dma_start3A_245] : memref<100352xf32, #tpu.memory_space<vmem_shared>> -> memref<100352xf32, #tpu.memory_space<vmem_shared>>
        tpu.enqueue_indirect_dma source(%dma_start3A_246 : memref<100352xf32, #tpu.memory_space<vmem_shared>>) target(%arg12 : memref<4096xf32, #tpu.memory_space<vmem>>) offsets(%arg10 : memref<4096xi32, #tpu.memory_space<vmem>>) semaphore(%arg35 : memref<!tpu.dma_semaphore, #tpu.memory_space<semaphore_mem>>)
        %dma_start3A_247 = arith.constant 0 : i32
        %dma_start3A_248 = tpu.memref_slice %arg30[%dma_start3A_247] : memref<100352xf32, #tpu.memory_space<vmem_shared>> -> memref<100352xf32, #tpu.memory_space<vmem_shared>>
        tpu.enqueue_indirect_dma source(%dma_start3A_248 : memref<100352xf32, #tpu.memory_space<vmem_shared>>) target(%arg13 : memref<4096xf32, #tpu.memory_space<vmem>>) offsets(%arg10 : memref<4096xi32, #tpu.memory_space<vmem>>) semaphore(%arg35 : memref<!tpu.dma_semaphore, #tpu.memory_space<semaphore_mem>>)
        %dma_start3A_249 = arith.constant 0 : i32
        %dma_start3A_250 = tpu.memref_slice %arg31[%dma_start3A_249] : memref<100352xf32, #tpu.memory_space<vmem_shared>> -> memref<100352xf32, #tpu.memory_space<vmem_shared>>
        tpu.enqueue_indirect_dma source(%dma_start3A_250 : memref<100352xf32, #tpu.memory_space<vmem_shared>>) target(%arg14 : memref<4096xf32, #tpu.memory_space<vmem>>) offsets(%arg10 : memref<4096xi32, #tpu.memory_space<vmem>>) semaphore(%arg35 : memref<!tpu.dma_semaphore, #tpu.memory_space<semaphore_mem>>)
        %dma_wait3A_251 = arith.constant 0 : i32
        %dma_wait3A_252 = tpu.memref_slice %arg32[%dma_wait3A_251] : memref<100352xf32, #tpu.memory_space<vmem_shared>> -> memref<100352xf32, #tpu.memory_space<vmem_shared>>
        tpu.wait_indirect_dma semaphore(%arg37 : memref<!tpu.dma_semaphore, #tpu.memory_space<semaphore_mem>>) src(%arg20 : memref<4096xf32, #tpu.memory_space<vmem>>) dst(%dma_wait3A_252 : memref<100352xf32, #tpu.memory_space<vmem_shared>>)
        %dma_wait3A_253 = arith.constant 0 : i32
        %dma_wait3A_254 = tpu.memref_slice %arg33[%dma_wait3A_253] : memref<100352xf32, #tpu.memory_space<vmem_shared>> -> memref<100352xf32, #tpu.memory_space<vmem_shared>>
        tpu.wait_indirect_dma semaphore(%arg37 : memref<!tpu.dma_semaphore, #tpu.memory_space<semaphore_mem>>) src(%arg21 : memref<4096xf32, #tpu.memory_space<vmem>>) dst(%dma_wait3A_254 : memref<100352xf32, #tpu.memory_space<vmem_shared>>)
        %dma_wait3A_255 = arith.constant 0 : i32
        %dma_wait3A_256 = tpu.memref_slice %arg34[%dma_wait3A_255] : memref<100352xf32, #tpu.memory_space<vmem_shared>> -> memref<100352xf32, #tpu.memory_space<vmem_shared>>
        tpu.wait_indirect_dma semaphore(%arg37 : memref<!tpu.dma_semaphore, #tpu.memory_space<semaphore_mem>>) src(%arg22 : memref<4096xf32, #tpu.memory_space<vmem>>) dst(%dma_wait3A_256 : memref<100352xf32, #tpu.memory_space<vmem_shared>>)
        %dma_wait3A_257 = arith.constant 0 : i32
        %dma_wait3A_258 = tpu.memref_slice %arg29[%dma_wait3A_257] : memref<100352xf32, #tpu.memory_space<vmem_shared>> -> memref<100352xf32, #tpu.memory_space<vmem_shared>>
        tpu.wait_indirect_dma semaphore(%arg36 : memref<!tpu.dma_semaphore, #tpu.memory_space<semaphore_mem>>) src(%dma_wait3A_258 : memref<100352xf32, #tpu.memory_space<vmem_shared>>) dst(%arg15 : memref<4096xf32, #tpu.memory_space<vmem>>)
        %dma_wait3A_259 = arith.constant 0 : i32
        %dma_wait3A_260 = tpu.memref_slice %arg30[%dma_wait3A_259] : memref<100352xf32, #tpu.memory_space<vmem_shared>> -> memref<100352xf32, #tpu.memory_space<vmem_shared>>
        tpu.wait_indirect_dma semaphore(%arg36 : memref<!tpu.dma_semaphore, #tpu.memory_space<semaphore_mem>>) src(%dma_wait3A_260 : memref<100352xf32, #tpu.memory_space<vmem_shared>>) dst(%arg16 : memref<4096xf32, #tpu.memory_space<vmem>>)
        %dma_wait3A_261 = arith.constant 0 : i32
        %dma_wait3A_262 = tpu.memref_slice %arg31[%dma_wait3A_261] : memref<100352xf32, #tpu.memory_space<vmem_shared>> -> memref<100352xf32, #tpu.memory_space<vmem_shared>>
        tpu.wait_indirect_dma semaphore(%arg36 : memref<!tpu.dma_semaphore, #tpu.memory_space<semaphore_mem>>) src(%dma_wait3A_262 : memref<100352xf32, #tpu.memory_space<vmem_shared>>) dst(%arg17 : memref<4096xf32, #tpu.memory_space<vmem>>)
        %mul3A_263 = arith.constant 64 : i32
        %mul3A_264 = arith.muli %add3A_62, %mul3A_263 : i32
        %add3A_265 = arith.addi %mul3A_2, %mul3A_264 : i32
        %get3A_266 = arith.constant 0 : index
        %get3A_267 = tpu.vector_load %arg19[%get3A_266] {strides = array<i32>} : memref<256xf32, #tpu.memory_space<vmem>>, vector<16xf32>,
        %get3A_268 = vector.shape_cast %get3A_267 : vector<16xf32> to vector<16xf32>
        %get3A_269 = arith.constant 16 : index
        %get3A_270 = tpu.vector_load %arg19[%get3A_269] {strides = array<i32>} : memref<256xf32, #tpu.memory_space<vmem>>, vector<16xf32>,
        %get3A_271 = vector.shape_cast %get3A_270 : vector<16xf32> to vector<16xf32>
        %get3A_272 = arith.constant 32 : index
        %get3A_273 = tpu.vector_load %arg19[%get3A_272] {strides = array<i32>} : memref<256xf32, #tpu.memory_space<vmem>>, vector<16xf32>,
        %get3A_274 = vector.shape_cast %get3A_273 : vector<16xf32> to vector<16xf32>
        %get3A_275 = arith.constant 48 : index
        %get3A_276 = tpu.vector_load %arg19[%get3A_275] {strides = array<i32>} : memref<256xf32, #tpu.memory_space<vmem>>, vector<16xf32>,
        %get3A_277 = vector.shape_cast %get3A_276 : vector<16xf32> to vector<16xf32>
        %get3A_278 = arith.constant 64 : index
        %get3A_279 = tpu.vector_load %arg19[%get3A_278] {strides = array<i32>} : memref<256xf32, #tpu.memory_space<vmem>>, vector<16xf32>,
        %get3A_280 = vector.shape_cast %get3A_279 : vector<16xf32> to vector<16xf32>
        %get3A_281 = arith.constant 80 : index
        %get3A_282 = tpu.vector_load %arg19[%get3A_281] {strides = array<i32>} : memref<256xf32, #tpu.memory_space<vmem>>, vector<16xf32>,
        %get3A_283 = vector.shape_cast %get3A_282 : vector<16xf32> to vector<16xf32>
        %get3A_284 = arith.constant 96 : index
        %get3A_285 = tpu.vector_load %arg19[%get3A_284] {strides = array<i32>} : memref<256xf32, #tpu.memory_space<vmem>>, vector<16xf32>,
        %get3A_286 = vector.shape_cast %get3A_285 : vector<16xf32> to vector<16xf32>
        %get3A_287 = arith.constant 112 : index
        %get3A_288 = tpu.vector_load %arg19[%get3A_287] {strides = array<i32>} : memref<256xf32, #tpu.memory_space<vmem>>, vector<16xf32>,
        %get3A_289 = vector.shape_cast %get3A_288 : vector<16xf32> to vector<16xf32>
        %get3A_290 = arith.constant 128 : index
        %get3A_291 = tpu.vector_load %arg19[%get3A_290] {strides = array<i32>} : memref<256xf32, #tpu.memory_space<vmem>>, vector<16xf32>,
        %get3A_292 = vector.shape_cast %get3A_291 : vector<16xf32> to vector<16xf32>
        %get3A_293 = arith.constant 144 : index
        %get3A_294 = tpu.vector_load %arg19[%get3A_293] {strides = array<i32>} : memref<256xf32, #tpu.memory_space<vmem>>, vector<16xf32>,
        %get3A_295 = vector.shape_cast %get3A_294 : vector<16xf32> to vector<16xf32>
        %get3A_296 = arith.constant 160 : index
        %get3A_297 = tpu.vector_load %arg19[%get3A_296] {strides = array<i32>} : memref<256xf32, #tpu.memory_space<vmem>>, vector<16xf32>,
        %get3A_298 = vector.shape_cast %get3A_297 : vector<16xf32> to vector<16xf32>
        %get3A_299 = arith.constant 176 : index
        %get3A_300 = tpu.vector_load %arg19[%get3A_299] {strides = array<i32>} : memref<256xf32, #tpu.memory_space<vmem>>, vector<16xf32>,
        %get3A_301 = vector.shape_cast %get3A_300 : vector<16xf32> to vector<16xf32>
        %get3A_302 = arith.constant 192 : index
        %get3A_303 = tpu.vector_load %arg19[%get3A_302] {strides = array<i32>} : memref<256xf32, #tpu.memory_space<vmem>>, vector<16xf32>,
        %get3A_304 = vector.shape_cast %get3A_303 : vector<16xf32> to vector<16xf32>
        %get3A_305 = arith.constant 208 : index
        %get3A_306 = tpu.vector_load %arg19[%get3A_305] {strides = array<i32>} : memref<256xf32, #tpu.memory_space<vmem>>, vector<16xf32>,
        %get3A_307 = vector.shape_cast %get3A_306 : vector<16xf32> to vector<16xf32>
        %get3A_308 = arith.constant 224 : index
        %get3A_309 = tpu.vector_load %arg19[%get3A_308] {strides = array<i32>} : memref<256xf32, #tpu.memory_space<vmem>>, vector<16xf32>,
        %get3A_310 = vector.shape_cast %get3A_309 : vector<16xf32> to vector<16xf32>
        %get3A_311 = arith.constant 240 : index
        %get3A_312 = tpu.vector_load %arg19[%get3A_311] {strides = array<i32>} : memref<256xf32, #tpu.memory_space<vmem>>, vector<16xf32>,
        %get3A_313 = vector.shape_cast %get3A_312 : vector<16xf32> to vector<16xf32>
        %add3A_314 = arith.constant 0 : i32
        %add3A_315 = arith.addi %add3A_265, %add3A_314 : i32
        %add3A_316 = vector.broadcast %add3A_315 : i32 to vector<16xi32>
        %add3A_317 = arith.addi %add3A_316, %iota3A : vector<16xi32>
        %add3A_318 = arith.constant 16 : i32
        %add3A_319 = arith.addi %add3A_265, %add3A_318 : i32
        %add3A_320 = vector.broadcast %add3A_319 : i32 to vector<16xi32>
        %add3A_321 = arith.addi %add3A_320, %iota3A : vector<16xi32>
        %add3A_322 = arith.constant 32 : i32
        %add3A_323 = arith.addi %add3A_265, %add3A_322 : i32
        %add3A_324 = vector.broadcast %add3A_323 : i32 to vector<16xi32>
        %add3A_325 = arith.addi %add3A_324, %iota3A : vector<16xi32>
        %add3A_326 = arith.constant 48 : i32
        %add3A_327 = arith.addi %add3A_265, %add3A_326 : i32
        %add3A_328 = vector.broadcast %add3A_327 : i32 to vector<16xi32>
        %add3A_329 = arith.addi %add3A_328, %iota3A : vector<16xi32>
        %scan3A_330 = arith.constant 0 : i32
        %scan3A_331 = arith.constant 64 : i32
        %scan3A_332 = arith.addi %scan3A_330, %scan3A_331 : i32
        %scan3A_333 = arith.constant 1 : i32
        %scan3A_334:16 = scf.for %scan3A_417 = %scan3A_330 to %scan3A_332 step %scan3A_333 iter_args(%scan3A_418 = %broadcast_in_dim3A_5, %scan3A_419 = %broadcast_in_dim3A_5, %scan3A_420 = %broadcast_in_dim3A_5, %scan3A_421 = %broadcast_in_dim3A_5, %scan3A_422 = %broadcast_in_dim3A_5, %scan3A_423 = %broadcast_in_dim3A_5, %scan3A_424 = %broadcast_in_dim3A_5, %scan3A_425 = %broadcast_in_dim3A_5, %scan3A_426 = %broadcast_in_dim3A_5, %scan3A_427 = %broadcast_in_dim3A_5, %scan3A_428 = %broadcast_in_dim3A_5, %scan3A_429 = %broadcast_in_dim3A_5, %scan3A_430 = %broadcast_in_dim3A_5, %scan3A_431 = %broadcast_in_dim3A_5, %scan3A_432 = %broadcast_in_dim3A_5, %scan3A_433 = %broadcast_in_dim3A_5) -> (vector<16xf32>, vector<16xf32>, vector<16xf32>, vector<16xf32>, vector<16xf32>, vector<16xf32>, vector<16xf32>, vector<16xf32>, vector<16xf32>, vector<16xf32>, vector<16xf32>, vector<16xf32>, vector<16xf32>, vector<16xf32>, vector<16xf32>, vector<16xf32>)  : i32 {
          %convert_element_type3A_434 = arith.sitofp %scan3A_417 : i32 to f32
          %mul3A_435 = arith.constant 64 : i32
          %mul3A_436 = arith.muli %scan3A_417, %mul3A_435 : i32
          %add3A_437 = arith.constant 0 : i32
          %add3A_438 = arith.addi %mul3A_436, %add3A_437 : i32
          %get3A_439 = arith.index_cast %add3A_438 : i32 to index
          %get3A_440 = tpu.vector_load %arg11[%get3A_439] {strides = array<i32>} : memref<4096xi32, #tpu.memory_space<vmem>>, vector<16xi32>,
          %get3A_441 = vector.shape_cast %get3A_440 : vector<16xi32> to vector<16xi32>
          %swap3A_442 = arith.index_cast %add3A_438 : i32 to index
          %swap3A_443 = tpu.vector_load %arg23[%swap3A_442] {strides = array<i32>} : memref<4096xi32, #tpu.memory_space<vmem>>, vector<16xi32>,
          %swap3A_444 = vector.shape_cast %swap3A_443 : vector<16xi32> to vector<16xi32>
          %swap3A_445 = vector.shape_cast %get3A_441 : vector<16xi32> to vector<16xi32>
          tpu.vector_store %arg23[%swap3A_442], %swap3A_445 {strides = array<i32>} : memref<4096xi32, #tpu.memory_space<vmem>>, vector<16xi32>,
          %get3A_446 = arith.index_cast %add3A_438 : i32 to index
          %get3A_447 = tpu.vector_load %arg15[%get3A_446] {strides = array<i32>} : memref<4096xf32, #tpu.memory_space<vmem>>, vector<16xf32>,
          %get3A_448 = vector.shape_cast %get3A_447 : vector<16xf32> to vector<16xf32>
          %sub3A = arith.subf %get3A_268, %get3A_448 : vector<16xf32>
          %get3A_449 = arith.index_cast %add3A_438 : i32 to index
          %get3A_450 = tpu.vector_load %arg16[%get3A_449] {strides = array<i32>} : memref<4096xf32, #tpu.memory_space<vmem>>, vector<16xf32>,
          %get3A_451 = vector.shape_cast %get3A_450 : vector<16xf32> to vector<16xf32>
          %sub3A_452 = arith.subf %get3A_280, %get3A_451 : vector<16xf32>
          %get3A_453 = arith.index_cast %add3A_438 : i32 to index
          %get3A_454 = tpu.vector_load %arg17[%get3A_453] {strides = array<i32>} : memref<4096xf32, #tpu.memory_space<vmem>>, vector<16xf32>,
          %get3A_455 = vector.shape_cast %get3A_454 : vector<16xf32> to vector<16xf32>
          %sub3A_456 = arith.subf %get3A_292, %get3A_455 : vector<16xf32>
          %mul3A_457 = arith.mulf %sub3A, %sub3A : vector<16xf32>
          %mul3A_458 = arith.mulf %sub3A_452, %sub3A_452 : vector<16xf32>
          %add3A_459 = arith.addf %mul3A_457, %mul3A_458 : vector<16xf32>
          %mul3A_460 = arith.mulf %sub3A_456, %sub3A_456 : vector<16xf32>
          %add3A_461 = arith.addf %add3A_459, %mul3A_460 : vector<16xf32>
          %max3A = arith.constant 9.99999974E-5 : f32
          %max3A_462 = vector.broadcast %max3A : f32 to vector<16xf32>
          %max3A_463 = arith.maximumf %add3A_461, %max3A_462 : vector<16xf32>
          %lt3A_464 = vector.broadcast %convert_element_type3A_434 : f32 to vector<16xf32>
          %lt3A_465 = arith.cmpf olt, %lt3A_464, %get3A_304 : vector<16xf32>
          %lt3A_466 = arith.constant 6.250000e+00 : f32
          %lt3A_467 = vector.broadcast %lt3A_466 : f32 to vector<16xf32>
          %lt3A_468 = arith.cmpf olt, %max3A_463, %lt3A_467 : vector<16xf32>
          %and3A = arith.andi %lt3A_465, %lt3A_468 : vector<16xi1>
          %ne3A = arith.cmpi ne, %get3A_441, %add3A_317 : vector<16xi32>
          %and3A_469 = arith.andi %and3A, %ne3A : vector<16xi1>
          %div3A = arith.constant 1.000000e+00 : f32
          %div3A_470 = vector.broadcast %div3A : f32 to vector<16xf32>
          %div3A_471 = arith.divf %div3A_470, %max3A_463 : vector<16xf32>
          %mul3A_472 = arith.mulf %div3A_471, %div3A_471 : vector<16xf32>
          %mul3A_473 = arith.mulf %mul3A_472, %div3A_471 : vector<16xf32>
          %sub3A_474 = arith.constant 1.000000e+00 : f32
          %sub3A_475 = vector.broadcast %sub3A_474 : f32 to vector<16xf32>
          %sub3A_476 = arith.subf %mul3A_473, %sub3A_475 : vector<16xf32>
          %mul3A_477 = arith.constant 4.000000e+00 : f32
          %mul3A_478 = vector.broadcast %mul3A_477 : f32 to vector<16xf32>
          %mul3A_479 = arith.mulf %mul3A_478, %mul3A_473 : vector<16xf32>
          %mul3A_480 = arith.mulf %mul3A_479, %sub3A_476 : vector<16xf32>
          %jit3A = arith.constant 0.000000e+00 : f32
          %broadcast_in_dim3A_481 = vector.broadcast %jit3A : f32 to vector<16xf32>
          %select_n3A = arith.select %and3A_469, %mul3A_480, %broadcast_in_dim3A_481 : vector<16xi1>, vector<16xf32>
          %mul3A_482 = arith.constant -2.400000e+01 : f32
          %mul3A_483 = vector.broadcast %mul3A_482 : f32 to vector<16xf32>
          %mul3A_484 = arith.mulf %mul3A_483, %div3A_471 : vector<16xf32>
          %add3A_485 = arith.addf %sub3A_476, %mul3A_473 : vector<16xf32>
          %mul3A_486 = arith.mulf %mul3A_473, %add3A_485 : vector<16xf32>
          %mul3A_487 = arith.mulf %mul3A_484, %mul3A_486 : vector<16xf32>
          %jit3A_488 = arith.constant 0.000000e+00 : f32
          %broadcast_in_dim3A_489 = vector.broadcast %jit3A_488 : f32 to vector<16xf32>
          %select_n3A_490 = arith.select %and3A_469, %mul3A_487, %broadcast_in_dim3A_489 : vector<16xi1>, vector<16xf32>
          %mul3A_491 = arith.mulf %select_n3A_490, %sub3A : vector<16xf32>
          %mul3A_492 = arith.mulf %select_n3A_490, %sub3A_452 : vector<16xf32>
          %mul3A_493 = arith.mulf %select_n3A_490, %sub3A_456 : vector<16xf32>
          %swap3A_494 = arith.index_cast %add3A_438 : i32 to index
          %swap3A_495 = tpu.vector_load %arg20[%swap3A_494] {strides = array<i32>} : memref<4096xf32, #tpu.memory_space<vmem>>, vector<16xf32>,
          %swap3A_496 = vector.shape_cast %swap3A_495 : vector<16xf32> to vector<16xf32>
          %swap3A_497 = vector.shape_cast %mul3A_491 : vector<16xf32> to vector<16xf32>
          tpu.vector_store %arg20[%swap3A_494], %swap3A_497 {strides = array<i32>} : memref<4096xf32, #tpu.memory_space<vmem>>, vector<16xf32>,
          %swap3A_498 = arith.index_cast %add3A_438 : i32 to index
          %swap3A_499 = tpu.vector_load %arg21[%swap3A_498] {strides = array<i32>} : memref<4096xf32, #tpu.memory_space<vmem>>, vector<16xf32>,
          %swap3A_500 = vector.shape_cast %swap3A_499 : vector<16xf32> to vector<16xf32>
          %swap3A_501 = vector.shape_cast %mul3A_492 : vector<16xf32> to vector<16xf32>
          tpu.vector_store %arg21[%swap3A_498], %swap3A_501 {strides = array<i32>} : memref<4096xf32, #tpu.memory_space<vmem>>, vector<16xf32>,
          %swap3A_502 = arith.index_cast %add3A_438 : i32 to index
          %swap3A_503 = tpu.vector_load %arg22[%swap3A_502] {strides = array<i32>} : memref<4096xf32, #tpu.memory_space<vmem>>, vector<16xf32>,
          %swap3A_504 = vector.shape_cast %swap3A_503 : vector<16xf32> to vector<16xf32>
          %swap3A_505 = vector.shape_cast %mul3A_493 : vector<16xf32> to vector<16xf32>
          tpu.vector_store %arg22[%swap3A_502], %swap3A_505 {strides = array<i32>} : memref<4096xf32, #tpu.memory_space<vmem>>, vector<16xf32>,
          %add3A_506 = arith.addf %scan3A_418, %select_n3A : vector<16xf32>
          %sub3A_507 = arith.subf %scan3A_422, %mul3A_491 : vector<16xf32>
          %sub3A_508 = arith.subf %scan3A_426, %mul3A_492 : vector<16xf32>
          %sub3A_509 = arith.subf %scan3A_430, %mul3A_493 : vector<16xf32>
          %mul3A_510 = arith.constant 64 : i32
          %mul3A_511 = arith.muli %scan3A_417, %mul3A_510 : i32
          %add3A_512 = arith.constant 16 : i32
          %add3A_513 = arith.addi %mul3A_511, %add3A_512 : i32
          %get3A_514 = arith.index_cast %add3A_513 : i32 to index
          %get3A_515 = tpu.vector_load %arg11[%get3A_514] {strides = array<i32>} : memref<4096xi32, #tpu.memory_space<vmem>>, vector<16xi32>,
          %get3A_516 = vector.shape_cast %get3A_515 : vector<16xi32> to vector<16xi32>
          %swap3A_517 = arith.index_cast %add3A_513 : i32 to index
          %swap3A_518 = tpu.vector_load %arg23[%swap3A_517] {strides = array<i32>} : memref<4096xi32, #tpu.memory_space<vmem>>, vector<16xi32>,
          %swap3A_519 = vector.shape_cast %swap3A_518 : vector<16xi32> to vector<16xi32>
          %swap3A_520 = vector.shape_cast %get3A_516 : vector<16xi32> to vector<16xi32>
          tpu.vector_store %arg23[%swap3A_517], %swap3A_520 {strides = array<i32>} : memref<4096xi32, #tpu.memory_space<vmem>>, vector<16xi32>,
          %get3A_521 = arith.index_cast %add3A_513 : i32 to index
          %get3A_522 = tpu.vector_load %arg15[%get3A_521] {strides = array<i32>} : memref<4096xf32, #tpu.memory_space<vmem>>, vector<16xf32>,
          %get3A_523 = vector.shape_cast %get3A_522 : vector<16xf32> to vector<16xf32>
          %sub3A_524 = arith.subf %get3A_271, %get3A_523 : vector<16xf32>
          %get3A_525 = arith.index_cast %add3A_513 : i32 to index
          %get3A_526 = tpu.vector_load %arg16[%get3A_525] {strides = array<i32>} : memref<4096xf32, #tpu.memory_space<vmem>>, vector<16xf32>,
          %get3A_527 = vector.shape_cast %get3A_526 : vector<16xf32> to vector<16xf32>
          %sub3A_528 = arith.subf %get3A_283, %get3A_527 : vector<16xf32>
          %get3A_529 = arith.index_cast %add3A_513 : i32 to index
          %get3A_530 = tpu.vector_load %arg17[%get3A_529] {strides = array<i32>} : memref<4096xf32, #tpu.memory_space<vmem>>, vector<16xf32>,
          %get3A_531 = vector.shape_cast %get3A_530 : vector<16xf32> to vector<16xf32>
          %sub3A_532 = arith.subf %get3A_295, %get3A_531 : vector<16xf32>
          %mul3A_533 = arith.mulf %sub3A_524, %sub3A_524 : vector<16xf32>
          %mul3A_534 = arith.mulf %sub3A_528, %sub3A_528 : vector<16xf32>
          %add3A_535 = arith.addf %mul3A_533, %mul3A_534 : vector<16xf32>
          %mul3A_536 = arith.mulf %sub3A_532, %sub3A_532 : vector<16xf32>
          %add3A_537 = arith.addf %add3A_535, %mul3A_536 : vector<16xf32>
          %max3A_538 = arith.constant 9.99999974E-5 : f32
          %max3A_539 = vector.broadcast %max3A_538 : f32 to vector<16xf32>
          %max3A_540 = arith.maximumf %add3A_537, %max3A_539 : vector<16xf32>
          %lt3A_541 = vector.broadcast %convert_element_type3A_434 : f32 to vector<16xf32>
          %lt3A_542 = arith.cmpf olt, %lt3A_541, %get3A_307 : vector<16xf32>
          %lt3A_543 = arith.constant 6.250000e+00 : f32
          %lt3A_544 = vector.broadcast %lt3A_543 : f32 to vector<16xf32>
          %lt3A_545 = arith.cmpf olt, %max3A_540, %lt3A_544 : vector<16xf32>
          %and3A_546 = arith.andi %lt3A_542, %lt3A_545 : vector<16xi1>
          %ne3A_547 = arith.cmpi ne, %get3A_516, %add3A_321 : vector<16xi32>
          %and3A_548 = arith.andi %and3A_546, %ne3A_547 : vector<16xi1>
          %div3A_549 = arith.constant 1.000000e+00 : f32
          %div3A_550 = vector.broadcast %div3A_549 : f32 to vector<16xf32>
          %div3A_551 = arith.divf %div3A_550, %max3A_540 : vector<16xf32>
          %mul3A_552 = arith.mulf %div3A_551, %div3A_551 : vector<16xf32>
          %mul3A_553 = arith.mulf %mul3A_552, %div3A_551 : vector<16xf32>
          %sub3A_554 = arith.constant 1.000000e+00 : f32
          %sub3A_555 = vector.broadcast %sub3A_554 : f32 to vector<16xf32>
          %sub3A_556 = arith.subf %mul3A_553, %sub3A_555 : vector<16xf32>
          %mul3A_557 = arith.constant 4.000000e+00 : f32
          %mul3A_558 = vector.broadcast %mul3A_557 : f32 to vector<16xf32>
          %mul3A_559 = arith.mulf %mul3A_558, %mul3A_553 : vector<16xf32>
          %mul3A_560 = arith.mulf %mul3A_559, %sub3A_556 : vector<16xf32>
          %jit3A_561 = arith.constant 0.000000e+00 : f32
          %broadcast_in_dim3A_562 = vector.broadcast %jit3A_561 : f32 to vector<16xf32>
          %select_n3A_563 = arith.select %and3A_548, %mul3A_560, %broadcast_in_dim3A_562 : vector<16xi1>, vector<16xf32>
          %mul3A_564 = arith.constant -2.400000e+01 : f32
          %mul3A_565 = vector.broadcast %mul3A_564 : f32 to vector<16xf32>
          %mul3A_566 = arith.mulf %mul3A_565, %div3A_551 : vector<16xf32>
          %add3A_567 = arith.addf %sub3A_556, %mul3A_553 : vector<16xf32>
          %mul3A_568 = arith.mulf %mul3A_553, %add3A_567 : vector<16xf32>
          %mul3A_569 = arith.mulf %mul3A_566, %mul3A_568 : vector<16xf32>
          %jit3A_570 = arith.constant 0.000000e+00 : f32
          %broadcast_in_dim3A_571 = vector.broadcast %jit3A_570 : f32 to vector<16xf32>
          %select_n3A_572 = arith.select %and3A_548, %mul3A_569, %broadcast_in_dim3A_571 : vector<16xi1>, vector<16xf32>
          %mul3A_573 = arith.mulf %select_n3A_572, %sub3A_524 : vector<16xf32>
          %mul3A_574 = arith.mulf %select_n3A_572, %sub3A_528 : vector<16xf32>
          %mul3A_575 = arith.mulf %select_n3A_572, %sub3A_532 : vector<16xf32>
          %swap3A_576 = arith.index_cast %add3A_513 : i32 to index
          %swap3A_577 = tpu.vector_load %arg20[%swap3A_576] {strides = array<i32>} : memref<4096xf32, #tpu.memory_space<vmem>>, vector<16xf32>,
          %swap3A_578 = vector.shape_cast %swap3A_577 : vector<16xf32> to vector<16xf32>
          %swap3A_579 = vector.shape_cast %mul3A_573 : vector<16xf32> to vector<16xf32>
          tpu.vector_store %arg20[%swap3A_576], %swap3A_579 {strides = array<i32>} : memref<4096xf32, #tpu.memory_space<vmem>>, vector<16xf32>,
          %swap3A_580 = arith.index_cast %add3A_513 : i32 to index
          %swap3A_581 = tpu.vector_load %arg21[%swap3A_580] {strides = array<i32>} : memref<4096xf32, #tpu.memory_space<vmem>>, vector<16xf32>,
          %swap3A_582 = vector.shape_cast %swap3A_581 : vector<16xf32> to vector<16xf32>
          %swap3A_583 = vector.shape_cast %mul3A_574 : vector<16xf32> to vector<16xf32>
          tpu.vector_store %arg21[%swap3A_580], %swap3A_583 {strides = array<i32>} : memref<4096xf32, #tpu.memory_space<vmem>>, vector<16xf32>,
          %swap3A_584 = arith.index_cast %add3A_513 : i32 to index
          %swap3A_585 = tpu.vector_load %arg22[%swap3A_584] {strides = array<i32>} : memref<4096xf32, #tpu.memory_space<vmem>>, vector<16xf32>,
          %swap3A_586 = vector.shape_cast %swap3A_585 : vector<16xf32> to vector<16xf32>
          %swap3A_587 = vector.shape_cast %mul3A_575 : vector<16xf32> to vector<16xf32>
          tpu.vector_store %arg22[%swap3A_584], %swap3A_587 {strides = array<i32>} : memref<4096xf32, #tpu.memory_space<vmem>>, vector<16xf32>,
          %add3A_588 = arith.addf %scan3A_419, %select_n3A_563 : vector<16xf32>
          %sub3A_589 = arith.subf %scan3A_423, %mul3A_573 : vector<16xf32>
          %sub3A_590 = arith.subf %scan3A_427, %mul3A_574 : vector<16xf32>
          %sub3A_591 = arith.subf %scan3A_431, %mul3A_575 : vector<16xf32>
          %mul3A_592 = arith.constant 64 : i32
          %mul3A_593 = arith.muli %scan3A_417, %mul3A_592 : i32
          %add3A_594 = arith.constant 32 : i32
          %add3A_595 = arith.addi %mul3A_593, %add3A_594 : i32
          %get3A_596 = arith.index_cast %add3A_595 : i32 to index
          %get3A_597 = tpu.vector_load %arg11[%get3A_596] {strides = array<i32>} : memref<4096xi32, #tpu.memory_space<vmem>>, vector<16xi32>,
          %get3A_598 = vector.shape_cast %get3A_597 : vector<16xi32> to vector<16xi32>
          %swap3A_599 = arith.index_cast %add3A_595 : i32 to index
          %swap3A_600 = tpu.vector_load %arg23[%swap3A_599] {strides = array<i32>} : memref<4096xi32, #tpu.memory_space<vmem>>, vector<16xi32>,
          %swap3A_601 = vector.shape_cast %swap3A_600 : vector<16xi32> to vector<16xi32>
          %swap3A_602 = vector.shape_cast %get3A_598 : vector<16xi32> to vector<16xi32>
          tpu.vector_store %arg23[%swap3A_599], %swap3A_602 {strides = array<i32>} : memref<4096xi32, #tpu.memory_space<vmem>>, vector<16xi32>,
          %get3A_603 = arith.index_cast %add3A_595 : i32 to index
          %get3A_604 = tpu.vector_load %arg15[%get3A_603] {strides = array<i32>} : memref<4096xf32, #tpu.memory_space<vmem>>, vector<16xf32>,
          %get3A_605 = vector.shape_cast %get3A_604 : vector<16xf32> to vector<16xf32>
          %sub3A_606 = arith.subf %get3A_274, %get3A_605 : vector<16xf32>
          %get3A_607 = arith.index_cast %add3A_595 : i32 to index
          %get3A_608 = tpu.vector_load %arg16[%get3A_607] {strides = array<i32>} : memref<4096xf32, #tpu.memory_space<vmem>>, vector<16xf32>,
          %get3A_609 = vector.shape_cast %get3A_608 : vector<16xf32> to vector<16xf32>
          %sub3A_610 = arith.subf %get3A_286, %get3A_609 : vector<16xf32>
          %get3A_611 = arith.index_cast %add3A_595 : i32 to index
          %get3A_612 = tpu.vector_load %arg17[%get3A_611] {strides = array<i32>} : memref<4096xf32, #tpu.memory_space<vmem>>, vector<16xf32>,
          %get3A_613 = vector.shape_cast %get3A_612 : vector<16xf32> to vector<16xf32>
          %sub3A_614 = arith.subf %get3A_298, %get3A_613 : vector<16xf32>
          %mul3A_615 = arith.mulf %sub3A_606, %sub3A_606 : vector<16xf32>
          %mul3A_616 = arith.mulf %sub3A_610, %sub3A_610 : vector<16xf32>
          %add3A_617 = arith.addf %mul3A_615, %mul3A_616 : vector<16xf32>
          %mul3A_618 = arith.mulf %sub3A_614, %sub3A_614 : vector<16xf32>
          %add3A_619 = arith.addf %add3A_617, %mul3A_618 : vector<16xf32>
          %max3A_620 = arith.constant 9.99999974E-5 : f32
          %max3A_621 = vector.broadcast %max3A_620 : f32 to vector<16xf32>
          %max3A_622 = arith.maximumf %add3A_619, %max3A_621 : vector<16xf32>
          %lt3A_623 = vector.broadcast %convert_element_type3A_434 : f32 to vector<16xf32>
          %lt3A_624 = arith.cmpf olt, %lt3A_623, %get3A_310 : vector<16xf32>
          %lt3A_625 = arith.constant 6.250000e+00 : f32
          %lt3A_626 = vector.broadcast %lt3A_625 : f32 to vector<16xf32>
          %lt3A_627 = arith.cmpf olt, %max3A_622, %lt3A_626 : vector<16xf32>
          %and3A_628 = arith.andi %lt3A_624, %lt3A_627 : vector<16xi1>
          %ne3A_629 = arith.cmpi ne, %get3A_598, %add3A_325 : vector<16xi32>
          %and3A_630 = arith.andi %and3A_628, %ne3A_629 : vector<16xi1>
          %div3A_631 = arith.constant 1.000000e+00 : f32
          %div3A_632 = vector.broadcast %div3A_631 : f32 to vector<16xf32>
          %div3A_633 = arith.divf %div3A_632, %max3A_622 : vector<16xf32>
          %mul3A_634 = arith.mulf %div3A_633, %div3A_633 : vector<16xf32>
          %mul3A_635 = arith.mulf %mul3A_634, %div3A_633 : vector<16xf32>
          %sub3A_636 = arith.constant 1.000000e+00 : f32
          %sub3A_637 = vector.broadcast %sub3A_636 : f32 to vector<16xf32>
          %sub3A_638 = arith.subf %mul3A_635, %sub3A_637 : vector<16xf32>
          %mul3A_639 = arith.constant 4.000000e+00 : f32
          %mul3A_640 = vector.broadcast %mul3A_639 : f32 to vector<16xf32>
          %mul3A_641 = arith.mulf %mul3A_640, %mul3A_635 : vector<16xf32>
          %mul3A_642 = arith.mulf %mul3A_641, %sub3A_638 : vector<16xf32>
          %jit3A_643 = arith.constant 0.000000e+00 : f32
          %broadcast_in_dim3A_644 = vector.broadcast %jit3A_643 : f32 to vector<16xf32>
          %select_n3A_645 = arith.select %and3A_630, %mul3A_642, %broadcast_in_dim3A_644 : vector<16xi1>, vector<16xf32>
          %mul3A_646 = arith.constant -2.400000e+01 : f32
          %mul3A_647 = vector.broadcast %mul3A_646 : f32 to vector<16xf32>
          %mul3A_648 = arith.mulf %mul3A_647, %div3A_633 : vector<16xf32>
          %add3A_649 = arith.addf %sub3A_638, %mul3A_635 : vector<16xf32>
          %mul3A_650 = arith.mulf %mul3A_635, %add3A_649 : vector<16xf32>
          %mul3A_651 = arith.mulf %mul3A_648, %mul3A_650 : vector<16xf32>
          %jit3A_652 = arith.constant 0.000000e+00 : f32
          %broadcast_in_dim3A_653 = vector.broadcast %jit3A_652 : f32 to vector<16xf32>
          %select_n3A_654 = arith.select %and3A_630, %mul3A_651, %broadcast_in_dim3A_653 : vector<16xi1>, vector<16xf32>
          %mul3A_655 = arith.mulf %select_n3A_654, %sub3A_606 : vector<16xf32>
          %mul3A_656 = arith.mulf %select_n3A_654, %sub3A_610 : vector<16xf32>
          %mul3A_657 = arith.mulf %select_n3A_654, %sub3A_614 : vector<16xf32>
          %swap3A_658 = arith.index_cast %add3A_595 : i32 to index
          %swap3A_659 = tpu.vector_load %arg20[%swap3A_658] {strides = array<i32>} : memref<4096xf32, #tpu.memory_space<vmem>>, vector<16xf32>,
          %swap3A_660 = vector.shape_cast %swap3A_659 : vector<16xf32> to vector<16xf32>
          %swap3A_661 = vector.shape_cast %mul3A_655 : vector<16xf32> to vector<16xf32>
          tpu.vector_store %arg20[%swap3A_658], %swap3A_661 {strides = array<i32>} : memref<4096xf32, #tpu.memory_space<vmem>>, vector<16xf32>,
          %swap3A_662 = arith.index_cast %add3A_595 : i32 to index
          %swap3A_663 = tpu.vector_load %arg21[%swap3A_662] {strides = array<i32>} : memref<4096xf32, #tpu.memory_space<vmem>>, vector<16xf32>,
          %swap3A_664 = vector.shape_cast %swap3A_663 : vector<16xf32> to vector<16xf32>
          %swap3A_665 = vector.shape_cast %mul3A_656 : vector<16xf32> to vector<16xf32>
          tpu.vector_store %arg21[%swap3A_662], %swap3A_665 {strides = array<i32>} : memref<4096xf32, #tpu.memory_space<vmem>>, vector<16xf32>,
          %swap3A_666 = arith.index_cast %add3A_595 : i32 to index
          %swap3A_667 = tpu.vector_load %arg22[%swap3A_666] {strides = array<i32>} : memref<4096xf32, #tpu.memory_space<vmem>>, vector<16xf32>,
          %swap3A_668 = vector.shape_cast %swap3A_667 : vector<16xf32> to vector<16xf32>
          %swap3A_669 = vector.shape_cast %mul3A_657 : vector<16xf32> to vector<16xf32>
          tpu.vector_store %arg22[%swap3A_666], %swap3A_669 {strides = array<i32>} : memref<4096xf32, #tpu.memory_space<vmem>>, vector<16xf32>,
          %add3A_670 = arith.addf %scan3A_420, %select_n3A_645 : vector<16xf32>
          %sub3A_671 = arith.subf %scan3A_424, %mul3A_655 : vector<16xf32>
          %sub3A_672 = arith.subf %scan3A_428, %mul3A_656 : vector<16xf32>
          %sub3A_673 = arith.subf %scan3A_432, %mul3A_657 : vector<16xf32>
          %mul3A_674 = arith.constant 64 : i32
          %mul3A_675 = arith.muli %scan3A_417, %mul3A_674 : i32
          %add3A_676 = arith.constant 48 : i32
          %add3A_677 = arith.addi %mul3A_675, %add3A_676 : i32
          %get3A_678 = arith.index_cast %add3A_677 : i32 to index
          %get3A_679 = tpu.vector_load %arg11[%get3A_678] {strides = array<i32>} : memref<4096xi32, #tpu.memory_space<vmem>>, vector<16xi32>,
          %get3A_680 = vector.shape_cast %get3A_679 : vector<16xi32> to vector<16xi32>
          %swap3A_681 = arith.index_cast %add3A_677 : i32 to index
          %swap3A_682 = tpu.vector_load %arg23[%swap3A_681] {strides = array<i32>} : memref<4096xi32, #tpu.memory_space<vmem>>, vector<16xi32>,
          %swap3A_683 = vector.shape_cast %swap3A_682 : vector<16xi32> to vector<16xi32>
          %swap3A_684 = vector.shape_cast %get3A_680 : vector<16xi32> to vector<16xi32>
          tpu.vector_store %arg23[%swap3A_681], %swap3A_684 {strides = array<i32>} : memref<4096xi32, #tpu.memory_space<vmem>>, vector<16xi32>,
          %get3A_685 = arith.index_cast %add3A_677 : i32 to index
          %get3A_686 = tpu.vector_load %arg15[%get3A_685] {strides = array<i32>} : memref<4096xf32, #tpu.memory_space<vmem>>, vector<16xf32>,
          %get3A_687 = vector.shape_cast %get3A_686 : vector<16xf32> to vector<16xf32>
          %sub3A_688 = arith.subf %get3A_277, %get3A_687 : vector<16xf32>
          %get3A_689 = arith.index_cast %add3A_677 : i32 to index
          %get3A_690 = tpu.vector_load %arg16[%get3A_689] {strides = array<i32>} : memref<4096xf32, #tpu.memory_space<vmem>>, vector<16xf32>,
          %get3A_691 = vector.shape_cast %get3A_690 : vector<16xf32> to vector<16xf32>
          %sub3A_692 = arith.subf %get3A_289, %get3A_691 : vector<16xf32>
          %get3A_693 = arith.index_cast %add3A_677 : i32 to index
          %get3A_694 = tpu.vector_load %arg17[%get3A_693] {strides = array<i32>} : memref<4096xf32, #tpu.memory_space<vmem>>, vector<16xf32>,
          %get3A_695 = vector.shape_cast %get3A_694 : vector<16xf32> to vector<16xf32>
          %sub3A_696 = arith.subf %get3A_301, %get3A_695 : vector<16xf32>
          %mul3A_697 = arith.mulf %sub3A_688, %sub3A_688 : vector<16xf32>
          %mul3A_698 = arith.mulf %sub3A_692, %sub3A_692 : vector<16xf32>
          %add3A_699 = arith.addf %mul3A_697, %mul3A_698 : vector<16xf32>
          %mul3A_700 = arith.mulf %sub3A_696, %sub3A_696 : vector<16xf32>
          %add3A_701 = arith.addf %add3A_699, %mul3A_700 : vector<16xf32>
          %max3A_702 = arith.constant 9.99999974E-5 : f32
          %max3A_703 = vector.broadcast %max3A_702 : f32 to vector<16xf32>
          %max3A_704 = arith.maximumf %add3A_701, %max3A_703 : vector<16xf32>
          %lt3A_705 = vector.broadcast %convert_element_type3A_434 : f32 to vector<16xf32>
          %lt3A_706 = arith.cmpf olt, %lt3A_705, %get3A_313 : vector<16xf32>
          %lt3A_707 = arith.constant 6.250000e+00 : f32
          %lt3A_708 = vector.broadcast %lt3A_707 : f32 to vector<16xf32>
          %lt3A_709 = arith.cmpf olt, %max3A_704, %lt3A_708 : vector<16xf32>
          %and3A_710 = arith.andi %lt3A_706, %lt3A_709 : vector<16xi1>
          %ne3A_711 = arith.cmpi ne, %get3A_680, %add3A_329 : vector<16xi32>
          %and3A_712 = arith.andi %and3A_710, %ne3A_711 : vector<16xi1>
          %div3A_713 = arith.constant 1.000000e+00 : f32
          %div3A_714 = vector.broadcast %div3A_713 : f32 to vector<16xf32>
          %div3A_715 = arith.divf %div3A_714, %max3A_704 : vector<16xf32>
          %mul3A_716 = arith.mulf %div3A_715, %div3A_715 : vector<16xf32>
          %mul3A_717 = arith.mulf %mul3A_716, %div3A_715 : vector<16xf32>
          %sub3A_718 = arith.constant 1.000000e+00 : f32
          %sub3A_719 = vector.broadcast %sub3A_718 : f32 to vector<16xf32>
          %sub3A_720 = arith.subf %mul3A_717, %sub3A_719 : vector<16xf32>
          %mul3A_721 = arith.constant 4.000000e+00 : f32
          %mul3A_722 = vector.broadcast %mul3A_721 : f32 to vector<16xf32>
          %mul3A_723 = arith.mulf %mul3A_722, %mul3A_717 : vector<16xf32>
          %mul3A_724 = arith.mulf %mul3A_723, %sub3A_720 : vector<16xf32>
          %jit3A_725 = arith.constant 0.000000e+00 : f32
          %broadcast_in_dim3A_726 = vector.broadcast %jit3A_725 : f32 to vector<16xf32>
          %select_n3A_727 = arith.select %and3A_712, %mul3A_724, %broadcast_in_dim3A_726 : vector<16xi1>, vector<16xf32>
          %mul3A_728 = arith.constant -2.400000e+01 : f32
          %mul3A_729 = vector.broadcast %mul3A_728 : f32 to vector<16xf32>
          %mul3A_730 = arith.mulf %mul3A_729, %div3A_715 : vector<16xf32>
          %add3A_731 = arith.addf %sub3A_720, %mul3A_717 : vector<16xf32>
          %mul3A_732 = arith.mulf %mul3A_717, %add3A_731 : vector<16xf32>
          %mul3A_733 = arith.mulf %mul3A_730, %mul3A_732 : vector<16xf32>
          %jit3A_734 = arith.constant 0.000000e+00 : f32
          %broadcast_in_dim3A_735 = vector.broadcast %jit3A_734 : f32 to vector<16xf32>
          %select_n3A_736 = arith.select %and3A_712, %mul3A_733, %broadcast_in_dim3A_735 : vector<16xi1>, vector<16xf32>
          %mul3A_737 = arith.mulf %select_n3A_736, %sub3A_688 : vector<16xf32>
          %mul3A_738 = arith.mulf %select_n3A_736, %sub3A_692 : vector<16xf32>
          %mul3A_739 = arith.mulf %select_n3A_736, %sub3A_696 : vector<16xf32>
          %swap3A_740 = arith.index_cast %add3A_677 : i32 to index
          %swap3A_741 = tpu.vector_load %arg20[%swap3A_740] {strides = array<i32>} : memref<4096xf32, #tpu.memory_space<vmem>>, vector<16xf32>,
          %swap3A_742 = vector.shape_cast %swap3A_741 : vector<16xf32> to vector<16xf32>
          %swap3A_743 = vector.shape_cast %mul3A_737 : vector<16xf32> to vector<16xf32>
          tpu.vector_store %arg20[%swap3A_740], %swap3A_743 {strides = array<i32>} : memref<4096xf32, #tpu.memory_space<vmem>>, vector<16xf32>,
          %swap3A_744 = arith.index_cast %add3A_677 : i32 to index
          %swap3A_745 = tpu.vector_load %arg21[%swap3A_744] {strides = array<i32>} : memref<4096xf32, #tpu.memory_space<vmem>>, vector<16xf32>,
          %swap3A_746 = vector.shape_cast %swap3A_745 : vector<16xf32> to vector<16xf32>
          %swap3A_747 = vector.shape_cast %mul3A_738 : vector<16xf32> to vector<16xf32>
          tpu.vector_store %arg21[%swap3A_744], %swap3A_747 {strides = array<i32>} : memref<4096xf32, #tpu.memory_space<vmem>>, vector<16xf32>,
          %swap3A_748 = arith.index_cast %add3A_677 : i32 to index
          %swap3A_749 = tpu.vector_load %arg22[%swap3A_748] {strides = array<i32>} : memref<4096xf32, #tpu.memory_space<vmem>>, vector<16xf32>,
          %swap3A_750 = vector.shape_cast %swap3A_749 : vector<16xf32> to vector<16xf32>
          %swap3A_751 = vector.shape_cast %mul3A_739 : vector<16xf32> to vector<16xf32>
          tpu.vector_store %arg22[%swap3A_748], %swap3A_751 {strides = array<i32>} : memref<4096xf32, #tpu.memory_space<vmem>>, vector<16xf32>,
          %add3A_752 = arith.addf %scan3A_421, %select_n3A_727 : vector<16xf32>
          %sub3A_753 = arith.subf %scan3A_425, %mul3A_737 : vector<16xf32>
          %sub3A_754 = arith.subf %scan3A_429, %mul3A_738 : vector<16xf32>
          %sub3A_755 = arith.subf %scan3A_433, %mul3A_739 : vector<16xf32>
          scf.yield %add3A_506, %add3A_588, %add3A_670, %add3A_752, %sub3A_507, %sub3A_589, %sub3A_671, %sub3A_753, %sub3A_508, %sub3A_590, %sub3A_672, %sub3A_754, %sub3A_509, %sub3A_591, %sub3A_673, %sub3A_755 : vector<16xf32>, vector<16xf32>, vector<16xf32>, vector<16xf32>, vector<16xf32>, vector<16xf32>, vector<16xf32>, vector<16xf32>, vector<16xf32>, vector<16xf32>, vector<16xf32>, vector<16xf32>, vector<16xf32>, vector<16xf32>, vector<16xf32>, vector<16xf32>
        }
        %scan3A_335 = arith.constant 64 : i32
        %mul3A_336 = arith.constant 64 : i32
        %mul3A_337 = arith.muli %add3A_62, %mul3A_336 : i32
        %add3A_338 = arith.constant 0 : i32
        %add3A_339 = arith.addi %mul3A_337, %add3A_338 : i32
        %swap3A_340 = arith.index_cast %add3A_339 : i32 to index
        %swap3A_341 = tpu.vector_load %arg24[%swap3A_340] {strides = array<i32>} : memref<3136xf32, #tpu.memory_space<vmem>>, vector<16xf32>,
        %swap3A_342 = vector.shape_cast %swap3A_341 : vector<16xf32> to vector<16xf32>
        %swap3A_343 = vector.shape_cast %scan3A_334#4 : vector<16xf32> to vector<16xf32>
        tpu.vector_store %arg24[%swap3A_340], %swap3A_343 {strides = array<i32>} : memref<3136xf32, #tpu.memory_space<vmem>>, vector<16xf32>,
        %swap3A_344 = arith.index_cast %add3A_339 : i32 to index
        %swap3A_345 = tpu.vector_load %arg25[%swap3A_344] {strides = array<i32>} : memref<3136xf32, #tpu.memory_space<vmem>>, vector<16xf32>,
        %swap3A_346 = vector.shape_cast %swap3A_345 : vector<16xf32> to vector<16xf32>
        %swap3A_347 = vector.shape_cast %scan3A_334#8 : vector<16xf32> to vector<16xf32>
        tpu.vector_store %arg25[%swap3A_344], %swap3A_347 {strides = array<i32>} : memref<3136xf32, #tpu.memory_space<vmem>>, vector<16xf32>,
        %swap3A_348 = arith.index_cast %add3A_339 : i32 to index
        %swap3A_349 = tpu.vector_load %arg26[%swap3A_348] {strides = array<i32>} : memref<3136xf32, #tpu.memory_space<vmem>>, vector<16xf32>,
        %swap3A_350 = vector.shape_cast %swap3A_349 : vector<16xf32> to vector<16xf32>
        %swap3A_351 = vector.shape_cast %scan3A_334#12 : vector<16xf32> to vector<16xf32>
        tpu.vector_store %arg26[%swap3A_348], %swap3A_351 {strides = array<i32>} : memref<3136xf32, #tpu.memory_space<vmem>>, vector<16xf32>,
        %mul3A_352 = arith.constant 64 : i32
        %mul3A_353 = arith.muli %add3A_62, %mul3A_352 : i32
        %add3A_354 = arith.constant 16 : i32
        %add3A_355 = arith.addi %mul3A_353, %add3A_354 : i32
        %swap3A_356 = arith.index_cast %add3A_355 : i32 to index
        %swap3A_357 = tpu.vector_load %arg24[%swap3A_356] {strides = array<i32>} : memref<3136xf32, #tpu.memory_space<vmem>>, vector<16xf32>,
        %swap3A_358 = vector.shape_cast %swap3A_357 : vector<16xf32> to vector<16xf32>
        %swap3A_359 = vector.shape_cast %scan3A_334#5 : vector<16xf32> to vector<16xf32>
        tpu.vector_store %arg24[%swap3A_356], %swap3A_359 {strides = array<i32>} : memref<3136xf32, #tpu.memory_space<vmem>>, vector<16xf32>,
        %swap3A_360 = arith.index_cast %add3A_355 : i32 to index
        %swap3A_361 = tpu.vector_load %arg25[%swap3A_360] {strides = array<i32>} : memref<3136xf32, #tpu.memory_space<vmem>>, vector<16xf32>,
        %swap3A_362 = vector.shape_cast %swap3A_361 : vector<16xf32> to vector<16xf32>
        %swap3A_363 = vector.shape_cast %scan3A_334#9 : vector<16xf32> to vector<16xf32>
        tpu.vector_store %arg25[%swap3A_360], %swap3A_363 {strides = array<i32>} : memref<3136xf32, #tpu.memory_space<vmem>>, vector<16xf32>,
        %swap3A_364 = arith.index_cast %add3A_355 : i32 to index
        %swap3A_365 = tpu.vector_load %arg26[%swap3A_364] {strides = array<i32>} : memref<3136xf32, #tpu.memory_space<vmem>>, vector<16xf32>,
        %swap3A_366 = vector.shape_cast %swap3A_365 : vector<16xf32> to vector<16xf32>
        %swap3A_367 = vector.shape_cast %scan3A_334#13 : vector<16xf32> to vector<16xf32>
        tpu.vector_store %arg26[%swap3A_364], %swap3A_367 {strides = array<i32>} : memref<3136xf32, #tpu.memory_space<vmem>>, vector<16xf32>,
        %mul3A_368 = arith.constant 64 : i32
        %mul3A_369 = arith.muli %add3A_62, %mul3A_368 : i32
        %add3A_370 = arith.constant 32 : i32
        %add3A_371 = arith.addi %mul3A_369, %add3A_370 : i32
        %swap3A_372 = arith.index_cast %add3A_371 : i32 to index
        %swap3A_373 = tpu.vector_load %arg24[%swap3A_372] {strides = array<i32>} : memref<3136xf32, #tpu.memory_space<vmem>>, vector<16xf32>,
        %swap3A_374 = vector.shape_cast %swap3A_373 : vector<16xf32> to vector<16xf32>
        %swap3A_375 = vector.shape_cast %scan3A_334#6 : vector<16xf32> to vector<16xf32>
        tpu.vector_store %arg24[%swap3A_372], %swap3A_375 {strides = array<i32>} : memref<3136xf32, #tpu.memory_space<vmem>>, vector<16xf32>,
        %swap3A_376 = arith.index_cast %add3A_371 : i32 to index
        %swap3A_377 = tpu.vector_load %arg25[%swap3A_376] {strides = array<i32>} : memref<3136xf32, #tpu.memory_space<vmem>>, vector<16xf32>,
        %swap3A_378 = vector.shape_cast %swap3A_377 : vector<16xf32> to vector<16xf32>
        %swap3A_379 = vector.shape_cast %scan3A_334#10 : vector<16xf32> to vector<16xf32>
        tpu.vector_store %arg25[%swap3A_376], %swap3A_379 {strides = array<i32>} : memref<3136xf32, #tpu.memory_space<vmem>>, vector<16xf32>,
        %swap3A_380 = arith.index_cast %add3A_371 : i32 to index
        %swap3A_381 = tpu.vector_load %arg26[%swap3A_380] {strides = array<i32>} : memref<3136xf32, #tpu.memory_space<vmem>>, vector<16xf32>,
        %swap3A_382 = vector.shape_cast %swap3A_381 : vector<16xf32> to vector<16xf32>
        %swap3A_383 = vector.shape_cast %scan3A_334#14 : vector<16xf32> to vector<16xf32>
        tpu.vector_store %arg26[%swap3A_380], %swap3A_383 {strides = array<i32>} : memref<3136xf32, #tpu.memory_space<vmem>>, vector<16xf32>,
        %mul3A_384 = arith.constant 64 : i32
        %mul3A_385 = arith.muli %add3A_62, %mul3A_384 : i32
        %add3A_386 = arith.constant 48 : i32
        %add3A_387 = arith.addi %mul3A_385, %add3A_386 : i32
        %swap3A_388 = arith.index_cast %add3A_387 : i32 to index
        %swap3A_389 = tpu.vector_load %arg24[%swap3A_388] {strides = array<i32>} : memref<3136xf32, #tpu.memory_space<vmem>>, vector<16xf32>,
        %swap3A_390 = vector.shape_cast %swap3A_389 : vector<16xf32> to vector<16xf32>
        %swap3A_391 = vector.shape_cast %scan3A_334#7 : vector<16xf32> to vector<16xf32>
        tpu.vector_store %arg24[%swap3A_388], %swap3A_391 {strides = array<i32>} : memref<3136xf32, #tpu.memory_space<vmem>>, vector<16xf32>,
        %swap3A_392 = arith.index_cast %add3A_387 : i32 to index
        %swap3A_393 = tpu.vector_load %arg25[%swap3A_392] {strides = array<i32>} : memref<3136xf32, #tpu.memory_space<vmem>>, vector<16xf32>,
        %swap3A_394 = vector.shape_cast %swap3A_393 : vector<16xf32> to vector<16xf32>
        %swap3A_395 = vector.shape_cast %scan3A_334#11 : vector<16xf32> to vector<16xf32>
        tpu.vector_store %arg25[%swap3A_392], %swap3A_395 {strides = array<i32>} : memref<3136xf32, #tpu.memory_space<vmem>>, vector<16xf32>,
        %swap3A_396 = arith.index_cast %add3A_387 : i32 to index
        %swap3A_397 = tpu.vector_load %arg26[%swap3A_396] {strides = array<i32>} : memref<3136xf32, #tpu.memory_space<vmem>>, vector<16xf32>,
        %swap3A_398 = vector.shape_cast %swap3A_397 : vector<16xf32> to vector<16xf32>
        %swap3A_399 = vector.shape_cast %scan3A_334#15 : vector<16xf32> to vector<16xf32>
        tpu.vector_store %arg26[%swap3A_396], %swap3A_399 {strides = array<i32>} : memref<3136xf32, #tpu.memory_space<vmem>>, vector<16xf32>,
        %dma_start3A_400 = arith.constant 0 : i32
        %dma_start3A_401 = tpu.memref_slice %arg32[%dma_start3A_400] : memref<100352xf32, #tpu.memory_space<vmem_shared>> -> memref<100352xf32, #tpu.memory_space<vmem_shared>>
        tpu.enqueue_indirect_dma source(%arg20 : memref<4096xf32, #tpu.memory_space<vmem>>) target(%dma_start3A_401 : memref<100352xf32, #tpu.memory_space<vmem_shared>>) offsets(%arg23 : memref<4096xi32, #tpu.memory_space<vmem>>) semaphore(%arg37 : memref<!tpu.dma_semaphore, #tpu.memory_space<semaphore_mem>>) {add = true}
        %dma_start3A_402 = arith.constant 0 : i32
        %dma_start3A_403 = tpu.memref_slice %arg33[%dma_start3A_402] : memref<100352xf32, #tpu.memory_space<vmem_shared>> -> memref<100352xf32, #tpu.memory_space<vmem_shared>>
        tpu.enqueue_indirect_dma source(%arg21 : memref<4096xf32, #tpu.memory_space<vmem>>) target(%dma_start3A_403 : memref<100352xf32, #tpu.memory_space<vmem_shared>>) offsets(%arg23 : memref<4096xi32, #tpu.memory_space<vmem>>) semaphore(%arg37 : memref<!tpu.dma_semaphore, #tpu.memory_space<semaphore_mem>>) {add = true}
        %dma_start3A_404 = arith.constant 0 : i32
        %dma_start3A_405 = tpu.memref_slice %arg34[%dma_start3A_404] : memref<100352xf32, #tpu.memory_space<vmem_shared>> -> memref<100352xf32, #tpu.memory_space<vmem_shared>>
        tpu.enqueue_indirect_dma source(%arg22 : memref<4096xf32, #tpu.memory_space<vmem>>) target(%dma_start3A_405 : memref<100352xf32, #tpu.memory_space<vmem_shared>>) offsets(%arg23 : memref<4096xi32, #tpu.memory_space<vmem>>) semaphore(%arg37 : memref<!tpu.dma_semaphore, #tpu.memory_space<semaphore_mem>>) {add = true}
        %get3A_406 = arith.constant 0 : index
        %get3A_407 = tpu.vector_load %arg28[%get3A_406] {strides = array<i32>} : memref<16xf32, #tpu.memory_space<vmem>>, vector<16xf32>,
        %get3A_408 = vector.shape_cast %get3A_407 : vector<16xf32> to vector<16xf32>
        %add3A_409 = arith.addf %scan3A_334#0, %scan3A_334#1 : vector<16xf32>
        %add3A_410 = arith.addf %scan3A_334#2, %scan3A_334#3 : vector<16xf32>
        %add3A_411 = arith.addf %add3A_409, %add3A_410 : vector<16xf32>
        %add3A_412 = arith.addf %get3A_408, %add3A_411 : vector<16xf32>
        %swap3A_413 = arith.constant 0 : index
        %swap3A_414 = tpu.vector_load %arg28[%swap3A_413] {strides = array<i32>} : memref<16xf32, #tpu.memory_space<vmem>>, vector<16xf32>,
        %swap3A_415 = vector.shape_cast %swap3A_414 : vector<16xf32> to vector<16xf32>
        %swap3A_416 = vector.shape_cast %add3A_412 : vector<16xf32> to vector<16xf32>
        tpu.vector_store %arg28[%swap3A_413], %swap3A_416 {strides = array<i32>} : memref<16xf32, #tpu.memory_space<vmem>>, vector<16xf32>,
      } else {
      }
    }
    %scan3A_36 = arith.constant 25 : i32
    %dma_wait3A = arith.constant 0 : i32
    %dma_wait3A_37 = tpu.memref_slice %arg32[%dma_wait3A] : memref<100352xf32, #tpu.memory_space<vmem_shared>> -> memref<100352xf32, #tpu.memory_space<vmem_shared>>
    tpu.wait_indirect_dma semaphore(%arg37 : memref<!tpu.dma_semaphore, #tpu.memory_space<semaphore_mem>>) src(%arg20 : memref<4096xf32, #tpu.memory_space<vmem>>) dst(%dma_wait3A_37 : memref<100352xf32, #tpu.memory_space<vmem_shared>>)
    %dma_wait3A_38 = arith.constant 0 : i32
    %dma_wait3A_39 = tpu.memref_slice %arg33[%dma_wait3A_38] : memref<100352xf32, #tpu.memory_space<vmem_shared>> -> memref<100352xf32, #tpu.memory_space<vmem_shared>>
    tpu.wait_indirect_dma semaphore(%arg37 : memref<!tpu.dma_semaphore, #tpu.memory_space<semaphore_mem>>) src(%arg21 : memref<4096xf32, #tpu.memory_space<vmem>>) dst(%dma_wait3A_39 : memref<100352xf32, #tpu.memory_space<vmem_shared>>)
    %dma_wait3A_40 = arith.constant 0 : i32
    %dma_wait3A_41 = tpu.memref_slice %arg34[%dma_wait3A_40] : memref<100352xf32, #tpu.memory_space<vmem_shared>> -> memref<100352xf32, #tpu.memory_space<vmem_shared>>
    tpu.wait_indirect_dma semaphore(%arg37 : memref<!tpu.dma_semaphore, #tpu.memory_space<semaphore_mem>>) src(%arg22 : memref<4096xf32, #tpu.memory_space<vmem>>) dst(%dma_wait3A_41 : memref<100352xf32, #tpu.memory_space<vmem_shared>>)
    "tpu.region"() ({
      %run_scoped3A = tpu.sem_alloc : memref<!tpu.dma_semaphore, #tpu.memory_space<semaphore_mem>>
      %dma_start3A_58 = tpu.memref_slice %arg8[%mul3A_2] : memref<301056xf32, #tpu.memory_space<hbm>> -> memref<3136xf32, #tpu.memory_space<hbm>>
      %dma_start3A_59 = tpu.memref_slice %arg8[%mul3A_2] : memref<301056xf32, #tpu.memory_space<hbm>> -> memref<3136xf32, #tpu.memory_space<hbm>>
      tpu.enqueue_dma source(%arg24 : memref<3136xf32, #tpu.memory_space<vmem>>) target(%dma_start3A_59 : memref<3136xf32, #tpu.memory_space<hbm>>) target_semaphore(%run_scoped3A : memref<!tpu.dma_semaphore, #tpu.memory_space<semaphore_mem>>)
      %dma_wait3A_60 = tpu.memref_slice %arg8[%mul3A_2] : memref<301056xf32, #tpu.memory_space<hbm>> -> memref<3136xf32, #tpu.memory_space<hbm>>
      %dma_wait3A_61 = tpu.memref_slice %arg8[%mul3A_2] : memref<301056xf32, #tpu.memory_space<hbm>> -> memref<3136xf32, #tpu.memory_space<hbm>>
      tpu.wait_dma2 semaphore(%run_scoped3A : memref<!tpu.dma_semaphore, #tpu.memory_space<semaphore_mem>>) src(%arg24 : memref<3136xf32, #tpu.memory_space<vmem>>) dst(%dma_wait3A_61 : memref<3136xf32, #tpu.memory_space<hbm>>)
      tpu.yield
    }) : () -> ()
    %add3A_42 = arith.constant 100352 : i32
    %add3A_43 = arith.addi %add3A_42, %mul3A_2 : i32
    "tpu.region"() ({
      %run_scoped3A = tpu.sem_alloc : memref<!tpu.dma_semaphore, #tpu.memory_space<semaphore_mem>>
      %dma_start3A_58 = tpu.memref_slice %arg8[%add3A_43] : memref<301056xf32, #tpu.memory_space<hbm>> -> memref<3136xf32, #tpu.memory_space<hbm>>
      %dma_start3A_59 = tpu.memref_slice %arg8[%add3A_43] : memref<301056xf32, #tpu.memory_space<hbm>> -> memref<3136xf32, #tpu.memory_space<hbm>>
      tpu.enqueue_dma source(%arg25 : memref<3136xf32, #tpu.memory_space<vmem>>) target(%dma_start3A_59 : memref<3136xf32, #tpu.memory_space<hbm>>) target_semaphore(%run_scoped3A : memref<!tpu.dma_semaphore, #tpu.memory_space<semaphore_mem>>)
      %dma_wait3A_60 = tpu.memref_slice %arg8[%add3A_43] : memref<301056xf32, #tpu.memory_space<hbm>> -> memref<3136xf32, #tpu.memory_space<hbm>>
      %dma_wait3A_61 = tpu.memref_slice %arg8[%add3A_43] : memref<301056xf32, #tpu.memory_space<hbm>> -> memref<3136xf32, #tpu.memory_space<hbm>>
      tpu.wait_dma2 semaphore(%run_scoped3A : memref<!tpu.dma_semaphore, #tpu.memory_space<semaphore_mem>>) src(%arg25 : memref<3136xf32, #tpu.memory_space<vmem>>) dst(%dma_wait3A_61 : memref<3136xf32, #tpu.memory_space<hbm>>)
      tpu.yield
    }) : () -> ()
    %add3A_44 = arith.constant 200704 : i32
    %add3A_45 = arith.addi %add3A_44, %mul3A_2 : i32
    "tpu.region"() ({
      %run_scoped3A = tpu.sem_alloc : memref<!tpu.dma_semaphore, #tpu.memory_space<semaphore_mem>>
      %dma_start3A_58 = tpu.memref_slice %arg8[%add3A_45] : memref<301056xf32, #tpu.memory_space<hbm>> -> memref<3136xf32, #tpu.memory_space<hbm>>
      %dma_start3A_59 = tpu.memref_slice %arg8[%add3A_45] : memref<301056xf32, #tpu.memory_space<hbm>> -> memref<3136xf32, #tpu.memory_space<hbm>>
      tpu.enqueue_dma source(%arg26 : memref<3136xf32, #tpu.memory_space<vmem>>) target(%dma_start3A_59 : memref<3136xf32, #tpu.memory_space<hbm>>) target_semaphore(%run_scoped3A : memref<!tpu.dma_semaphore, #tpu.memory_space<semaphore_mem>>)
      %dma_wait3A_60 = tpu.memref_slice %arg8[%add3A_45] : memref<301056xf32, #tpu.memory_space<hbm>> -> memref<3136xf32, #tpu.memory_space<hbm>>
      %dma_wait3A_61 = tpu.memref_slice %arg8[%add3A_45] : memref<301056xf32, #tpu.memory_space<hbm>> -> memref<3136xf32, #tpu.memory_space<hbm>>
      tpu.wait_dma2 semaphore(%run_scoped3A : memref<!tpu.dma_semaphore, #tpu.memory_space<semaphore_mem>>) src(%arg26 : memref<3136xf32, #tpu.memory_space<vmem>>) dst(%dma_wait3A_61 : memref<3136xf32, #tpu.memory_space<hbm>>)
      tpu.yield
    }) : () -> ()
    %mul3A_46 = arith.constant 16 : i32
    %mul3A_47 = arith.muli %add3A, %mul3A_46 : i32
    "tpu.region"() ({
      %run_scoped3A = tpu.sem_alloc : memref<!tpu.dma_semaphore, #tpu.memory_space<semaphore_mem>>
      %dma_start3A_58 = tpu.memref_slice %arg9[%mul3A_47] : memref<512xf32, #tpu.memory_space<hbm>> -> memref<16xf32, #tpu.memory_space<hbm>>
      %dma_start3A_59 = tpu.memref_slice %arg9[%mul3A_47] : memref<512xf32, #tpu.memory_space<hbm>> -> memref<16xf32, #tpu.memory_space<hbm>>
      tpu.enqueue_dma source(%arg28 : memref<16xf32, #tpu.memory_space<vmem>>) target(%dma_start3A_59 : memref<16xf32, #tpu.memory_space<hbm>>) target_semaphore(%run_scoped3A : memref<!tpu.dma_semaphore, #tpu.memory_space<semaphore_mem>>)
      %dma_wait3A_60 = tpu.memref_slice %arg9[%mul3A_47] : memref<512xf32, #tpu.memory_space<hbm>> -> memref<16xf32, #tpu.memory_space<hbm>>
      %dma_wait3A_61 = tpu.memref_slice %arg9[%mul3A_47] : memref<512xf32, #tpu.memory_space<hbm>> -> memref<16xf32, #tpu.memory_space<hbm>>
      tpu.wait_dma2 semaphore(%run_scoped3A : memref<!tpu.dma_semaphore, #tpu.memory_space<semaphore_mem>>) src(%arg28 : memref<16xf32, #tpu.memory_space<vmem>>) dst(%dma_wait3A_61 : memref<16xf32, #tpu.memory_space<hbm>>)
      tpu.yield
    }) : () -> ()
    %barrier3A_48 = arith.constant 0 : index
    tpu.barrier barrier_id(%barrier3A_48)
    %mul3A_49 = arith.constant 301056 : i32
    %mul3A_50 = arith.muli %arg0, %mul3A_49 : i32
    %add3A_51 = arith.addi %mul3A_50, %mul3A_4 : i32
    "tpu.region"() ({
      %run_scoped3A = tpu.sem_alloc : memref<!tpu.dma_semaphore, #tpu.memory_space<semaphore_mem>>
      %dma_start3A_58 = tpu.memref_slice %arg7[%add3A_51] : memref<602112xf32, #tpu.memory_space<hbm>> -> memref<6272xf32, #tpu.memory_space<hbm>>
      %dma_start3A_59 = tpu.memref_slice %arg32[%mul3A_4] : memref<100352xf32, #tpu.memory_space<vmem_shared>> -> memref<6272xf32, #tpu.memory_space<vmem_shared>>
      tpu.enqueue_dma source(%dma_start3A_59 : memref<6272xf32, #tpu.memory_space<vmem_shared>>) target(%dma_start3A_58 : memref<6272xf32, #tpu.memory_space<hbm>>) target_semaphore(%run_scoped3A : memref<!tpu.dma_semaphore, #tpu.memory_space<semaphore_mem>>)
      %dma_wait3A_60 = tpu.memref_slice %arg7[%add3A_51] : memref<602112xf32, #tpu.memory_space<hbm>> -> memref<6272xf32, #tpu.memory_space<hbm>>
      %dma_wait3A_61 = tpu.memref_slice %arg32[%mul3A_4] : memref<100352xf32, #tpu.memory_space<vmem_shared>> -> memref<6272xf32, #tpu.memory_space<vmem_shared>>
      tpu.wait_dma2 semaphore(%run_scoped3A : memref<!tpu.dma_semaphore, #tpu.memory_space<semaphore_mem>>) src(%dma_wait3A_61 : memref<6272xf32, #tpu.memory_space<vmem_shared>>) dst(%dma_wait3A_60 : memref<6272xf32, #tpu.memory_space<hbm>>)
      tpu.yield
    }) : () -> ()
    %add3A_52 = arith.constant 100352 : i32
    %add3A_53 = arith.addi %mul3A_50, %add3A_52 : i32
    %add3A_54 = arith.addi %add3A_53, %mul3A_4 : i32
    "tpu.region"() ({
      %run_scoped3A = tpu.sem_alloc : memref<!tpu.dma_semaphore, #tpu.memory_space<semaphore_mem>>
      %dma_start3A_58 = tpu.memref_slice %arg7[%add3A_54] : memref<602112xf32, #tpu.memory_space<hbm>> -> memref<6272xf32, #tpu.memory_space<hbm>>
      %dma_start3A_59 = tpu.memref_slice %arg33[%mul3A_4] : memref<100352xf32, #tpu.memory_space<vmem_shared>> -> memref<6272xf32, #tpu.memory_space<vmem_shared>>
      tpu.enqueue_dma source(%dma_start3A_59 : memref<6272xf32, #tpu.memory_space<vmem_shared>>) target(%dma_start3A_58 : memref<6272xf32, #tpu.memory_space<hbm>>) target_semaphore(%run_scoped3A : memref<!tpu.dma_semaphore, #tpu.memory_space<semaphore_mem>>)
      %dma_wait3A_60 = tpu.memref_slice %arg7[%add3A_54] : memref<602112xf32, #tpu.memory_space<hbm>> -> memref<6272xf32, #tpu.memory_space<hbm>>
      %dma_wait3A_61 = tpu.memref_slice %arg33[%mul3A_4] : memref<100352xf32, #tpu.memory_space<vmem_shared>> -> memref<6272xf32, #tpu.memory_space<vmem_shared>>
      tpu.wait_dma2 semaphore(%run_scoped3A : memref<!tpu.dma_semaphore, #tpu.memory_space<semaphore_mem>>) src(%dma_wait3A_61 : memref<6272xf32, #tpu.memory_space<vmem_shared>>) dst(%dma_wait3A_60 : memref<6272xf32, #tpu.memory_space<hbm>>)
      tpu.yield
    }) : () -> ()
    %add3A_55 = arith.constant 200704 : i32
    %add3A_56 = arith.addi %mul3A_50, %add3A_55 : i32
    %add3A_57 = arith.addi %add3A_56, %mul3A_4 : i32
    "tpu.region"() ({
      %run_scoped3A = tpu.sem_alloc : memref<!tpu.dma_semaphore, #tpu.memory_space<semaphore_mem>>
      %dma_start3A_58 = tpu.memref_slice %arg7[%add3A_57] : memref<602112xf32, #tpu.memory_space<hbm>> -> memref<6272xf32, #tpu.memory_space<hbm>>
      %dma_start3A_59 = tpu.memref_slice %arg34[%mul3A_4] : memref<100352xf32, #tpu.memory_space<vmem_shared>> -> memref<6272xf32, #tpu.memory_space<vmem_shared>>
      tpu.enqueue_dma source(%dma_start3A_59 : memref<6272xf32, #tpu.memory_space<vmem_shared>>) target(%dma_start3A_58 : memref<6272xf32, #tpu.memory_space<hbm>>) target_semaphore(%run_scoped3A : memref<!tpu.dma_semaphore, #tpu.memory_space<semaphore_mem>>)
      %dma_wait3A_60 = tpu.memref_slice %arg7[%add3A_57] : memref<602112xf32, #tpu.memory_space<hbm>> -> memref<6272xf32, #tpu.memory_space<hbm>>
      %dma_wait3A_61 = tpu.memref_slice %arg34[%mul3A_4] : memref<100352xf32, #tpu.memory_space<vmem_shared>> -> memref<6272xf32, #tpu.memory_space<vmem_shared>>
      tpu.wait_dma2 semaphore(%run_scoped3A : memref<!tpu.dma_semaphore, #tpu.memory_space<semaphore_mem>>) src(%dma_wait3A_61 : memref<6272xf32, #tpu.memory_space<vmem_shared>>) dst(%dma_wait3A_60 : memref<6272xf32, #tpu.memory_space<hbm>>)
      tpu.yield
    }) : () -> ()
    return
  }
}

</mosaic_0001>

<sc_bundles>
// kernel: kernel.3.cloned.1.call-start
scs
__scs_entry_jumppad:
0x0: {  	(pc) =	sbr.rel $0x88, $3  }
0x1: {  	(tag) =	ssettag $0x0;
	lr =	simm.s32 $0x1  }
0x2: {  	[smem:$0x3F9E] =	sst lr;
	_ =	strace $0xD0000000  }
0x3: {  	_ = 	snop  }
0x4: {  	_ = 	snop  }
0x5: {  	_ = 	snop  }
0x6: {  	_ = 	snop  }
0x7: {  	_ = 	snop  }
__scs_overlays_trampoline_lowered:
0x8: {  	[smem:$0x3FAD] =	sst s0  }
0x9: {  	[smem:$0x3FAE] =	sst s1  }
0xa: {  	[smem:$0x3FAF] =	sst s2  }
0xb: {  	[smem:$0x3FB0] =	sst s3  }
0xc: {  	[smem:$0x3FB1] =	sst s4  }
0xd: {  	[smem:$0x3FB2] =	sst s5  }
0xe: {  	[smem:$0x3FB3] =	sst s6  }
0xf: {  	[smem:$0x3FB4] =	sst s7  }
0x10: {  	[smem:$0x3FB5] =	sst s8  }
0x11: {  	[smem:$0x3FB6] =	sst s9;
	s0 =	simm.s32 @!p0 $0x0  }
0x12: {  	s1 =	sld [smem:$0x3F9C];
	s0 =	simm.s32 @p0 $0x1  }
0x13: {  	[smem:$0x3FB7] =	sst s0;
	s0 =	simm.s32 @!p1 $0x0  }
0x14: {  	s2 =	sld [smem:$0x3F9B];
	s0 =	simm.s32 @p1 $0x1  }
0x15: {  	[smem:$0x3FB8] =	sst s0;
	s0 =	simm.s32 @!p2 $0x0  }
0x16: {  	s3 =	sld [smem:$0x3FDB];
	s0 =	simm.s32 @p2 $0x1  }
0x17: {  	s4 =	simm.s32 $0x1BF5;
	[smem:$0x3FBA] =	sst s0  }
0x18: {  	s0 =	sld [smem:$0x3F9D];
	_ =	swait.ge [sflag:s4], $0x0  }
0x19: {  	s7 =	sld [smem:$0x3F9E]  }
0x1a: {  	s8 =	sadd.s32 $0xFFFFE003, lr  }
0x1b: {  	s9 =	sadd.s32 $0xFFFFFEF7, lr;
	s5 =	simm.s32 $0xFFFFFFFF;
	p2 =	slt.u32 s8, $0xFFFFF086  }
0x1c: {  	p1 =	slt.u32 s9, $0xF7A;
	s5 =	simm.s32 @!p2 $0x0  }
0x1d: {  	s5 =	simm.s32 @p1 $0x1;
	p0 =	seq.s32 s7, s2  }
0x1e: {  	s7 =	smul.u32 @!p0 $0xF7A, s2;
	p2 =	seq.s32 @!p0 s5, $0x0  }
0x1f: {  	s9 =	smul.u32 $0xF7A, s1;
	s8 =	simm.s32 @!p0 $0x1BF5;
	p2 =	por !p2, p0  }
0x20: {  	[sflag:s8] =	ssyncset.s32 @!p0 $0xFFFFF086;
	s6 =	sadd.s32 @!p0 s3, s7;
	s7 =	simm.s32 @!p0 $0x108  }
0x21: {  	s3 =	sadd.s32 s3, s9;
	s6 =	sadd.s32 @!p0 $0x88, s6;
	s7 =	simm.s32 @p2 $0x1082  }
0x22: {  	[simem:s7], [sflag:s8] =	dma.local @!p0 [hbm:s6], $0xF7A  }
0x23: {  	s9 =	sor.u32 $0xD0000000, s2;
	s6 =	simm.s32 $0x108;
	_ =	swait.ge @!p0 [sflag:s8], $0x0  }
0x24: {  	s3 =	sadd.s32 $0x88, s3;
	s6 =	simm.s32 @!p1 $0x1082;
	[sflag:s4] =	ssyncset.s32 $0xFFFFF086  }
0x25: {  	[simem:s6], [sflag:s4] =	dma.local [hbm:s3], $0xF7A  }
0x26: {  	[smem:$0x3F9E] =	sst s1;
	(tag) =	ssettag s2;
	_ =	strace s9  }
0x27: {  	s1 =	sld [smem:$0x3FAE]  }
0x28: {  	s2 =	sld [smem:$0x3FAF]  }
0x29: {  	s4 =	sld [smem:$0x3FB1]  }
0x2a: {  	p0 =	seq.s32 s5, $0x0;
	s5 =	sld [smem:$0x3FB2]  }
0x2b: {  	s6 =	sld [smem:$0x3FB3]  }
0x2c: {  	s7 =	sld [smem:$0x3FB4]  }
0x2d: {  	s3 =	simm.s32 $0x108;
	s8 =	sld [smem:$0x3FB5]  }
0x2e: {  	s3 =	simm.s32 @!p0 $0x1082;
	s9 =	sld [smem:$0x3FB6]  }
0x2f: {  	lr =	sadd.s32 s0, s3;
	s0 =	sld [smem:$0x3FAD]  }
0x30: {  	s3 =	sld [smem:$0x3FB0]  }
0x31: {  	[smem:$0x3FB9] =	sst s10  }
0x32: {  	s10 =	sld [smem:$0x3FB7];
	_ =	sdelay $0x3  }
0x33: {  	p0 =	seq.s32 s10, $0x1;
	s10 =	sld [smem:$0x3FB9];
	_ =	sdelay $0x3  }
0x34: {  	[smem:$0x3FB9] =	sst s10  }
0x35: {  	s10 =	sld [smem:$0x3FB8];
	_ =	sdelay $0x3  }
0x36: {  	p1 =	seq.s32 s10, $0x1;
	s10 =	sld [smem:$0x3FB9];
	_ =	sdelay $0x3  }
0x37: {  	[smem:$0x3FB9] =	sst s10  }
0x38: {  	s10 =	sld [smem:$0x3FBA]  }
0x39: {  	_ = 	snop;
	(pc) =	sbr.ind lr, $3  }
0x3a: {  	_ = 	snop  }
0x3b: {  	_ = 	snop  }
0x3c: {  	p2 =	seq.s32 s10, $0x1;
	s10 =	sld [smem:$0x3FB9]  }
0x3d: {  	_ =	shalt  }
0x3e: {  	_ =	shalt  }
0x3f: {  	_ =	shalt  }
0x40: {  	_ =	shalt  }
0x41: {  	_ =	shalt  }
0x42: {  	_ =	shalt  }
0x43: {  	_ =	shalt  }
0x44: {  	_ =	shalt  }
0x45: {  	_ =	shalt  }
0x46: {  	_ =	shalt  }
0x47: {  	_ =	shalt  }
0x48: {  	_ =	shalt  }
0x49: {  	_ =	shalt  }
0x4a: {  	_ =	shalt  }
0x4b: {  	_ =	shalt  }
0x4c: {  	_ =	shalt  }
0x4d: {  	_ =	shalt  }
0x4e: {  	_ =	shalt  }
0x4f: {  	_ =	shalt  }
0x50: {  	_ =	shalt  }
0x51: {  	_ =	shalt  }
0x52: {  	_ =	shalt  }
0x53: {  	_ =	shalt  }
0x54: {  	_ =	shalt  }
0x55: {  	_ =	shalt  }
0x56: {  	_ =	shalt  }
0x57: {  	_ =	shalt  }
0x58: {  	_ =	shalt  }
0x59: {  	_ =	shalt  }
0x5a: {  	_ =	shalt  }
0x5b: {  	_ =	shalt  }
0x5c: {  	_ =	shalt  }
0x5d: {  	_ =	shalt  }
0x5e: {  	_ =	shalt  }
0x5f: {  	_ =	shalt  }
0x60: {  	_ =	shalt  }
0x61: {  	_ =	shalt  }
0x62: {  	_ =	shalt  }
0x63: {  	_ =	shalt  }
0x64: {  	_ =	shalt  }
0x65: {  	_ =	shalt  }
0x66: {  	_ =	shalt  }
0x67: {  	_ =	shalt  }
0x68: {  	_ =	shalt  }
0x69: {  	_ =	shalt  }
0x6a: {  	_ =	shalt  }
0x6b: {  	_ =	shalt  }
0x6c: {  	_ =	shalt  }
0x6d: {  	_ =	shalt  }
0x6e: {  	_ =	shalt  }
0x6f: {  	_ =	shalt  }
0x70: {  	_ =	shalt  }
0x71: {  	_ =	shalt  }
0x72: {  	_ =	shalt  }
0x73: {  	_ =	shalt  }
0x74: {  	_ =	shalt  }
0x75: {  	_ =	shalt  }
0x76: {  	_ =	shalt  }
0x77: {  	_ =	shalt  }
0x78: {  	_ =	shalt  }
0x79: {  	_ =	shalt  }
0x7a: {  	_ =	shalt  }
0x7b: {  	_ =	shalt  }
0x7c: {  	_ =	shalt  }
0x7d: {  	_ =	shalt  }
0x7e: {  	_ =	shalt  }
0x7f: {  	_ =	shalt  }
0x80: {  	_ =	shalt  }
0x81: {  	_ =	shalt  }
0x82: {  	_ =	shalt  }
0x83: {  	_ =	shalt  }
0x84: {  	_ =	shalt  }
0x85: {  	_ =	shalt  }
0x86: {  	_ =	shalt  }
0x87: {  	_ =	shalt  }
.Lfunc_end0:
.L_simem_size_0:
called_computation_lowered:
.L_overlay_start_0:
0x88: {  	s2 =	sld [smem:$0x3FD9]  }
0x89: {  	s3 =	sld [smem:$0x3FFE];
	_ =	sdelay $0x1  }
0x8a: {  	s1 =	srdreg.scid  }
0x8b: {  	s0 =	sand.u32 $0x1, s1  }
0x8c: {  	s14 =	sshll.u32 s0, $0xA;
	s2 =	sadd.s32 s3, s2  }
0x8d: {  	s2 =	sadd.s32 s2, s14  }
0x8e: {  	[smem:$0x3FC5] =	sst s2  }
0x8f: {  	_ = 	snop  }
0x90: {  	s2 =	sld [smem:$0x3FD0];
	_ =	sdelay $0x2  }
0x91: {  	s15 =	simm.s32 $0xA;
	s4 =	simm.s32 $0x10  }
0x92: {  	[smem:s4], [sflag:s15] =	dma.local [hbm:s2], $0x1  }
0x93: {  	_ =	swait.eq [sflag:s15], $0x1  }
0x94: {  	[sflag:s15] =	ssyncset.done $0x0  }
0x95: {  	[sflag:s15] =	ssyncadd.s32 $0xFFFFFFFF  }
0x96: {  	s16 =	sld [smem:$0x11];
	(tm) =	ssettm $0x1  }
0x97: {  	s17 =	sld [smem:$0x3FFB];
	_ =	sdelay $0x3  }
0x98: {  	_ =	strace s17  }
0x99: {  	s3 =	sld [smem:$0x3FFC];
	_ =	sdelay $0x3  }
0x9a: {  	_ =	strace s3  }
0x9b: {  	s3 =	sld [smem:$0x3FFD];
	_ =	sdelay $0x3  }
0x9c: {  	_ =	strace s3  }
0x9d: {  	_ =	strace $0x8FFFFFFF  }
0x9e: {  	s18 =	sld [smem:$0x3FDB];
	_ =	sdelay $0x1  }
0x9f: {  	s19 =	simm.s32 $_scs_section_size  }
0xa0: {  	s5 =	simm.s32 $_size__tile_overlayer_lowered;
	s6 =	simm.s32 $_tile_overlayer_lowered  }
0xa1: {  	s22 =	simm.s32 $0x1BFF;
	s21 =	sshll.u32 s6, $0x1;
	s3 =	sadd.s32 s19, s18  }
0xa2: {  	s7 =	simm.s32 $0x0;
	s20 =	sshll.u32 s5, $0x1;
	s5 =	sadd.s32 s21, s3  }
0xa3: {  	[timem:s7], [sflag:s22] =	dma.local [hbm:s5], s20  }
0xa4: {  	_ =	swait.ge [sflag:s22], s20  }
0xa5: {  	s4 =	ssub.s32 $0x0, s20;
	[sflag:s22] =	ssyncset.done $0x0  }
0xa6: {  	[sflag:s22] =	ssyncadd.s32 s4;
	_ =	sdelay $0x1  }
0xa7: {  	s23 =	simm.s32 $0x1B8B  }
0xa8: {  	_ =	swait.ge [sflag:s23], $0x1  }
0xa9: {  	[sflag:s23] =	ssyncset.done $0x0  }
0xaa: {  	s25 =	simm.s32 $0x1B8E;
	s24 =	sld [smem:$0x3FFE];
	[sflag:s23] =	ssyncadd.s32 $0xFFFFFFFF  }
0xab: {  	s26 =	simm.s32 $execute0_lowered;
	[smem:$0x3FD2] =	sst s25  }
0xac: {  	s5 =	sshll.u32 s26, $0x1;
	_ =	strace $0x80000046;
	[dreg:$0x1] =	wrdreg $0xFFFFFFFF  }
0xad: {  	s28 =	simm.s32 $_size_execute0_lowered;
	s3 =	sadd.s32 s3, s5;
	[dreg:$0x0] =	wrdreg $0x0  }
0xae: {  	s5 =	sshll.u32 s28, $0x1;
	[dreg:$0x2] =	wrdreg s3  }
0xaf: {  	[dreg:$0x3] =	wrdreg s5  }
0xb0: {  	[dreg:$0x4] =	wrdreg $0xC0  }
0xb1: {  	_ =	task [dreg:s7], $0x5FFFF  }
0xb2: {  	[dreg:$0x1] =	wrdreg $0xFFFFFFFF  }
0xb3: {  	[dreg:$0x0] =	wrdreg $0x60  }
0xb4: {  	[dreg:$0x2] =	wrdreg s24  }
0xb5: {  	[dreg:$0x3] =	wrdreg s16  }
0xb6: {  	[dreg:$0x4] =	wrdreg $0x100800  }
0xb7: {  	[dreg:$0x5] =	wrdreg $0x119000  }
0xb8: {  	[dreg:$0x6] =	wrdreg $0x131800  }
0xb9: {  	[dreg:$0x7] =	wrdreg $0x14A000  }
0xba: {  	[dreg:$0x8] =	wrdreg $0x162800  }
0xbb: {  	[dreg:$0x9] =	wrdreg $0x17B000  }
0xbc: {  	[dreg:$0xa] =	wrdreg $0x9  }
0xbd: {  	_ =	task.clear_ibuf [dreg:s7], $0xBFFFF;
	_ =	strace $0x90000046  }
0xbe: {  	s29 =	simm.s32 $0x9;
	_ =	strace $0x80000048  }
0xbf: {  	_ =	swait.ge [sflag:s29], $0x1  }
0xc0: {  	[sflag:s29] =	ssyncadd.s32 $0xFFFFFFFF  }
0xc1: {  	_ =	strace $0x90000048  }
0xc2: {  	_ =	sfence  }
0xc3: {  	s30 =	sld [smem:$0x0];
	_ =	sdelay $0x2  }
0xc4: {  	s31 =	sshll.u32 s1, $0xD;
	s1 =	sshrl.u32 s1, $0x2  }
0xc5: {  	s3 =	sand.u32 $0x4000, s31;
	s1 =	sadd.s32 s1, s30  }
0xc6: {  	s0 =	sor.u32 s3, s0;
	s1 =	sshll.u32 s1, $0x11  }
0xc7: {  	s0 =	sor.u32 s1, s0  }
0xc8: {  	s0 =	sadd.s32 $0x8F2B, s0  }
0xc9: {  	[sflag:s0] =	ssyncadd.remote.s32 $0x1  }
0xca: {  	_ =	sfence.sel $0xFFFF  }
0xcb: {  	[dreg:$0x0] =	wrdreg $0xFFFFFFFF;
	(pc) =	sbr.abs _section_cstart, $3  }
0xcc: {  	[dreg:$0x1] =	wrdreg $0xFFFFFFFF  }
0xcd: {  	_ =	task.clear_ibuf [dreg:s7], $0x2FFFF;
	_ =	strace $0x9FFFFFFF  }
0xce: {  	(tm) =	ssettm $0x7FFFFFFF  }
0xcf: {  	_ =	shalt  }
tec
execute0_lowered:
.L_overlay_start_1:
0x0: {  	(tag) =	ssettag $0x1  }
0x1: {  	s0 =	rddreg [dreg:$0x0]  }
0x2: {  	s5 =	rddreg [dreg:$0x1]  }
0x3: {  	s1 =	rddreg [dreg:$0x2]  }
0x4: {  	s2 =	rddreg [dreg:$0x3]  }
0x5: {  	s3 =	rddreg [dreg:$0x4]  }
0x6: {  	s4 =	rddreg [dreg:$0x5]  }
0x7: {  	s6 =	rddreg [dreg:$0x6]  }
0x8: {  	s7 =	rddreg [dreg:$0x7]  }
0x9: {  	s8 =	srdreg.scid;
	s18 =	stileid.u32;
	s9 =	simm.s32 $0x0  }
0xa: {  	s8 =	sand.u32 $0x1, s8;
	s12 =	smul.u32 $0x1880, s18;
	[smem:$0x7FF] =	sst s9  }
0xb: {  	s9 =	sadd.s32 $0x9600, s0;
	s10 =	sadd.s32 $0x15A00, s0;
	s24 =	sshll.u32 s18, $0x6  }
0xc: {  	s11 =	smul.u32 $0x49800, s8;
	_ =	strace $0x80000047;
	s13 =	sshll.u32 s8, $0x4  }
0xd: {  	s8 =	ssub.s32 $0x2, s8;
	s22 =	sor.u32 $0x1C04, s24;
	s13 =	sor.u32 s18, s13  }
0xe: {  	s23 =	sshrl.u32 s8, $0x1;
	s16 =	sshrl.u32 s12, $0x3;
	s17 =	sadd.s32 s12, s1  }
0xf: {  	s18 =	sadd.s32 s12, s3;
	s24 =	sadd.s32 s12, s4;
	s26 =	sadd.s32 s12, s6  }
0x10: {  	[dreg:$0xa] =	wrdreg s22;
	s11 =	sadd.s32 s12, s11;
	s14 =	sshll.u32 s13, $0x1  }
0x11: {  	s8 =	ssub.s32 s8, s23;
	s21 =	sadd.s32 s0, s16;
	[dreg:$0xd] =	wrdreg s26  }
0x12: {  	s25 =	smul.u32 $0x620, s13;
	s17 =	sshrl.u32 s17, $0x3;
	[dreg:$0xc] =	wrdreg s24  }
0x13: {  	s19 =	smul.u32 $0x6200, s13;
	s18 =	sshrl.u32 s18, $0x3;
	[dreg:$0x16] =	wrdreg s17  }
0x14: {  	s11 =	sshrl.u32 s11, $0x3;
	s14 =	sadd.s32 s14, s0;
	[dreg:$0x18] =	wrdreg s18  }
0x15: {  	s8 =	smax.u32 s8, $0x1;
	[dreg:$0x9] =	wrdreg s21;
	s15 =	sadd.s32 s11, s0  }
0x16: {  	s0 =	sadd.s32 s12, s2;
	s12 =	sadd.s32 s12, s7;
	[dreg:$0x15] =	wrdreg s8  }
0x17: {  	s23 =	sadd.s32 s9, s25;
	[dreg:$0xe] =	wrdreg s12  }
0x18: {  	s25 =	sadd.s32 s10, s19;
	[dreg:$0xf] =	wrdreg s23  }
0x19: {  	s26 =	sadd.s32 $0xEC000, s14;
	[dreg:$0x10] =	wrdreg s25  }
0x1a: {  	s28 =	simm.s32 $0x1;
	s19 =	sadd.s32 $0x6400, s21;
	[dreg:$0x11] =	wrdreg s26  }
0x1b: {  	s29 =	simm.s32 $0xB200;
	s21 =	sadd.s32 $0x3200, s21;
	[dreg:$0x19] =	wrdreg s19  }
0x1c: {  	s30 =	simm.s32 $0x8200;
	s14 =	sadd.s32 $0xDCB00, s15;
	[dreg:$0x1a] =	wrdreg s21  }
0x1d: {  	s11 =	smul.u32 $0xC40, s13;
	s16 =	sadd.s32 $0xDFC00, s15;
	[dreg:$0x13] =	wrdreg s14  }
0x1e: {  	s31 =	simm.s32 $0x9200;
	s0 =	sshrl.u32 s0, $0x3;
	[dreg:$0x14] =	wrdreg s16  }
0x1f: {  	s18 =	simm.s32 $0x3;
	s20 =	sshrl.u32 s11, $0x3;
	[dreg:$0x17] =	wrdreg s0  }
0x20: {  	s5 =	sadd.s32 s5, s20;
	s20 =	smul.u32 $0x31, s13;
	s13 =	sadd.s32 $0xD9A00, s15  }
.Ltmp0:
0x21: {  	s8 =	simm.s32 $0x0;
	[dreg:$0x12] =	wrdreg s13;
	(pc) =	sbr.rel .LBB2_1-.Ltmp0, $4  }
0x22: {  	s19 =	simm.s32 $0x4;
	s25 =	sadd.s32 $0x3100, s5;
	[dreg:$0xb] =	wrdreg s5  }
0x23: {  	s12 =	simm.s32 $0x2;
	s26 =	sadd.s32 $0x6200, s5;
	[dreg:$0x1c] =	wrdreg s25  }
0x24: {  	s21 =	simm.s32 $0x0;
	s23 =	sadd.s32 $0x2, s20;
	[dreg:$0x1d] =	wrdreg s26  }
0x25: {  	v0 =	vimm.f32 $0.0e+00;
	s5 =	simm.s32 $0xA200;
	[dreg:$0x1b] =	wrdreg s23;
	s23 =	simm.s32 $0x1000  }
.LBB2_11:
0x26: {  	_ =	swait.ge [sflag:s18], $0x1000  }
0x27: {  	[sflag:s18] =	ssyncset.done $0x0  }
0x28: {  	[sflag:s18] =	ssyncadd.s32 $0xFFFFF000  }
0x29: {  	_ =	swait.ge [sflag:s18], $0x1000  }
0x2a: {  	[sflag:s18] =	ssyncset.done $0x0  }
0x2b: {  	[sflag:s18] =	ssyncadd.s32 $0xFFFFF000  }
0x2c: {  	_ =	swait.ge [sflag:s18], $0x1000  }
0x2d: {  	s0 =	simm.s32 $0x0;
	[sflag:s18] =	ssyncset.done $0x0  }
0x2e: {  	s13 =	simm.s32 $0xC200;
	s8 =	rddreg [dreg:$0xb];
	[sflag:s18] =	ssyncadd.s32 $0xFFFFF000  }
0x2f: {  	[hbm4b:s8+s0] =	stream.linear.scatter [tilespmem:s13], [sflag:$0x4], $0xC40, $0x38;
	[tilespmem:$0x19380] =	vst v63  }
0x30: {  	_ =	swait.ge [sflag:s19], $0xC40  }
0x31: {  	[sflag:s19] =	ssyncset.done $0x0  }
0x32: {  	s17 =	simm.s32 $0xCE80;
	s16 =	rddreg [dreg:$0x1c];
	[sflag:s19] =	ssyncadd.s32 $0xFFFFF3C0  }
0x33: {  	[hbm4b:s16+s0] =	stream.linear.scatter [tilespmem:s17], [sflag:$0x4], $0xC40, $0x38;
	[tilespmem:$0x19380] =	vst v63  }
0x34: {  	_ =	swait.ge [sflag:s19], $0xC40  }
0x35: {  	[sflag:s19] =	ssyncset.done $0x0  }
0x36: {  	s24 =	simm.s32 $0xDB00;
	s22 =	rddreg [dreg:$0x1d];
	[sflag:s19] =	ssyncadd.s32 $0xFFFFF3C0  }
0x37: {  	[hbm4b:s22+s0] =	stream.linear.scatter [tilespmem:s24], [sflag:$0x4], $0xC40, $0x38;
	[tilespmem:$0x19380] =	vst v63  }
0x38: {  	_ =	swait.ge [sflag:s19], $0xC40  }
0x39: {  	[sflag:s19] =	ssyncset.done $0x0  }
0x3a: {  	s26 =	simm.s32 $0x10000;
	s25 =	rddreg [dreg:$0x11];
	[sflag:s19] =	ssyncadd.s32 $0xFFFFF3C0  }
0x3b: {  	[hbm4b:s25+s0] =	stream.linear.scatter [tilespmem:s26], [sflag:$0x4], $0x10, $0x38;
	[tilespmem:$0x19380] =	vst v63  }
0x3c: {  	_ =	swait.ge [sflag:s19], $0x10  }
0x3d: {  	[sflag:s19] =	ssyncset.done $0x0  }
0x3e: {  	[sflag:s19] =	ssyncadd.s32 $0xFFFFFFF0  }
0x3f: {  	[bflag:$0x0] =	sbarrier.arrive $0xFFFF  }
0x40: {  	s24 =	rddreg [dreg:$0xc]  }
0x41: {  	s22 =	rddreg [dreg:$0xa]  }
0x42: {  	s13 =	rddreg [dreg:$0x12];
	s8 =	sshrl.u32 s24, $0x3  }
0x43: {  	[hbm:s13], [sflag:s22] =	dma.local [spmem:s8], $0x310  }
0x44: {  	_ =	swait.ge [sflag:s19], $0x310  }
0x45: {  	[sflag:s19] =	ssyncset.done $0x0;
	s14 =	rddreg [dreg:$0xd]  }
0x46: {  	s15 =	rddreg [dreg:$0x13];
	[sflag:s19] =	ssyncadd.s32 $0xFFFFFCF0;
	s0 =	sshrl.u32 s14, $0x3  }
0x47: {  	[hbm:s15], [sflag:s22] =	dma.local [spmem:s0], $0x310  }
0x48: {  	_ =	swait.ge [sflag:s19], $0x310  }
0x49: {  	[sflag:s19] =	ssyncset.done $0x0;
	s16 =	rddreg [dreg:$0xe]  }
0x4a: {  	s17 =	rddreg [dreg:$0x14];
	[sflag:s19] =	ssyncadd.s32 $0xFFFFFCF0;
	s0 =	sshrl.u32 s16, $0x3  }
0x4b: {  	[hbm:s17], [sflag:s22] =	dma.local [spmem:s0], $0x310  }
0x4c: {  	_ =	swait.ge [sflag:s19], $0x310  }
0x4d: {  	s25 =	rddreg [dreg:$0x1e]  }
0x4e: {  	s26 =	rddreg [dreg:$0x15];
	s8 =	sadd.s32 $0x1, s25  }
0x4f: {  	p0 =	sne.s32 s8, s26  }
.Ltmp1:
0x50: {  	_ = 	snop;
	(pc) =	sbr.rel @!p0 .LBB2_12-.Ltmp1, $3  }
0x51: {  	_ =	sdelay $0x1  }
0x52: {  	[sflag:s19] =	ssyncset.done $0x0  }
0x53: {  	v0 =	vimm.f32 $0.0e+00;
	[sflag:s19] =	ssyncadd.s32 $0xFFFFFCF0  }
.LBB2_1:
0x54: {  	[dreg:$0x1e] =	wrdreg s8  }
0x55: {  	s0 =	rddreg [dreg:$0x16]  }
0x56: {  	s15 =	rddreg [dreg:$0x19]  }
0x57: {  	[spmem:s0], [sflag:s22] =	dma.local [hbm:s15], $0x310  }
0x58: {  	_ =	swait.ge [sflag:s19], $0x310  }
0x59: {  	[sflag:s19] =	ssyncset.done $0x0;
	s16 =	rddreg [dreg:$0x17]  }
0x5a: {  	s17 =	rddreg [dreg:$0x1a];
	[sflag:s19] =	ssyncadd.s32 $0xFFFFFCF0  }
0x5b: {  	[spmem:s16], [sflag:s22] =	dma.local [hbm:s17], $0x310  }
0x5c: {  	_ =	swait.ge [sflag:s19], $0x310  }
0x5d: {  	[sflag:s19] =	ssyncset.done $0x0;
	s25 =	rddreg [dreg:$0x9]  }
0x5e: {  	s26 =	rddreg [dreg:$0x18];
	[sflag:s19] =	ssyncadd.s32 $0xFFFFFCF0  }
0x5f: {  	[spmem:s26], [sflag:s22] =	dma.local [hbm:s25], $0x310  }
0x60: {  	_ =	swait.ge [sflag:s19], $0x310  }
0x61: {  	[sflag:s19] =	ssyncset.done $0x0  }
0x62: {  	s8 =	simm.s32 $0x40;
	s13 =	simm.s32 $0x0;
	[sflag:s19] =	ssyncadd.s32 $0xFFFFFCF0  }
.LBB2_2:
0x63: {  	p0 =	sne.s32 s8, $0x61C0;
	[tilespmem:s13+$0xE780] =	vst v0;
	s13 =	smov.u32 s8;
	s8 =	sadd.s32 $0x40, s8  }
.Ltmp2:
0x64: {  	(pc) =	sbr.rel @p0 .LBB2_2-.Ltmp2, $2  }
0x65: {  	_ =	sdelay $0x2  }
0x66: {  	s13 =	sshra.s32 s13, $0x2  }
0x67: {  	[tilespmem:s13+$0xE780] =	vst v0;
	s8 =	simm.s32 $0xE780  }
0x68: {  	[spmem:s24] =	stream.linear.scatter [tilespmem:s8], [sflag:$0x4], $0x1880, $0x38;
	[tilespmem:$0x19380] =	vst v63  }
0x69: {  	_ =	swait.ge [sflag:s19], $0x1880  }
0x6a: {  	[sflag:s19] =	ssyncset.done $0x0  }
0x6b: {  	s0 =	rddreg [dreg:$0xd];
	[sflag:s19] =	ssyncadd.s32 $0xFFFFE780  }
0x6c: {  	[spmem:s0] =	stream.linear.scatter [tilespmem:s8], [sflag:$0x4], $0x1880, $0x38;
	[tilespmem:$0x19380] =	vst v63  }
0x6d: {  	_ =	swait.ge [sflag:s19], $0x1880  }
0x6e: {  	[sflag:s19] =	ssyncset.done $0x0  }
0x6f: {  	s15 =	rddreg [dreg:$0xe];
	[sflag:s19] =	ssyncadd.s32 $0xFFFFE780  }
0x70: {  	[spmem:s15] =	stream.linear.scatter [tilespmem:s8], [sflag:$0x4], $0x1880, $0x38;
	[tilespmem:$0x19380] =	vst v63  }
0x71: {  	_ =	swait.ge [sflag:s19], $0x1880  }
0x72: {  	[sflag:s19] =	ssyncset.done $0x0  }
0x73: {  	[sflag:s19] =	ssyncadd.s32 $0xFFFFE780  }
0x74: {  	[bflag:$0x0] =	sbarrier.arrive $0xFFFF  }
0x75: {  	s17 =	simm.s32 $0x8000;
	[tilespmem:$0x10000] =	vst v0;
	s16 =	rddreg [dreg:$0xf]  }
0x76: {  	[tilespmem:s17], [sflag:$0x4] =	stream.linear.gather [hbm4b:s16+s21], $0x100, $0x38;
	[tilespmem:$0x19380] =	vst v63  }
0x77: {  	_ =	swait.ge [sflag:s19], $0x100  }
0x78: {  	[sflag:s19] =	ssyncset.done $0x0  }
0x79: {  	s22 =	rddreg [dreg:$0x10];
	[sflag:s19] =	ssyncadd.s32 $0xFFFFFF00  }
0x7a: {  	[tilespmem:s21], [sflag:$0x4] =	stream.linear.gather [hbm4b:s22+s21], $0x1000, $0x38;
	[tilespmem:$0x19380] =	vst v63  }
0x7b: {  	_ =	swait.ge [sflag:s19], $0x1000  }
0x7c: {  	[sflag:s19] =	ssyncset.done $0x0  }
0x7d: {  	s24 =	simm.s32 $0x2000;
	[sflag:s19] =	ssyncadd.s32 $0xFFFFF000  }
0x7e: {  	[tilespmem:s24], [sflag:$0x1] =	stream.indirect.gather [spmem:s1], $0x1, s21, s23, $0xb8;
	[tilespmem:$0x19380] =	vst v63  }
.Ltmp3:
0x7f: {  	_ = 	snop;
	(pc) =	sbr.rel .LBB2_4-.Ltmp3, $4  }
0x80: {  	s25 =	simm.s32 $0x3000  }
0x81: {  	[tilespmem:s25], [sflag:$0x1] =	stream.indirect.gather [spmem:s2], $0x1, s21, s23, $0xb8;
	[tilespmem:$0x19380] =	vst v63  }
0x82: {  	s26 =	simm.s32 $0x4000;
	s8 =	simm.s32 $0x0  }
0x83: {  	[tilespmem:s26], [sflag:$0x1] =	stream.indirect.gather [spmem:s3], $0x1, s21, s23, $0xb8;
	[tilespmem:$0x19380] =	vst v63  }
.LBB2_10:
0x84: {  	s8 =	sadd.s32 $0x1, s8  }
0x85: {  	p0 =	sne.s32 s8, $0x19  }
.Ltmp4:
0x86: {  	_ = 	snop;
	(pc) =	sbr.rel @!p0 .LBB2_11-.Ltmp4, $1  }
0x87: {  	_ =	sdelay $0x3  }
.LBB2_4:
0x88: {  	s15 =	sshllo.u32 s8, $0x1  }
0x89: {  	p0 =	sgt.u32 s15, $0x30  }
0x8a: {  	s13 =	sadd.s32 @!p0 s20, s15  }
0x8b: {  	s14 =	sshll.u32 @!p0 s13, $0x5  }
0x8c: {  	s14 =	sand.u32 @!p0 $0x1FFFFFE0, s14  }
0x8d: {  	s16 =	simm.s32 @!p0 $0x0;
	s17 =	simm.s32 @!p0 $0x8100;
	s14 =	sadd.s32 @!p0 s9, s14  }
0x8e: {  	[tilespmem:s17], [sflag:$0x4] =	stream.linear.gather @!p0 [hbm4b:s14+s16], $0x100, $0x38;
	[tilespmem:$0x19380] =	vst v63  }
0x8f: {  	s14 =	simm.s32 @!p0 $0x4  }
0x90: {  	s13 =	sshll.u32 @!p0 s13, $0x9;
	_ =	swait.ge @!p0 [sflag:s14], $0x100  }
0x91: {  	s13 =	sand.u32 @!p0 $0x1FFFFE00, s13;
	[sflag:s14] =	ssyncset.done @!p0 $0x0  }
0x92: {  	s13 =	sadd.s32 @!p0 s10, s13;
	s17 =	simm.s32 @!p0 $0x1000;
	[sflag:s14] =	ssyncadd.s32 @!p0 $0xFFFFFF00  }
0x93: {  	[tilespmem:s17], [sflag:$0x4] =	stream.linear.gather @!p0 [hbm4b:s13+s16], $0x1000, $0x38;
	[tilespmem:$0x19380] =	vst v63  }
0x94: {  	_ =	swait.ge @!p0 [sflag:s14], $0x1000  }
0x95: {  	[sflag:s14] =	ssyncset.done @!p0 $0x0  }
0x96: {  	s13 =	simm.s32 @!p0 $0x5000;
	[sflag:s14] =	ssyncadd.s32 @!p0 $0xFFFFF000  }
0x97: {  	[tilespmem:s13], [sflag:$0x2] =	stream.indirect.gather @!p0 [spmem:s1], $0x1, s17, s17, $0xb8;
	[tilespmem:$0x19380] =	vst v63  }
0x98: {  	s13 =	simm.s32 @!p0 $0x6000  }
0x99: {  	[tilespmem:s13], [sflag:$0x2] =	stream.indirect.gather @!p0 [spmem:s2], $0x1, s17, s17, $0xb8;
	[tilespmem:$0x19380] =	vst v63  }
0x9a: {  	p1 =	seq.s32 s8, $0x0;
	s13 =	simm.s32 @!p0 $0x7000  }
0x9b: {  	[tilespmem:s13], [sflag:$0x2] =	stream.indirect.gather @!p0 [spmem:s3], $0x1, s17, s17, $0xb8;
	[tilespmem:$0x19380] =	vst v63  }
0x9c: {  	s13 =	simm.s32 @!p1 $0x3  }
0x9d: {  	_ =	swait.ge @!p1 [sflag:s13], $0x1000  }
0x9e: {  	[sflag:s13] =	ssyncset.done @!p1 $0x0  }
0x9f: {  	[sflag:s13] =	ssyncadd.s32 @!p1 $0xFFFFF000  }
0xa0: {  	_ =	swait.ge @!p1 [sflag:s13], $0x1000  }
0xa1: {  	[sflag:s13] =	ssyncset.done @!p1 $0x0  }
0xa2: {  	[sflag:s13] =	ssyncadd.s32 @!p1 $0xFFFFF000  }
0xa3: {  	_ =	swait.ge @!p1 [sflag:s13], $0x1000  }
0xa4: {  	[sflag:s13] =	ssyncset.done @!p1 $0x0  }
0xa5: {  	[sflag:s13] =	ssyncadd.s32 @!p1 $0xFFFFF000  }
0xa6: {  	_ =	swait.ge [sflag:s28], $0x1000  }
0xa7: {  	[sflag:s28] =	ssyncset.done $0x0  }
0xa8: {  	[sflag:s28] =	ssyncadd.s32 $0xFFFFF000  }
0xa9: {  	_ =	swait.ge [sflag:s28], $0x1000  }
0xaa: {  	[sflag:s28] =	ssyncset.done $0x0  }
0xab: {  	[sflag:s28] =	ssyncadd.s32 $0xFFFFF000  }
0xac: {  	_ =	swait.ge [sflag:s28], $0x1000  }
0xad: {  	[sflag:s28] =	ssyncset.done $0x0  }
0xae: {  	[sflag:s28] =	ssyncadd.s32 $0xFFFFF000  }
0xaf: {  	v8 =	vld [tilespmem:$0x8000]  }
0xb0: {  	v9 =	vld [tilespmem:$0x8010]  }
0xb1: {  	v10 =	vld [tilespmem:$0x8020]  }
0xb2: {  	v11 =	vld [tilespmem:$0x8030]  }
0xb3: {  	v12 =	vld [tilespmem:$0x8040]  }
0xb4: {  	v13 =	vld [tilespmem:$0x8050]  }
0xb5: {  	v14 =	vld [tilespmem:$0x8060]  }
0xb6: {  	v15 =	vld [tilespmem:$0x8070]  }
0xb7: {  	v16 =	vld [tilespmem:$0x8080]  }
0xb8: {  	v17 =	vld [tilespmem:$0x8090]  }
0xb9: {  	v18 =	vld [tilespmem:$0x80A0]  }
0xba: {  	v19 =	vld [tilespmem:$0x80B0]  }
0xbb: {  	s17 =	simm.s32 $0x0;
	v22 =	vld [tilespmem:$0x80C0]  }
0xbc: {  	v1 =	vld [tilespmem:s17+$0x4000]  }
0xbd: {  	v5 =	vld [tilespmem:s17+$0x3010]  }
0xbe: {  	v6 =	vld [tilespmem:s17+$0x3000]  }
0xbf: {  	v20 =	vld [tilespmem:s17+$0x2000]  }
0xc0: {  	v21 =	vld [tilespmem:s17+$0x2010]  }
0xc1: {  	v3 =	vld [tilespmem:s17+$0x4030]  }
0xc2: {  	v2 =	vld [tilespmem:s17+$0x4010]  }
0xc3: {  	v26 =	vld [tilespmem:s17+$0x2020]  }
0xc4: {  	v4 =	vld [tilespmem:s17+$0x4020];
	v40 =	vsub.f32 v12, v6;
	v39 =	vsub.f32 v8, v20  }
0xc5: {  	v27 =	vld [tilespmem:s17+$0x2030];
	v41 =	vsub.f32 v13, v5;
	v42 =	vsub.f32 v9, v21  }
0xc6: {  	v24 =	vld [tilespmem:$0x80D0];
	v35 =	vsub.f32 v16, v1;
	v1 =	vmul.f32 v40, v40;
	v5 =	vmul.f32 v39, v39  }
0xc7: {  	s26 =	simm.s32 $0x1;
	v62 =	vld [tilespmem:$0x80E0];
	v43 =	vsub.f32 v17, v2;
	v2 =	vmul.f32 v41, v41;
	v6 =	vmul.f32 v42, v42  }
0xc8: {  	s14 =	scvt.s32.f32 s26;
	v0 =	vld [tilespmem:s17+$0x0];
	v21 =	vsub.f32 v19, v3;
	v29 =	vsub.f32 v10, v26;
	v20 =	vmul.f32 v35, v35  }
0xc9: {  	v28 =	vld [tilespmem:s17+$0x10];
	v1 =	vadd.f32 v1, v5;
	v5 =	vmul.f32 v43, v43;
	v2 =	vadd.f32 v2, v6  }
0xca: {  	v50 =	vmov s14;
	v3 =	vld [tilespmem:s17+$0x20];
	v31 =	vsub.f32 v11, v27;
	v27 =	vsub.f32 v18, v4  }
0xcb: {  	s16 =	sshll.u32 s8, $0x7;
	v32 =	vmul.f32 v21, v21;
	v6 =	vld [tilespmem:s17+$0x3030];
	v1 =	vadd.f32 v20, v1;
	v2 =	vadd.f32 v5, v2  }
0xcc: {  	s24 =	sadd.s32 s11, s16;
	vm7 =	vlt.f32 v50, v24;
	v33 =	vmul.f32 v31, v31;
	v37 =	vmul.f32 v27, v27;
	v5 =	vld [tilespmem:s17+$0x30]  }
0xcd: {  	s25 =	sor.u32 $0x10, s24;
	v20 =	vld [tilespmem:s17+$0x3020];
	v1 =	vmax.f32 v1, $9.999999740e-05;
	v23 =	vmax.f32 v2, $9.999999740e-05;
	v2 =	vlaneseq.u32  }
0xce: {  	s22 =	sor.u32 $0x20, s24;
	s13 =	sor.u32 $0x30, s24;
	v25 =	vld [tilespmem:$0x80F0];
	[tilespmem:s17+$0xB200] =	vst v0;
	(erf) = vrcp.f32 v1;
	v63 =	vor.u32 s24, v2;
	v53 =	vor.u32 s25, v2  }
0xcf: {  	[tilespmem:s17+$0xB210] =	vst v28;
	v7 =	vor.u32 s22, v2;
	v61 =	vor.u32 s13, v2;
	v2 =	vimm.f32 $0.0e+00  }
0xd0: {  	[tilespmem:s17+$0xB220] =	vst v3;
	s24 =	scvt.s32.f32 s21;
	v26 =	vsub.f32 v15, v6;
	v6 =	vmul.f32 v29, v29;
	vm2 =	vlt.f32 v23, $6.250000000e+00  }
0xd1: {  	s13 =	simm.s32 $0x40;
	vm3 =	vlt.f32 v1, $6.250000000e+00;
	(erf) = vrcp.f32 v23;
	vm6 =	vne.s32 v28, v53;
	[tilespmem:s17+$0xB230] =	vst v5  }
0xd2: {  	v30 =	vmov s24;
	v20 =	vsub.f32 v14, v20;
	v34 =	vmul.f32 v26, v26;
	v38 =	vld [tilespmem:s13+$0x3020]  }
0xd3: {  	vm5 =	vne.s32 v5, v61;
	vm1 =	vlt.f32 v30, v22;
	vm0 =	vlt.f32 v30, v24;
	v44 =	vld [tilespmem:s13+$0x3030]  }
0xd4: {  	vm4 =	vlt.f32 v30, v25;
	v51 =	vld [tilespmem:s13+$0x3000];
	v4 =	vmul.f32 v20, v20;
	v23 =	vadd.f32 v34, v33  }
0xd5: {  	v52 =	vld [tilespmem:s13+$0x2000];
	vm2 =	vmand vm0, vm2;
	vm1 =	vmand vm1, vm3;
	vm3 =	vne.s32 v0, v63  }
0xd6: {  	vm0 =	vlt.f32 v30, v62;
	v0 =	vld [tilespmem:s13+$0x4010];
	vm3 =	vmand vm3, vm1;
	v4 =	vadd.f32 v4, v6  }
0xd7: {  	vm2 =	vmand vm6, vm2;
	vm6 =	vmmov vm4;
	v1 =	vadd.f32 v32, v23  }
0xd8: {  	vm4 =	vmmov vm5;
	vm5 =	vlt.f32 v50, v22;
	v4 =	vadd.f32 v37, v4  }
0xd9: {  	v23 =	vld [tilespmem:s13+$0x4030];
	v1 =	vmax.f32 v1, $9.999999740e-05;
	v32 =	vsub.f32 v14, v38;
	v48 =	vsub.f32 v15, v44;
	v46 =	vpop (erf)  }
0xda: {  	v33 =	vsub.f32 v12, v51;
	v38 =	vsub.f32 v8, v52;
	v51 =	vimm.f32 $0.0e+00;
	v36 =	vpop (erf)  }
0xdb: {  	v34 =	vsub.f32 v17, v0;
	(erf) = vrcp.f32 v1;
	v6 =	vmul.f32 v36, v36  }
0xdc: {  	vm10 =	vlt.f32 v1, $6.250000000e+00;
	v58 =	vmul.f32 v46, v46;
	v4 =	vmax.f32 v4, $9.999999740e-05  }
0xdd: {  	v59 =	vld [tilespmem:s13+$0x4020];
	v57 =	vmul.f32 v32, v32;
	vm6 =	vmand vm6, vm10;
	v6 =	vmul.f32 v6, v36  }
0xde: {  	v5 =	vld [tilespmem:s13+$0x4000];
	v37 =	vsub.f32 v19, v23;
	vm1 =	vlt.f32 v4, $6.250000000e+00;
	(erf) = vrcp.f32 v4  }
0xdf: {  	v23 =	vmul.f32 v58, v46;
	vm0 =	vmand vm0, vm1;
	v30 =	vadd.f32 $-1.000000000e+00, v6  }
0xe0: {  	vm1 =	vne.s32 v3, v7;
	v3 =	vmul.f32 v38, v38;
	v60 =	vmul.f32 $4.000000000e+00, v6  }
0xe1: {  	v45 =	vld [tilespmem:s13+$0x3010];
	v46 =	vmul.f32 $-2.400000000e+01, v46;
	v36 =	vmul.f32 $-2.400000000e+01, v36;
	v28 =	vadd.f32 v30, v6  }
0xe2: {  	[tilespmem:$0x1FF20] =	vst v14;
	v54 =	vld [tilespmem:s13+$0x2020];
	v14 =	vmul.f32 v37, v37;
	v47 =	vmul.f32 v30, v60;
	v30 =	vsub.f32 v18, v59  }
0xe3: {  	[tilespmem:$0x1FF10] =	vst v16;
	v6 =	vmul.f32 v28, v6;
	v28 =	vsub.f32 v16, v5;
	v5 =	vld [tilespmem:s13+$0x2030];
	v16 =	vadd.f32 $-1.000000000e+00, v23  }
0xe4: {  	vm0 =	vmand vm1, vm0;
	v58 =	vmul.f32 $4.000000000e+00, v23;
	v59 =	vmul.f32 v34, v34  }
0xe5: {  	v56 =	vmul.f32 v30, v30;
	v0 =	vmul.f32 v6, v36;
	v4 =	vadd.f32 v16, v23  }
0xe6: {  	[tilespmem:$0x1FF50] =	vst v15;
	v6 =	vld [tilespmem:s13+$0x2010];
	v36 =	vsub.f32 v13, v45;
	v15 =	vmul.f32 v28, v28;
	v52 =	vmul.f32 v16, v58  }
0xe7: {  	[tilespmem:$0x1FFA0] =	vst v10;
	v45 =	vsub.f32 v10, v54;
	v10 =	vmul.f32 v48, v48;
	v4 =	vmul.f32 v4, v23  }
0xe8: {  	[tilespmem:$0x1FEF0] =	vst v17;
	v23 =	vpop (erf);
	v0 =	vnsel vm2, $0x0, v0;
	v55 =	vsub.f32 v11, v5;
	v5 =	vmul.f32 v33, v33  }
0xe9: {  	[tilespmem:$0x1FF90] =	vst v11;
	vm1 =	vlt.f32 v50, v25;
	v17 =	vmul.f32 $-2.400000000e+01, v23;
	v11 =	vmul.f32 v0, v43  }
0xea: {  	v52 =	vnsel vm3, $0x0, v52;
	v42 =	vmul.f32 v0, v42;
	v4 =	vmul.f32 v4, v46  }
0xeb: {  	[tilespmem:$0x1FED0] =	vst v22;
	v44 =	vsub.f32 v9, v6;
	v3 =	vadd.f32 v5, v3;
	v5 =	vmul.f32 v45, v45  }
0xec: {  	[tilespmem:$0x1FEE0] =	vst v24;
	v6 =	vmul.f32 v36, v36;
	v54 =	vmul.f32 v55, v55;
	v4 =	vnsel vm3, $0x0, v4  }
0xed: {  	[tilespmem:$0x1FF40] =	vst v13;
	v49 =	vld [tilespmem:s13+$0x0];
	v60 =	vmul.f32 v44, v44;
	v57 =	vadd.f32 v57, v5;
	v13 =	vmul.f32 v4, v40  }
0xee: {  	[tilespmem:$0x1FF00] =	vst v19;
	v5 =	vld [tilespmem:s13+$0x30];
	v3 =	vadd.f32 v15, v3;
	v15 =	vmul.f32 v0, v41;
	v39 =	vmul.f32 v4, v39  }
0xef: {  	[tilespmem:$0x1FF30] =	vst v18;
	v0 =	vpop (erf);
	v4 =	vmul.f32 v4, v35;
	v6 =	vadd.f32 v6, v60;
	v60 =	vmul.f32 v23, v23  }
0xf0: {  	[tilespmem:$0x1FF60] =	vst v12;
	v40 =	vsub.f32 v2, v42;
	v1 =	vmul.f32 v0, v0;
	v41 =	vsub.f32 v2, v13  }
0xf1: {  	[tilespmem:$0x1FF70] =	vst v9;
	v43 =	vsub.f32 v2, v15;
	v46 =	vsub.f32 v2, v39;
	v9 =	vmul.f32 v60, v23  }
0xf2: {  	[tilespmem:s13+$0xB200] =	vst v49;
	v6 =	vadd.f32 v59, v6;
	v23 =	vadd.f32 v52, v2;
	v52 =	vimm.f32 $0.0e+00  }
0xf3: {  	vm3 =	vne.s32 v5, v61;
	[tilespmem:s13+$0xB230] =	vst v5;
	v5 =	vmax.f32 v3, $9.999999740e-05;
	v59 =	vadd.f32 $-1.000000000e+00, v9  }
0xf4: {  	v6 =	vmax.f32 v6, $9.999999740e-05;
	v12 =	vmul.f32 $4.000000000e+00, v9;
	[tilespmem:s17+$0xA210] =	vst v11;
	(erf) = vrcp.f32 v5  }
0xf5: {  	[tilespmem:s17+$0x8210] =	vst v42;
	v42 =	vsub.f32 v2, v11;
	vm8 =	vlt.f32 v6, $6.250000000e+00;
	v3 =	vadd.f32 v59, v9  }
0xf6: {  	[tilespmem:s17+$0x9210] =	vst v15;
	(erf) = vrcp.f32 v6;
	vm9 =	vmand vm7, vm8;
	vm7 =	vlt.f32 v5, $6.250000000e+00  }
0xf7: {  	[tilespmem:s17+$0x8200] =	vst v39;
	vm8 =	vmand vm4, vm6;
	v58 =	vmul.f32 v59, v12;
	v6 =	vmul.f32 v3, v9  }
0xf8: {  	[tilespmem:s17+$0x9200] =	vst v13;
	vm4 =	vmand vm5, vm7;
	vm5 =	vne.s32 v49, v63;
	v3 =	vmul.f32 v1, v0  }
0xf9: {  	[tilespmem:s17+$0xA200] =	vst v4;
	v39 =	vnsel vm8, $0x0, v58;
	v1 =	vmul.f32 v6, v17;
	v6 =	vnsel vm2, $0x0, v47  }
0xfa: {  	[tilespmem:$0x1FF80] =	vst v8;
	v16 =	vadd.f32 $-1.000000000e+00, v3;
	v17 =	vld [tilespmem:s13+$0x10];
	v47 =	vsub.f32 v2, v4;
	v4 =	vmul.f32 $4.000000000e+00, v3  }
0xfb: {  	[tilespmem:$0x1FFC0] =	vst v25;
	v49 =	vimm.f32 $0.0e+00;
	v0 =	vmul.f32 $-2.400000000e+01, v0;
	v39 =	vadd.f32 v39, v2  }
0xfc: {  	[tilespmem:$0x1FFE0] =	vst v62;
	v35 =	vadd.f32 v6, v2;
	v6 =	vadd.f32 v10, v54;
	v54 =	vmul.f32 v16, v4  }
0xfd: {  	[tilespmem:$0x1FFB0] =	vst v7;
	vm2 =	vlt.f32 v50, v62;
	v50 =	vimm.f32 $0.0e+00;
	v5 =	vadd.f32 v16, v3  }
0xfe: {  	[tilespmem:$0x1FFD0] =	vst v61;
	v4 =	vnsel vm8, $0x0, v1;
	v62 =	vpop (erf);
	v59 =	vadd.f32 v14, v6;
	v61 =	vnsel vm0, $0x0, v54  }
0xff: {  	[tilespmem:$0x1FFF0] =	vst v63;
	v1 =	vmul.f32 v62, v62;
	v63 =	vpop (erf);
	v54 =	vimm.f32 $0.0e+00;
	vm6 =	vne.s32 v17, v53  }
0x100: {  	s14 =	sshll.u32 s8, $0x1;
	s22 =	simm.s32 $0x2;
	s24 =	simm.s32 $0x200;
	v25 =	vmovc v53;
	v6 =	vmul.f32 v63, v63;
	v58 =	vmax.f32 v59, $9.999999740e-05;
	v59 =	vld [tilespmem:s13+$0x20];
	[tilespmem:s13+$0xB210] =	vst v17;
	v53 =	vimm.f32 $0.0e+00  }
.LBB2_5:
0x101: {  	v8 =	vld [tilespmem:$0x1FED0]  }
0x102: {  	v11 =	vld [tilespmem:$0x1FEE0]  }
0x103: {  	v12 =	vld [tilespmem:$0x1FEF0]  }
0x104: {  	v15 =	vld [tilespmem:$0x1FF80]  }
0x105: {  	s25 =	sshra.s32 s24, $0x2;
	v3 =	vmul.f32 v5, v3;
	v18 =	vld [tilespmem:$0x1FF90];
	[tilespmem:s13+$0xB220] =	vst v59  }
0x106: {  	v5 =	vmul.f32 v4, v31;
	v6 =	vmul.f32 v6, v63;
	v60 =	vld [tilespmem:s25+$0x0]  }
0x107: {  	s0 =	scvt.s32.f32 s22;
	vm8 =	vmand vm5, vm4;
	v7 =	vmul.f32 v4, v26;
	v26 =	vmovc v48;
	v4 =	vmul.f32 v4, v21;
	v48 =	vld [tilespmem:s25+$0x4000]  }
0x108: {  	vm5 =	vmand vm6, vm9;
	v21 =	vmovc v37;
	v51 =	vsub.f32 v51, v5;
	v37 =	vld [tilespmem:s25+$0x4030];
	[tilespmem:s17+$0x8230] =	vst v5;
	v5 =	vadd.f32 $-1.000000000e+00, v6  }
0x109: {  	v2 =	vadd.f32 v61, v2;
	v61 =	vmov s0;
	v0 =	vmul.f32 v3, v0;
	v3 =	vld [tilespmem:s25+$0x4010];
	[tilespmem:s17+$0xA230] =	vst v4  }
0x10a: {  	v50 =	vsub.f32 v50, v7;
	vm6 =	vlt.f32 v61, v8;
	v8 =	vld [tilespmem:s25+$0x4020];
	[tilespmem:s17+$0x9230] =	vst v7;
	v7 =	vadd.f32 v5, v6  }
0x10b: {  	v19 =	vld [tilespmem:$0x1FFA0];
	v16 =	vmul.f32 $4.000000000e+00, v6  }
0x10c: {  	v9 =	vmul.f32 $-2.400000000e+01, v63;
	v24 =	vld [tilespmem:$0x1FFB0];
	v6 =	vmul.f32 v7, v6  }
0x10d: {  	v63 =	vmul.f32 v5, v16;
	v16 =	vld [tilespmem:$0x1FF00]  }
0x10e: {  	v0 =	vnsel vm0, $0x0, v0;
	v6 =	vmul.f32 v6, v9;
	v9 =	vmul.f32 v1, v62;
	v1 =	vld [tilespmem:$0x1FF10]  }
0x10f: {  	v49 =	vsub.f32 v49, v4;
	v13 =	vmul.f32 v0, v29;
	v4 =	vld [tilespmem:s25+$0x3030]  }
0x110: {  	v17 =	vld [tilespmem:s25+$0x3020];
	[tilespmem:s25+$0xB200] =	vst v60  }
0x111: {  	(erf) = vrcp.f32 v58;
	v10 =	vmul.f32 v0, v20;
	v5 =	vld [tilespmem:s25+$0x3010];
	[tilespmem:s17+$0x8220] =	vst v13  }
0x112: {  	v0 =	vmul.f32 v0, v27;
	v7 =	vadd.f32 v56, v57;
	v57 =	vld [tilespmem:s25+$0x3000]  }
0x113: {  	v3 =	vsub.f32 v12, v3;
	[tilespmem:s17+$0x9220] =	vst v10;
	v12 =	vsub.f32 v1, v48;
	v1 =	vld [tilespmem:$0x1FF20]  }
0x114: {  	v53 =	vsub.f32 v53, v10;
	v10 =	vld [tilespmem:s25+$0x2020];
	[tilespmem:s17+$0xA220] =	vst v0;
	s17 =	smov.u32 s13;
	s13 =	smov.u32 s25  }
0x115: {  	vm7 =	vmmov vm1;
	vm4 =	vmmov vm3;
	v29 =	vmov v45;
	v45 =	vld [tilespmem:s13+$0x2000]  }
0x116: {  	vm9 =	vlt.f32 v61, v11;
	vm1 =	vne.s32 v59, v24;
	v7 =	vmax.f32 v7, $9.999999740e-05;
	v48 =	vld [tilespmem:$0x1FF50]  }
0x117: {  	v54 =	vsub.f32 v54, v13;
	v56 =	vld [tilespmem:$0x1FF70];
	v37 =	vsub.f32 v16, v37;
	vm0 =	vlt.f32 v7, $6.250000000e+00  }
0x118: {  	v20 =	vmovc v32;
	v14 =	vmul.f32 $4.000000000e+00, v9;
	v16 =	vadd.f32 $-1.000000000e+00, v9;
	v32 =	vsub.f32 v1, v17;
	v1 =	vld [tilespmem:$0x1FF30]  }
0x119: {  	v52 =	vsub.f32 v52, v0;
	(erf) = vrcp.f32 v7;
	vm0 =	vmand vm2, vm0;
	v17 =	vld [tilespmem:$0x1FF40]  }
0x11a: {  	v6 =	vnsel vm5, $0x0, v6;
	v0 =	vld [tilespmem:s13+$0x2010];
	v7 =	vpop (erf);
	vm0 =	vmand vm1, vm0;
	v14 =	vmul.f32 v16, v14  }
0x11b: {  	v59 =	vmul.f32 $-2.400000000e+01, v7;
	v15 =	vsub.f32 v15, v45;
	v48 =	vsub.f32 v48, v4;
	v4 =	vld [tilespmem:$0x1FF60]  }
0x11c: {  	v14 =	vnsel vm8, $0x0, v14;
	v45 =	vsub.f32 v19, v10;
	v19 =	vadd.f32 v16, v9;
	v16 =	vld [tilespmem:s13+$0x30]  }
0x11d: {  	v27 =	vmovc v30;
	v11 =	vmul.f32 v12, v12;
	v23 =	vadd.f32 v14, v23;
	v30 =	vsub.f32 v1, v8;
	v8 =	vld [tilespmem:s13+$0x2030]  }
0x11e: {  	v14 =	vmul.f32 v6, v34;
	v34 =	vmovc v3;
	v5 =	vsub.f32 v17, v5;
	v17 =	vmul.f32 v3, v3;
	v3 =	vld [tilespmem:$0x1FFD0]  }
0x11f: {  	v0 =	vsub.f32 v56, v0;
	v22 =	vmul.f32 v15, v15;
	v9 =	vmul.f32 v19, v9  }
0x120: {  	v1 =	vmul.f32 v37, v37;
	v4 =	vsub.f32 v4, v57;
	v57 =	vmul.f32 v32, v32  }
0x121: {  	v42 =	vsub.f32 v42, v14;
	v13 =	vmul.f32 v5, v5;
	v56 =	vmul.f32 v30, v30  }
0x122: {  	v31 =	vmovc v55;
	v55 =	vsub.f32 v18, v8;
	v8 =	vmul.f32 $-2.400000000e+01, v62;
	v18 =	vmul.f32 v0, v0  }
0x123: {  	v62 =	vmul.f32 v4, v4;
	vm3 =	vne.s32 v16, v3;
	v3 =	vmul.f32 v6, v44  }
0x124: {  	v6 =	vmul.f32 v6, v36;
	v10 =	vmul.f32 v55, v55;
	v13 =	vadd.f32 v13, v18  }
0x125: {  	v18 =	vmul.f32 v45, v45;
	v19 =	vadd.f32 v62, v22;
	v8 =	vmul.f32 v9, v8  }
0x126: {  	v62 =	vld [tilespmem:$0x1FFC0];
	v40 =	vsub.f32 v40, v3;
	v13 =	vadd.f32 v17, v13;
	v17 =	vmul.f32 v7, v7  }
0x127: {  	v43 =	vsub.f32 v43, v6;
	v57 =	vadd.f32 v57, v18;
	v8 =	vnsel vm8, $0x0, v8  }
0x128: {  	v11 =	vadd.f32 v11, v19;
	v19 =	vmul.f32 v8, v33;
	v7 =	vmul.f32 v17, v7  }
0x129: {  	[tilespmem:s13+$0xB230] =	vst v16;
	v36 =	vmovc v5;
	vm8 =	vlt.f32 v58, $6.250000000e+00;
	v5 =	vmul.f32 v8, v38;
	v8 =	vmul.f32 v8, v28  }
0x12a: {  	[tilespmem:s17+$0xA210] =	vst v14;
	v44 =	vmovc v0;
	v33 =	vmovc v4;
	v9 =	vmax.f32 v13, $9.999999740e-05;
	v4 =	vmax.f32 v11, $9.999999740e-05;
	v17 =	vadd.f32 $-1.000000000e+00, v7  }
0x12b: {  	[tilespmem:s17+$0x8210] =	vst v3;
	v13 =	vmul.f32 v48, v48;
	v18 =	vpop (erf);
	vm1 =	vlt.f32 v61, v62;
	(erf) = vrcp.f32 v4  }
0x12c: {  	[tilespmem:s17+$0x9210] =	vst v6;
	v0 =	vmul.f32 v18, v18;
	v46 =	vsub.f32 v46, v5;
	v62 =	vadd.f32 v17, v7  }
0x12d: {  	[tilespmem:s17+$0x8200] =	vst v5;
	v5 =	vnsel vm5, $0x0, v63;
	vm5 =	vlt.f32 v4, $6.250000000e+00;
	v4 =	vld [tilespmem:$0x1FFE0];
	(erf) = vrcp.f32 v9  }
0x12e: {  	vm7 =	vmand vm7, vm8;
	[tilespmem:s17+$0x9200] =	vst v19;
	v16 =	vmul.f32 $4.000000000e+00, v7;
	v7 =	vmul.f32 v62, v7  }
0x12f: {  	vm7 =	vmand vm4, vm7;
	vm2 =	vlt.f32 v9, $6.250000000e+00;
	[tilespmem:s17+$0xA200] =	vst v8;
	v3 =	vmul.f32 v0, v18  }
0x130: {  	v38 =	vmovc v15;
	v47 =	vsub.f32 v47, v8;
	vm9 =	vmand vm9, vm2;
	v15 =	vld [tilespmem:s13+$0x10];
	v6 =	vmul.f32 v7, v59  }
0x131: {  	v35 =	vadd.f32 v5, v35;
	v8 =	vadd.f32 v13, v10;
	v5 =	vmul.f32 $4.000000000e+00, v3  }
0x132: {  	p1 =	sne.s32 s24, $0x3F00;
	vm2 =	vlt.f32 v61, v4;
	v7 =	vadd.f32 $-1.000000000e+00, v3;
	v4 =	vnsel vm7, $0x0, v6;
	v6 =	vld [tilespmem:$0x1FFF0]  }
.Ltmp5:
0x133: {  	v41 =	vsub.f32 v41, v19;
	vm4 =	vmand vm6, vm5;
	v8 =	vadd.f32 v1, v8;
	(pc) =	sbr.rel @p1 .LBB2_5-.Ltmp5, $4  }
0x134: {  	v58 =	vmul.f32 v7, v5;
	v5 =	vadd.f32 v7, v3;
	v62 =	vpop (erf);
	v7 =	vmul.f32 v17, v16  }
0x135: {  	s26 =	smov.u32 s24;
	v28 =	vmovc v12;
	v0 =	vmul.f32 $-2.400000000e+01, v18;
	vm6 =	vne.s32 v15, v25;
	v1 =	vmul.f32 v62, v62  }
0x136: {  	s26 =	sadd.s32 $0x100, s24;
	v63 =	vpop (erf);
	v61 =	vnsel vm0, $0x0, v58;
	v7 =	vnsel vm7, $0x0, v7;
	v58 =	vmax.f32 v8, $9.999999740e-05  }
0x137: {  	s22 =	sadd.s32 $0x1, s22;
	s24 =	smov.u32 s26;
	[tilespmem:s13+$0xB210] =	vst v15;
	v59 =	vld [tilespmem:s13+$0x20];
	v39 =	vadd.f32 v7, v39;
	vm5 =	vne.s32 v60, v6;
	v6 =	vmul.f32 v63, v63  }
0x138: {  	(erf) = vrcp.f32 v58;
	v7 =	vadd.f32 v56, v57;
	_ =	sdelay $0x1  }
0x139: {  	v25 =	vmax.f32 v7, $9.999999740e-05  }
0x13a: {  	(erf) = vrcp.f32 v25  }
0x13b: {  	v3 =	vmul.f32 v5, v3;
	v6 =	vmul.f32 v6, v63;
	_ =	sdelay $0x1  }
0x13c: {  	v8 =	vmul.f32 v4, v26;
	v0 =	vmul.f32 v3, v0;
	v3 =	vadd.f32 $-1.000000000e+00, v6  }
0x13d: {  	v1 =	vmul.f32 v1, v62;
	v10 =	vmul.f32 $-2.400000000e+01, v63  }
0x13e: {  	vm13 =	vmand vm6, vm9;
	vm7 =	vlt.f32 v58, $6.250000000e+00;
	v9 =	vadd.f32 v3, v6  }
0x13f: {  	vm4 =	vmand vm5, vm4;
	vm1 =	vmmov vm1;
	v7 =	vmul.f32 v4, v31;
	v13 =	vpop (erf)  }
0x140: {  	v12 =	vadd.f32 $-1.000000000e+00, v1;
	v9 =	vmul.f32 v9, v6;
	v14 =	vmul.f32 v13, v13  }
0x141: {  	v4 =	vmul.f32 v4, v21;
	v31 =	vmul.f32 $-2.400000000e+01, v62;
	v0 =	vnsel vm0, $0x0, v0  }
0x142: {  	v16 =	vadd.f32 v12, v1;
	[tilespmem:s13+$0xB220] =	vst v59;
	v9 =	vmul.f32 v9, v10;
	v10 =	vmul.f32 v14, v13;
	v17 =	vpop (erf)  }
0x143: {  	vm3 =	vmmov vm3;
	v11 =	vmul.f32 v0, v29;
	[tilespmem:s17+$0x8230] =	vst v7;
	v19 =	vmul.f32 v17, v17  }
0x144: {  	v15 =	vmul.f32 v0, v20;
	[tilespmem:s17+$0xA230] =	vst v4;
	v16 =	vmul.f32 v16, v1;
	v18 =	vadd.f32 $-1.000000000e+00, v10  }
0x145: {  	vm1 =	vmand vm1, vm7;
	v0 =	vmul.f32 v0, v27;
	[tilespmem:s17+$0x9230] =	vst v8;
	v19 =	vmul.f32 v19, v17  }
0x146: {  	[tilespmem:s17+$0x8220] =	vst v11;
	v9 =	vnsel vm13, $0x0, v9;
	v14 =	vmul.f32 v16, v31;
	v56 =	vadd.f32 v18, v10  }
0x147: {  	[tilespmem:s17+$0x9220] =	vst v15;
	v60 =	vmul.f32 $-2.400000000e+01, v13;
	v16 =	vmul.f32 v9, v34;
	v63 =	vadd.f32 $-1.000000000e+00, v19  }
0x148: {  	v24 =	vld [tilespmem:$0x1FFB0];
	[tilespmem:s17+$0xA220] =	vst v0;
	v20 =	vmul.f32 v9, v44;
	v14 =	vnsel vm4, $0x0, v14;
	v62 =	vmul.f32 v56, v10  }
0x149: {  	v57 =	vmul.f32 v9, v36;
	[tilespmem:s13+$0xA210] =	vst v16;
	v22 =	vmul.f32 v14, v33;
	v34 =	vadd.f32 v63, v19  }
0x14a: {  	vm1 =	vmand vm3, vm1;
	[tilespmem:s13+$0x8210] =	vst v20;
	v36 =	vmul.f32 v14, v38;
	v9 =	vmul.f32 v62, v60  }
0x14b: {  	vm14 =	vlt.f32 v25, $6.250000000e+00;
	[tilespmem:s13+$0x9210] =	vst v57;
	v17 =	vmul.f32 $-2.400000000e+01, v17;
	v13 =	vmul.f32 v34, v19  }
0x14c: {  	vm2 =	vmand vm2, vm14;
	v14 =	vmul.f32 v14, v28;
	[tilespmem:s13+$0x8200] =	vst v36;
	v9 =	vnsel vm1, $0x0, v9  }
0x14d: {  	vm15 =	vne.s32 v59, v24;
	[tilespmem:s13+$0x9200] =	vst v22;
	v25 =	vmul.f32 v9, v55;
	v13 =	vmul.f32 v13, v17  }
0x14e: {  	vm2 =	vmand vm15, vm2;
	[tilespmem:s13+$0xA200] =	vst v14;
	v38 =	vmul.f32 v9, v37  }
0x14f: {  	v9 =	vmul.f32 v9, v48;
	[tilespmem:s13+$0x8230] =	vst v25;
	v13 =	vnsel vm2, $0x0, v13  }
0x150: {  	[tilespmem:s13+$0xA230] =	vst v38;
	v44 =	vmul.f32 v13, v45  }
0x151: {  	[tilespmem:s13+$0x9230] =	vst v9;
	v45 =	vmul.f32 v13, v32  }
0x152: {  	v13 =	vmul.f32 v13, v30;
	[tilespmem:s13+$0x8220] =	vst v44  }
0x153: {  	v46 =	vsub.f32 v46, v36;
	[tilespmem:s13+$0x9220] =	vst v45  }
0x154: {  	v22 =	vsub.f32 v41, v22;
	[tilespmem:s13+$0xA220] =	vst v13  }
0x155: {  	v14 =	vsub.f32 v47, v14;
	[tilespmem:s16+$0xC200] =	vst v46  }
0x156: {  	v8 =	vsub.f32 v50, v8;
	v20 =	vsub.f32 v40, v20;
	[tilespmem:s16+$0xCE80] =	vst v22  }
0x157: {  	v4 =	vsub.f32 v49, v4;
	v5 =	vsub.f32 v43, v57;
	[tilespmem:s16+$0xDB00] =	vst v14  }
0x158: {  	v11 =	vsub.f32 v54, v11;
	v48 =	vsub.f32 v42, v16;
	[tilespmem:s16+$0xC210] =	vst v20  }
0x159: {  	v47 =	vsub.f32 v53, v15;
	v53 =	vsub.f32 v8, v9;
	[tilespmem:s16+$0xCE90] =	vst v5  }
0x15a: {  	v54 =	vsub.f32 v4, v38;
	[tilespmem:s16+$0xDB10] =	vst v48  }
0x15b: {  	v0 =	vsub.f32 v52, v0;
	v11 =	vsub.f32 v11, v44;
	[tilespmem:s16+$0xCEB0] =	vst v53  }
0x15c: {  	v51 =	vsub.f32 v51, v7;
	v52 =	vsub.f32 v47, v45;
	[tilespmem:s16+$0xDB30] =	vst v54  }
0x15d: {  	v1 =	vmul.f32 $4.000000000e+00, v1;
	v0 =	vsub.f32 v0, v13;
	[tilespmem:s16+$0xC220] =	vst v11  }
0x15e: {  	v5 =	vsub.f32 v51, v25;
	[tilespmem:s16+$0xCEA0] =	vst v52  }
0x15f: {  	v1 =	vmul.f32 v12, v1;
	v56 =	vmul.f32 $4.000000000e+00, v10;
	[tilespmem:s16+$0xDB20] =	vst v0  }
0x160: {  	v57 =	vmul.f32 $4.000000000e+00, v19;
	v55 =	vmul.f32 $4.000000000e+00, v6;
	[tilespmem:s16+$0xC230] =	vst v5  }
0x161: {  	v60 =	vmul.f32 v18, v56;
	[spmem:s4] =	stream.indirect.scatter.add.f32 [tilespmem:s30], [sflag:$0x3], $0x1, s29, s23, $0xb8;
	[tilespmem:$0x19380] =	vst v63  }
0x162: {  	v1 =	vnsel vm4, $0x0, v1;
	v59 =	vmul.f32 v63, v57;
	v58 =	vmul.f32 v3, v55  }
0x163: {  	v2 =	vadd.f32 v61, v2;
	v1 =	vadd.f32 v1, v23;
	v4 =	vnsel vm1, $0x0, v60;
	[spmem:s6] =	stream.indirect.scatter.add.f32 [tilespmem:s31], [sflag:$0x3], $0x1, s29, s23, $0xb8;
	[tilespmem:$0x19380] =	vst v63  }
0x164: {  	v3 =	vnsel vm2, $0x0, v59;
	v4 =	vadd.f32 v4, v39;
	v0 =	vnsel vm13, $0x0, v58  }
0x165: {  	v2 =	vadd.f32 v3, v2;
	v0 =	vadd.f32 v0, v35;
	[spmem:s7] =	stream.indirect.scatter.add.f32 [tilespmem:s5], [sflag:$0x3], $0x1, s29, s23, $0xb8;
	[tilespmem:$0x19380] =	vst v63  }
0x166: {  	v62 =	vld [tilespmem:$0x10000]  }
0x167: {  	v63 =	vadd.f32 v4, v2;
	v0 =	vadd.f32 v0, v1;
	_ =	sdelay $0x1  }
.Ltmp6:
0x168: {  	v0 =	vadd.f32 v63, v0;
	(pc) =	sbr.rel @p0 .LBB2_10-.Ltmp6, $3  }
0x169: {  	_ = 	snop  }
0x16a: {  	v0 =	vadd.f32 v62, v0;
	_ =	sdelay $0x1  }
0x16b: {  	[tilespmem:$0x10000] =	vst v0  }
0x16c: {  	s0 =	rddreg [dreg:$0x1b]  }
0x16d: {  	s0 =	sadd.s32 s14, s0  }
0x16e: {  	s13 =	sshll.u32 s0, $0x5  }
0x16f: {  	s13 =	sand.u32 $0x1FFFFFE0, s13  }
0x170: {  	s26 =	simm.s32 $0x0;
	s16 =	simm.s32 $0x8000;
	s25 =	sadd.s32 s9, s13  }
0x171: {  	[tilespmem:s16], [sflag:$0x4] =	stream.linear.gather [hbm4b:s25+s26], $0x100, $0x38;
	[tilespmem:$0x19380] =	vst v63  }
0x172: {  	s0 =	sshll.u32 s0, $0x9;
	_ =	swait.ge [sflag:s19], $0x100  }
0x173: {  	s0 =	sand.u32 $0x1FFFFE00, s0;
	[sflag:s19] =	ssyncset.done $0x0  }
0x174: {  	s0 =	sadd.s32 s10, s0;
	[sflag:s19] =	ssyncadd.s32 $0xFFFFFF00  }
0x175: {  	[tilespmem:s26], [sflag:$0x4] =	stream.linear.gather [hbm4b:s0+s26], $0x1000, $0x38;
	[tilespmem:$0x19380] =	vst v63  }
0x176: {  	_ =	swait.ge [sflag:s19], $0x1000  }
0x177: {  	[sflag:s19] =	ssyncset.done $0x0  }
0x178: {  	s16 =	simm.s32 $0x2000;
	[sflag:s19] =	ssyncadd.s32 $0xFFFFF000  }
0x179: {  	[tilespmem:s16], [sflag:$0x1] =	stream.indirect.gather [spmem:s1], $0x1, s26, s23, $0xb8;
	[tilespmem:$0x19380] =	vst v63  }
0x17a: {  	s17 =	simm.s32 $0x3000  }
0x17b: {  	[tilespmem:s17], [sflag:$0x1] =	stream.indirect.gather [spmem:s2], $0x1, s26, s23, $0xb8;
	[tilespmem:$0x19380] =	vst v63  }
0x17c: {  	s22 =	simm.s32 $0x4000  }
0x17d: {  	[tilespmem:s22], [sflag:$0x1] =	stream.indirect.gather [spmem:s3], $0x1, s26, s23, $0xb8;
	[tilespmem:$0x19380] =	vst v63  }
0x17e: {  	_ =	swait.ge [sflag:s18], $0x1000  }
0x17f: {  	[sflag:s18] =	ssyncset.done $0x0  }
0x180: {  	[sflag:s18] =	ssyncadd.s32 $0xFFFFF000  }
0x181: {  	_ =	swait.ge [sflag:s18], $0x1000  }
0x182: {  	[sflag:s18] =	ssyncset.done $0x0  }
0x183: {  	[sflag:s18] =	ssyncadd.s32 $0xFFFFF000  }
0x184: {  	_ =	swait.ge [sflag:s18], $0x1000  }
0x185: {  	[sflag:s18] =	ssyncset.done $0x0  }
0x186: {  	[sflag:s18] =	ssyncadd.s32 $0xFFFFF000  }
0x187: {  	_ =	swait.ge [sflag:s12], $0x1000  }
0x188: {  	[sflag:s12] =	ssyncset.done $0x0  }
0x189: {  	[sflag:s12] =	ssyncadd.s32 $0xFFFFF000  }
0x18a: {  	_ =	swait.ge [sflag:s12], $0x1000  }
0x18b: {  	[sflag:s12] =	ssyncset.done $0x0  }
0x18c: {  	[sflag:s12] =	ssyncadd.s32 $0xFFFFF000  }
0x18d: {  	_ =	swait.ge [sflag:s12], $0x1000  }
0x18e: {  	[sflag:s12] =	ssyncset.done $0x0  }
0x18f: {  	[sflag:s12] =	ssyncadd.s32 $0xFFFFF000  }
0x190: {  	v8 =	vld [tilespmem:$0x8100]  }
0x191: {  	v9 =	vld [tilespmem:$0x8110]  }
0x192: {  	v10 =	vld [tilespmem:$0x8120]  }
0x193: {  	v11 =	vld [tilespmem:$0x8130]  }
0x194: {  	v12 =	vld [tilespmem:$0x8140]  }
0x195: {  	v13 =	vld [tilespmem:$0x8150]  }
0x196: {  	v14 =	vld [tilespmem:$0x8160]  }
0x197: {  	v15 =	vld [tilespmem:$0x8170]  }
0x198: {  	v16 =	vld [tilespmem:$0x8180]  }
0x199: {  	v17 =	vld [tilespmem:$0x8190]  }
0x19a: {  	v18 =	vld [tilespmem:$0x81A0]  }
0x19b: {  	v19 =	vld [tilespmem:$0x81B0]  }
0x19c: {  	v23 =	vld [tilespmem:$0x81C0]  }
0x19d: {  	s16 =	simm.s32 $0x0;
	v24 =	vld [tilespmem:$0x81D0]  }
0x19e: {  	v1 =	vld [tilespmem:s16+$0x7000]  }
0x19f: {  	v5 =	vld [tilespmem:s16+$0x6010]  }
0x1a0: {  	v6 =	vld [tilespmem:s16+$0x6000]  }
0x1a1: {  	v20 =	vld [tilespmem:s16+$0x5000]  }
0x1a2: {  	v21 =	vld [tilespmem:s16+$0x5010]  }
0x1a3: {  	v3 =	vld [tilespmem:s16+$0x7030]  }
0x1a4: {  	v2 =	vld [tilespmem:s16+$0x7010]  }
0x1a5: {  	v26 =	vld [tilespmem:s16+$0x5020]  }
0x1a6: {  	v4 =	vld [tilespmem:s16+$0x7020];
	v40 =	vsub.f32 v12, v6;
	v39 =	vsub.f32 v8, v20  }
0x1a7: {  	v27 =	vld [tilespmem:s16+$0x5030];
	v41 =	vsub.f32 v13, v5;
	v42 =	vsub.f32 v9, v21  }
0x1a8: {  	v25 =	vld [tilespmem:$0x81F0];
	v34 =	vsub.f32 v16, v1;
	v1 =	vmul.f32 v40, v40;
	v5 =	vmul.f32 v39, v39  }
0x1a9: {  	v0 =	vld [tilespmem:s16+$0x1000];
	v43 =	vsub.f32 v17, v2;
	v2 =	vmul.f32 v41, v41;
	v6 =	vmul.f32 v42, v42  }
0x1aa: {  	s13 =	scvt.s32.f32 s26;
	v28 =	vld [tilespmem:s16+$0x1010];
	v22 =	vsub.f32 v19, v3;
	v29 =	vsub.f32 v10, v26;
	v20 =	vmul.f32 v34, v34  }
0x1ab: {  	v3 =	vld [tilespmem:s16+$0x1020];
	v1 =	vadd.f32 v1, v5;
	v5 =	vmul.f32 v43, v43;
	v2 =	vadd.f32 v2, v6  }
0x1ac: {  	v30 =	vmov s13;
	v31 =	vsub.f32 v11, v27;
	v27 =	vsub.f32 v18, v4;
	v6 =	vld [tilespmem:s16+$0x6030]  }
0x1ad: {  	vm1 =	vlt.f32 v30, v23;
	v1 =	vadd.f32 v20, v1;
	v2 =	vadd.f32 v5, v2;
	v5 =	vld [tilespmem:s16+$0x1030]  }
0x1ae: {  	s15 =	sshll.u32 s15, $0x6;
	v62 =	vld [tilespmem:$0x81E0];
	vm0 =	vlt.f32 v30, v24;
	vm4 =	vlt.f32 v30, v25;
	v32 =	vmul.f32 v22, v22  }
0x1af: {  	s24 =	sadd.s32 s11, s15;
	[tilespmem:s16+$0xB200] =	vst v0;
	v33 =	vmul.f32 v31, v31;
	v37 =	vmul.f32 v27, v27;
	v20 =	vld [tilespmem:s16+$0x6020];
	v1 =	vmax.f32 v1, $9.999999740e-05  }
0x1b0: {  	s25 =	sor.u32 $0x10, s24;
	s17 =	sor.u32 $0x20, s24;
	[tilespmem:s16+$0xB210] =	vst v28;
	v21 =	vmax.f32 v2, $9.999999740e-05;
	v2 =	vlaneseq.u32;
	(erf) = vrcp.f32 v1  }
0x1b1: {  	s0 =	sor.u32 $0x30, s24;
	[tilespmem:s16+$0xB220] =	vst v3;
	v63 =	vor.u32 s24, v2;
	v53 =	vor.u32 s25, v2;
	v7 =	vor.u32 s17, v2  }
0x1b2: {  	s13 =	simm.s32 $0x40;
	v61 =	vor.u32 s0, v2;
	v26 =	vsub.f32 v15, v6;
	vm3 =	vlt.f32 v1, $6.250000000e+00;
	[tilespmem:s16+$0xB230] =	vst v5  }
0x1b3: {  	(erf) = vrcp.f32 v21;
	vm1 =	vmand vm1, vm3;
	vm3 =	vne.s32 v0, v63;
	v0 =	vld [tilespmem:s13+$0x7010]  }
0x1b4: {  	v2 =	vimm.f32 $0.0e+00;
	vm2 =	vlt.f32 v21, $6.250000000e+00;
	v20 =	vsub.f32 v14, v20;
	v38 =	vld [tilespmem:s13+$0x6020]  }
0x1b5: {  	v6 =	vmul.f32 v29, v29;
	vm2 =	vmand vm0, vm2;
	v35 =	vmul.f32 v26, v26;
	v44 =	vld [tilespmem:s13+$0x6030]  }
0x1b6: {  	s26 =	simm.s32 $0x1;
	vm0 =	vlt.f32 v30, v62;
	vm6 =	vne.s32 v28, v53;
	v51 =	vld [tilespmem:s13+$0x6000];
	v4 =	vmul.f32 v20, v20  }
0x1b7: {  	s0 =	scvt.s32.f32 s26;
	vm5 =	vne.s32 v5, v61;
	vm3 =	vmand vm3, vm1;
	v52 =	vld [tilespmem:s13+$0x5000];
	v21 =	vadd.f32 v35, v33  }
0x1b8: {  	vm2 =	vmand vm6, vm2;
	vm6 =	vmmov vm4;
	v4 =	vadd.f32 v4, v6  }
0x1b9: {  	v50 =	vmov s0;
	vm4 =	vmmov vm5;
	v1 =	vadd.f32 v32, v21  }
0x1ba: {  	vm5 =	vlt.f32 v50, v23;
	v4 =	vadd.f32 v37, v4;
	v35 =	vsub.f32 v17, v0  }
0x1bb: {  	vm7 =	vlt.f32 v50, v24;
	v21 =	vld [tilespmem:s13+$0x7030];
	v32 =	vsub.f32 v14, v38;
	v49 =	vsub.f32 v15, v44;
	v46 =	vpop (erf)  }
0x1bc: {  	v1 =	vmax.f32 v1, $9.999999740e-05;
	v33 =	vsub.f32 v12, v51;
	v38 =	vsub.f32 v8, v52;
	v36 =	vpop (erf)  }
0x1bd: {  	v51 =	vimm.f32 $0.0e+00;
	(erf) = vrcp.f32 v1;
	v6 =	vmul.f32 v36, v36  }
0x1be: {  	vm10 =	vlt.f32 v1, $6.250000000e+00;
	v58 =	vmul.f32 v46, v46;
	v4 =	vmax.f32 v4, $9.999999740e-05  }
0x1bf: {  	v59 =	vld [tilespmem:s13+$0x7020];
	v57 =	vmul.f32 v32, v32;
	vm6 =	vmand vm6, vm10;
	v6 =	vmul.f32 v6, v36  }
0x1c0: {  	v5 =	vld [tilespmem:s13+$0x7000];
	v37 =	vsub.f32 v19, v21;
	vm1 =	vlt.f32 v4, $6.250000000e+00;
	(erf) = vrcp.f32 v4  }
0x1c1: {  	v21 =	vmul.f32 v58, v46;
	vm0 =	vmand vm0, vm1;
	v30 =	vadd.f32 $-1.000000000e+00, v6  }
0x1c2: {  	vm1 =	vne.s32 v3, v7;
	v3 =	vmul.f32 v38, v38;
	v60 =	vmul.f32 $4.000000000e+00, v6  }
0x1c3: {  	v45 =	vld [tilespmem:s13+$0x6010];
	v46 =	vmul.f32 $-2.400000000e+01, v46;
	v36 =	vmul.f32 $-2.400000000e+01, v36;
	v28 =	vadd.f32 v30, v6  }
0x1c4: {  	[tilespmem:$0x1FDF0] =	vst v14;
	v54 =	vld [tilespmem:s13+$0x5020];
	v14 =	vmul.f32 v37, v37;
	v47 =	vmul.f32 v30, v60;
	v30 =	vsub.f32 v18, v59  }
0x1c5: {  	[tilespmem:$0x1FDE0] =	vst v16;
	v6 =	vmul.f32 v28, v6;
	v28 =	vsub.f32 v16, v5;
	v5 =	vld [tilespmem:s13+$0x5030];
	v16 =	vadd.f32 $-1.000000000e+00, v21  }
0x1c6: {  	vm0 =	vmand vm1, vm0;
	v58 =	vmul.f32 $4.000000000e+00, v21;
	v59 =	vmul.f32 v35, v35  }
0x1c7: {  	v56 =	vmul.f32 v30, v30;
	v0 =	vmul.f32 v6, v36;
	v4 =	vadd.f32 v16, v21  }
0x1c8: {  	[tilespmem:$0x1FE20] =	vst v15;
	v6 =	vld [tilespmem:s13+$0x5010];
	v36 =	vsub.f32 v13, v45;
	v15 =	vmul.f32 v28, v28;
	v52 =	vmul.f32 v16, v58  }
0x1c9: {  	[tilespmem:$0x1FE70] =	vst v10;
	v45 =	vsub.f32 v10, v54;
	v10 =	vmul.f32 v49, v49;
	v4 =	vmul.f32 v4, v21  }
0x1ca: {  	[tilespmem:$0x1FDC0] =	vst v17;
	v21 =	vpop (erf);
	v0 =	vnsel vm2, $0x0, v0;
	v55 =	vsub.f32 v11, v5;
	v5 =	vmul.f32 v33, v33  }
0x1cb: {  	[tilespmem:$0x1FE60] =	vst v11;
	vm1 =	vlt.f32 v50, v25;
	v17 =	vmul.f32 $-2.400000000e+01, v21;
	v11 =	vmul.f32 v0, v43  }
0x1cc: {  	v52 =	vnsel vm3, $0x0, v52;
	v42 =	vmul.f32 v0, v42;
	v4 =	vmul.f32 v4, v46  }
0x1cd: {  	[tilespmem:$0x1FDA0] =	vst v23;
	v44 =	vsub.f32 v9, v6;
	v3 =	vadd.f32 v5, v3;
	v5 =	vmul.f32 v45, v45  }
0x1ce: {  	[tilespmem:$0x1FDB0] =	vst v24;
	v6 =	vmul.f32 v36, v36;
	v54 =	vmul.f32 v55, v55;
	v4 =	vnsel vm3, $0x0, v4  }
0x1cf: {  	[tilespmem:$0x1FE10] =	vst v13;
	v48 =	vld [tilespmem:s13+$0x1000];
	v60 =	vmul.f32 v44, v44;
	v57 =	vadd.f32 v57, v5;
	v13 =	vmul.f32 v4, v40  }
0x1d0: {  	[tilespmem:$0x1FDD0] =	vst v19;
	v5 =	vld [tilespmem:s13+$0x1030];
	v3 =	vadd.f32 v15, v3;
	v15 =	vmul.f32 v0, v41;
	v39 =	vmul.f32 v4, v39  }
0x1d1: {  	[tilespmem:$0x1FE00] =	vst v18;
	v0 =	vpop (erf);
	v4 =	vmul.f32 v4, v34;
	v6 =	vadd.f32 v6, v60;
	v60 =	vmul.f32 v21, v21  }
0x1d2: {  	[tilespmem:$0x1FE30] =	vst v12;
	v40 =	vsub.f32 v2, v42;
	v1 =	vmul.f32 v0, v0;
	v41 =	vsub.f32 v2, v13  }
0x1d3: {  	[tilespmem:$0x1FE40] =	vst v9;
	v43 =	vsub.f32 v2, v15;
	v46 =	vsub.f32 v2, v39;
	v9 =	vmul.f32 v60, v21  }
0x1d4: {  	[tilespmem:s13+$0xB200] =	vst v48;
	v6 =	vadd.f32 v59, v6;
	v21 =	vadd.f32 v52, v2;
	v52 =	vimm.f32 $0.0e+00  }
0x1d5: {  	vm3 =	vne.s32 v5, v61;
	[tilespmem:s13+$0xB230] =	vst v5;
	v5 =	vmax.f32 v3, $9.999999740e-05;
	v59 =	vadd.f32 $-1.000000000e+00, v9  }
0x1d6: {  	v6 =	vmax.f32 v6, $9.999999740e-05;
	v12 =	vmul.f32 $4.000000000e+00, v9;
	[tilespmem:s16+$0xA210] =	vst v11;
	(erf) = vrcp.f32 v5  }
0x1d7: {  	[tilespmem:s16+$0x8210] =	vst v42;
	v42 =	vsub.f32 v2, v11;
	vm8 =	vlt.f32 v6, $6.250000000e+00;
	v3 =	vadd.f32 v59, v9  }
0x1d8: {  	[tilespmem:s16+$0x9210] =	vst v15;
	(erf) = vrcp.f32 v6;
	vm9 =	vmand vm7, vm8;
	vm7 =	vlt.f32 v5, $6.250000000e+00  }
0x1d9: {  	[tilespmem:s16+$0x8200] =	vst v39;
	vm8 =	vmand vm4, vm6;
	v58 =	vmul.f32 v59, v12;
	v6 =	vmul.f32 v3, v9  }
0x1da: {  	[tilespmem:s16+$0x9200] =	vst v13;
	vm4 =	vmand vm5, vm7;
	vm5 =	vne.s32 v48, v63;
	v3 =	vmul.f32 v1, v0  }
0x1db: {  	[tilespmem:s16+$0xA200] =	vst v4;
	v39 =	vnsel vm8, $0x0, v58;
	v1 =	vmul.f32 v6, v17;
	v6 =	vnsel vm2, $0x0, v47  }
0x1dc: {  	[tilespmem:$0x1FE50] =	vst v8;
	v16 =	vadd.f32 $-1.000000000e+00, v3;
	v17 =	vld [tilespmem:s13+$0x1010];
	v47 =	vsub.f32 v2, v4;
	v4 =	vmul.f32 $4.000000000e+00, v3  }
0x1dd: {  	[tilespmem:$0x1FE90] =	vst v25;
	v48 =	vimm.f32 $0.0e+00;
	v0 =	vmul.f32 $-2.400000000e+01, v0;
	v39 =	vadd.f32 v39, v2  }
0x1de: {  	[tilespmem:$0x1FEB0] =	vst v62;
	v34 =	vadd.f32 v6, v2;
	v6 =	vadd.f32 v10, v54;
	v54 =	vmul.f32 v16, v4  }
0x1df: {  	[tilespmem:$0x1FE80] =	vst v7;
	vm2 =	vlt.f32 v50, v62;
	v50 =	vimm.f32 $0.0e+00;
	v5 =	vadd.f32 v16, v3  }
0x1e0: {  	[tilespmem:$0x1FEA0] =	vst v61;
	v4 =	vnsel vm8, $0x0, v1;
	v62 =	vpop (erf);
	v59 =	vadd.f32 v14, v6;
	v61 =	vnsel vm0, $0x0, v54  }
0x1e1: {  	[tilespmem:$0x1FEC0] =	vst v63;
	v1 =	vmul.f32 v62, v62;
	v63 =	vpop (erf);
	v54 =	vimm.f32 $0.0e+00;
	vm6 =	vne.s32 v17, v53  }
0x1e2: {  	s14 =	simm.s32 $0x2;
	s24 =	simm.s32 $0x200;
	v25 =	vmovc v53;
	v6 =	vmul.f32 v63, v63;
	v58 =	vmax.f32 v59, $9.999999740e-05;
	v59 =	vld [tilespmem:s13+$0x1020];
	[tilespmem:s13+$0xB210] =	vst v17;
	v53 =	vimm.f32 $0.0e+00  }
.LBB2_8:
0x1e3: {  	v8 =	vld [tilespmem:$0x1FDA0]  }
0x1e4: {  	v11 =	vld [tilespmem:$0x1FDB0]  }
0x1e5: {  	v12 =	vld [tilespmem:$0x1FDC0]  }
0x1e6: {  	v15 =	vld [tilespmem:$0x1FE50]  }
0x1e7: {  	s22 =	sshra.s32 s24, $0x2;
	v3 =	vmul.f32 v5, v3;
	v18 =	vld [tilespmem:$0x1FE60];
	[tilespmem:s13+$0xB220] =	vst v59  }
0x1e8: {  	v5 =	vmul.f32 v4, v31;
	v6 =	vmul.f32 v6, v63;
	v60 =	vld [tilespmem:s22+$0x1000]  }
0x1e9: {  	s0 =	scvt.s32.f32 s14;
	vm8 =	vmand vm5, vm4;
	v7 =	vmul.f32 v4, v26;
	v26 =	vmovc v49;
	v4 =	vmul.f32 v4, v22;
	v49 =	vld [tilespmem:s22+$0x7000]  }
0x1ea: {  	vm5 =	vmand vm6, vm9;
	v22 =	vmovc v37;
	v51 =	vsub.f32 v51, v5;
	v37 =	vld [tilespmem:s22+$0x7030];
	[tilespmem:s16+$0x8230] =	vst v5;
	v5 =	vadd.f32 $-1.000000000e+00, v6  }
0x1eb: {  	v2 =	vadd.f32 v61, v2;
	v61 =	vmov s0;
	v0 =	vmul.f32 v3, v0;
	v3 =	vld [tilespmem:s22+$0x7010];
	[tilespmem:s16+$0xA230] =	vst v4  }
0x1ec: {  	v50 =	vsub.f32 v50, v7;
	vm6 =	vlt.f32 v61, v8;
	v8 =	vld [tilespmem:s22+$0x7020];
	[tilespmem:s16+$0x9230] =	vst v7;
	v7 =	vadd.f32 v5, v6  }
0x1ed: {  	v19 =	vld [tilespmem:$0x1FE70];
	v16 =	vmul.f32 $4.000000000e+00, v6  }
0x1ee: {  	v9 =	vmul.f32 $-2.400000000e+01, v63;
	v24 =	vld [tilespmem:$0x1FE80];
	v6 =	vmul.f32 v7, v6  }
0x1ef: {  	v63 =	vmul.f32 v5, v16;
	v16 =	vld [tilespmem:$0x1FDD0]  }
0x1f0: {  	v0 =	vnsel vm0, $0x0, v0;
	v6 =	vmul.f32 v6, v9;
	v9 =	vmul.f32 v1, v62;
	v1 =	vld [tilespmem:$0x1FDE0]  }
0x1f1: {  	v48 =	vsub.f32 v48, v4;
	v13 =	vmul.f32 v0, v29;
	v4 =	vld [tilespmem:s22+$0x6030]  }
0x1f2: {  	v17 =	vld [tilespmem:s22+$0x6020];
	[tilespmem:s22+$0xB200] =	vst v60  }
0x1f3: {  	(erf) = vrcp.f32 v58;
	v10 =	vmul.f32 v0, v20;
	v5 =	vld [tilespmem:s22+$0x6010];
	[tilespmem:s16+$0x8220] =	vst v13  }
0x1f4: {  	v0 =	vmul.f32 v0, v27;
	v7 =	vadd.f32 v56, v57;
	v57 =	vld [tilespmem:s22+$0x6000]  }
0x1f5: {  	v3 =	vsub.f32 v12, v3;
	[tilespmem:s16+$0x9220] =	vst v10;
	v12 =	vsub.f32 v1, v49;
	v1 =	vld [tilespmem:$0x1FDF0]  }
0x1f6: {  	v53 =	vsub.f32 v53, v10;
	v10 =	vld [tilespmem:s22+$0x5020];
	[tilespmem:s16+$0xA220] =	vst v0;
	s16 =	smov.u32 s13;
	s13 =	smov.u32 s22  }
0x1f7: {  	vm7 =	vmmov vm1;
	vm4 =	vmmov vm3;
	v29 =	vmov v45;
	v45 =	vld [tilespmem:s13+$0x5000]  }
0x1f8: {  	vm9 =	vlt.f32 v61, v11;
	vm1 =	vne.s32 v59, v24;
	v7 =	vmax.f32 v7, $9.999999740e-05;
	v49 =	vld [tilespmem:$0x1FE20]  }
0x1f9: {  	v54 =	vsub.f32 v54, v13;
	v56 =	vld [tilespmem:$0x1FE40];
	v37 =	vsub.f32 v16, v37;
	vm0 =	vlt.f32 v7, $6.250000000e+00  }
0x1fa: {  	v20 =	vmovc v32;
	v14 =	vmul.f32 $4.000000000e+00, v9;
	v16 =	vadd.f32 $-1.000000000e+00, v9;
	v32 =	vsub.f32 v1, v17;
	v1 =	vld [tilespmem:$0x1FE00]  }
0x1fb: {  	v52 =	vsub.f32 v52, v0;
	(erf) = vrcp.f32 v7;
	vm0 =	vmand vm2, vm0;
	v17 =	vld [tilespmem:$0x1FE10]  }
0x1fc: {  	v6 =	vnsel vm5, $0x0, v6;
	v0 =	vld [tilespmem:s13+$0x5010];
	v7 =	vpop (erf);
	vm0 =	vmand vm1, vm0;
	v14 =	vmul.f32 v16, v14  }
0x1fd: {  	v59 =	vmul.f32 $-2.400000000e+01, v7;
	v15 =	vsub.f32 v15, v45;
	v49 =	vsub.f32 v49, v4;
	v4 =	vld [tilespmem:$0x1FE30]  }
0x1fe: {  	v14 =	vnsel vm8, $0x0, v14;
	v45 =	vsub.f32 v19, v10;
	v19 =	vadd.f32 v16, v9;
	v16 =	vld [tilespmem:s13+$0x1030]  }
0x1ff: {  	v27 =	vmovc v30;
	v11 =	vmul.f32 v12, v12;
	v21 =	vadd.f32 v14, v21;
	v30 =	vsub.f32 v1, v8;
	v8 =	vld [tilespmem:s13+$0x5030]  }
0x200: {  	v14 =	vmul.f32 v6, v35;
	v35 =	vmovc v3;
	v5 =	vsub.f32 v17, v5;
	v17 =	vmul.f32 v3, v3;
	v3 =	vld [tilespmem:$0x1FEA0]  }
0x201: {  	v0 =	vsub.f32 v56, v0;
	v23 =	vmul.f32 v15, v15;
	v9 =	vmul.f32 v19, v9  }
0x202: {  	v1 =	vmul.f32 v37, v37;
	v4 =	vsub.f32 v4, v57;
	v57 =	vmul.f32 v32, v32  }
0x203: {  	v42 =	vsub.f32 v42, v14;
	v13 =	vmul.f32 v5, v5;
	v56 =	vmul.f32 v30, v30  }
0x204: {  	v31 =	vmovc v55;
	v55 =	vsub.f32 v18, v8;
	v8 =	vmul.f32 $-2.400000000e+01, v62;
	v18 =	vmul.f32 v0, v0  }
0x205: {  	v62 =	vmul.f32 v4, v4;
	vm3 =	vne.s32 v16, v3;
	v3 =	vmul.f32 v6, v44  }
0x206: {  	v6 =	vmul.f32 v6, v36;
	v10 =	vmul.f32 v55, v55;
	v13 =	vadd.f32 v13, v18  }
0x207: {  	v18 =	vmul.f32 v45, v45;
	v19 =	vadd.f32 v62, v23;
	v8 =	vmul.f32 v9, v8  }
0x208: {  	v62 =	vld [tilespmem:$0x1FE90];
	v40 =	vsub.f32 v40, v3;
	v13 =	vadd.f32 v17, v13;
	v17 =	vmul.f32 v7, v7  }
0x209: {  	v43 =	vsub.f32 v43, v6;
	v57 =	vadd.f32 v57, v18;
	v8 =	vnsel vm8, $0x0, v8  }
0x20a: {  	v11 =	vadd.f32 v11, v19;
	v19 =	vmul.f32 v8, v33;
	v7 =	vmul.f32 v17, v7  }
0x20b: {  	[tilespmem:s13+$0xB230] =	vst v16;
	v36 =	vmovc v5;
	vm8 =	vlt.f32 v58, $6.250000000e+00;
	v5 =	vmul.f32 v8, v38;
	v8 =	vmul.f32 v8, v28  }
0x20c: {  	[tilespmem:s16+$0xA210] =	vst v14;
	v44 =	vmovc v0;
	v33 =	vmovc v4;
	v9 =	vmax.f32 v13, $9.999999740e-05;
	v4 =	vmax.f32 v11, $9.999999740e-05;
	v17 =	vadd.f32 $-1.000000000e+00, v7  }
0x20d: {  	[tilespmem:s16+$0x8210] =	vst v3;
	v13 =	vmul.f32 v49, v49;
	v18 =	vpop (erf);
	vm1 =	vlt.f32 v61, v62;
	(erf) = vrcp.f32 v4  }
0x20e: {  	[tilespmem:s16+$0x9210] =	vst v6;
	v0 =	vmul.f32 v18, v18;
	v46 =	vsub.f32 v46, v5;
	v62 =	vadd.f32 v17, v7  }
0x20f: {  	[tilespmem:s16+$0x8200] =	vst v5;
	v5 =	vnsel vm5, $0x0, v63;
	vm5 =	vlt.f32 v4, $6.250000000e+00;
	v4 =	vld [tilespmem:$0x1FEB0];
	(erf) = vrcp.f32 v9  }
0x210: {  	vm7 =	vmand vm7, vm8;
	[tilespmem:s16+$0x9200] =	vst v19;
	v16 =	vmul.f32 $4.000000000e+00, v7;
	v7 =	vmul.f32 v62, v7  }
0x211: {  	vm7 =	vmand vm4, vm7;
	vm2 =	vlt.f32 v9, $6.250000000e+00;
	[tilespmem:s16+$0xA200] =	vst v8;
	v3 =	vmul.f32 v0, v18  }
0x212: {  	v38 =	vmovc v15;
	v47 =	vsub.f32 v47, v8;
	vm9 =	vmand vm9, vm2;
	v15 =	vld [tilespmem:s13+$0x1010];
	v6 =	vmul.f32 v7, v59  }
0x213: {  	v34 =	vadd.f32 v5, v34;
	v8 =	vadd.f32 v13, v10;
	v5 =	vmul.f32 $4.000000000e+00, v3  }
0x214: {  	p0 =	sne.s32 s24, $0x3F00;
	vm2 =	vlt.f32 v61, v4;
	v7 =	vadd.f32 $-1.000000000e+00, v3;
	v4 =	vnsel vm7, $0x0, v6;
	v6 =	vld [tilespmem:$0x1FEC0]  }
.Ltmp7:
0x215: {  	v41 =	vsub.f32 v41, v19;
	vm4 =	vmand vm6, vm5;
	v8 =	vadd.f32 v1, v8;
	(pc) =	sbr.rel @p0 .LBB2_8-.Ltmp7, $4  }
0x216: {  	v58 =	vmul.f32 v7, v5;
	v5 =	vadd.f32 v7, v3;
	v62 =	vpop (erf);
	v7 =	vmul.f32 v17, v16  }
0x217: {  	s17 =	smov.u32 s24;
	v28 =	vmovc v12;
	v0 =	vmul.f32 $-2.400000000e+01, v18;
	vm6 =	vne.s32 v15, v25;
	v1 =	vmul.f32 v62, v62  }
0x218: {  	s17 =	sadd.s32 $0x100, s24;
	v63 =	vpop (erf);
	v61 =	vnsel vm0, $0x0, v58;
	v7 =	vnsel vm7, $0x0, v7;
	v58 =	vmax.f32 v8, $9.999999740e-05  }
0x219: {  	s14 =	sadd.s32 $0x1, s14;
	s24 =	smov.u32 s17;
	[tilespmem:s13+$0xB210] =	vst v15;
	v59 =	vld [tilespmem:s13+$0x1020];
	v39 =	vadd.f32 v7, v39;
	vm5 =	vne.s32 v60, v6;
	v6 =	vmul.f32 v63, v63  }
0x21a: {  	(erf) = vrcp.f32 v58;
	v7 =	vadd.f32 v56, v57;
	_ =	sdelay $0x1  }
0x21b: {  	v25 =	vmax.f32 v7, $9.999999740e-05  }
0x21c: {  	(erf) = vrcp.f32 v25  }
0x21d: {  	v3 =	vmul.f32 v5, v3;
	v6 =	vmul.f32 v6, v63;
	_ =	sdelay $0x1  }
0x21e: {  	v8 =	vmul.f32 v4, v26;
	v0 =	vmul.f32 v3, v0;
	v3 =	vadd.f32 $-1.000000000e+00, v6  }
0x21f: {  	v1 =	vmul.f32 v1, v62;
	v10 =	vmul.f32 $-2.400000000e+01, v63  }
0x220: {  	vm13 =	vmand vm6, vm9;
	vm7 =	vlt.f32 v58, $6.250000000e+00;
	v9 =	vadd.f32 v3, v6  }
0x221: {  	vm4 =	vmand vm5, vm4;
	vm1 =	vmmov vm1;
	v7 =	vmul.f32 v4, v31;
	v13 =	vpop (erf)  }
0x222: {  	v12 =	vadd.f32 $-1.000000000e+00, v1;
	v9 =	vmul.f32 v9, v6;
	v14 =	vmul.f32 v13, v13  }
0x223: {  	v4 =	vmul.f32 v4, v22;
	v31 =	vmul.f32 $-2.400000000e+01, v62;
	v0 =	vnsel vm0, $0x0, v0  }
0x224: {  	v16 =	vadd.f32 v12, v1;
	[tilespmem:s13+$0xB220] =	vst v59;
	v9 =	vmul.f32 v9, v10;
	v10 =	vmul.f32 v14, v13;
	v17 =	vpop (erf)  }
0x225: {  	vm3 =	vmmov vm3;
	v11 =	vmul.f32 v0, v29;
	[tilespmem:s16+$0x8230] =	vst v7;
	v19 =	vmul.f32 v17, v17  }
0x226: {  	v15 =	vmul.f32 v0, v20;
	[tilespmem:s16+$0xA230] =	vst v4;
	v16 =	vmul.f32 v16, v1;
	v18 =	vadd.f32 $-1.000000000e+00, v10  }
0x227: {  	vm1 =	vmand vm1, vm7;
	v0 =	vmul.f32 v0, v27;
	[tilespmem:s16+$0x9230] =	vst v8;
	v19 =	vmul.f32 v19, v17  }
0x228: {  	[tilespmem:s16+$0x8220] =	vst v11;
	v9 =	vnsel vm13, $0x0, v9;
	v14 =	vmul.f32 v16, v31;
	v56 =	vadd.f32 v18, v10  }
0x229: {  	[tilespmem:s16+$0x9220] =	vst v15;
	v60 =	vmul.f32 $-2.400000000e+01, v13;
	v16 =	vmul.f32 v9, v35;
	v63 =	vadd.f32 $-1.000000000e+00, v19  }
0x22a: {  	v24 =	vld [tilespmem:$0x1FE80];
	[tilespmem:s16+$0xA220] =	vst v0;
	v20 =	vmul.f32 v9, v44;
	v14 =	vnsel vm4, $0x0, v14;
	v62 =	vmul.f32 v56, v10  }
0x22b: {  	v57 =	vmul.f32 v9, v36;
	[tilespmem:s13+$0xA210] =	vst v16;
	v23 =	vmul.f32 v14, v33;
	v35 =	vadd.f32 v63, v19  }
0x22c: {  	vm1 =	vmand vm3, vm1;
	[tilespmem:s13+$0x8210] =	vst v20;
	v36 =	vmul.f32 v14, v38;
	v9 =	vmul.f32 v62, v60  }
0x22d: {  	vm14 =	vlt.f32 v25, $6.250000000e+00;
	[tilespmem:s13+$0x9210] =	vst v57;
	v17 =	vmul.f32 $-2.400000000e+01, v17;
	v13 =	vmul.f32 v35, v19  }
0x22e: {  	vm2 =	vmand vm2, vm14;
	v14 =	vmul.f32 v14, v28;
	[tilespmem:s13+$0x8200] =	vst v36;
	v9 =	vnsel vm1, $0x0, v9  }
0x22f: {  	vm15 =	vne.s32 v59, v24;
	[tilespmem:s13+$0x9200] =	vst v23;
	v25 =	vmul.f32 v9, v55;
	v13 =	vmul.f32 v13, v17  }
0x230: {  	vm2 =	vmand vm15, vm2;
	[tilespmem:s13+$0xA200] =	vst v14;
	v38 =	vmul.f32 v9, v37  }
0x231: {  	v9 =	vmul.f32 v9, v49;
	[tilespmem:s13+$0x8230] =	vst v25;
	v13 =	vnsel vm2, $0x0, v13  }
0x232: {  	[tilespmem:s13+$0xA230] =	vst v38;
	v44 =	vmul.f32 v13, v45  }
0x233: {  	[tilespmem:s13+$0x9230] =	vst v9;
	v45 =	vmul.f32 v13, v32  }
0x234: {  	v13 =	vmul.f32 v13, v30;
	[tilespmem:s13+$0x8220] =	vst v44  }
0x235: {  	v46 =	vsub.f32 v46, v36;
	[tilespmem:s13+$0x9220] =	vst v45  }
0x236: {  	v23 =	vsub.f32 v41, v23;
	[tilespmem:s13+$0xA220] =	vst v13  }
0x237: {  	v14 =	vsub.f32 v47, v14;
	[tilespmem:s15+$0xC200] =	vst v46  }
0x238: {  	v20 =	vsub.f32 v40, v20;
	[tilespmem:s15+$0xCE80] =	vst v23  }
0x239: {  	s0 =	sor.u32 $0x50, s15;
	v11 =	vsub.f32 v54, v11;
	v5 =	vsub.f32 v43, v57;
	[tilespmem:s15+$0xDB00] =	vst v14  }
0x23a: {  	v47 =	vsub.f32 v53, v15;
	v49 =	vsub.f32 v42, v16;
	[tilespmem:s0+$0xC200] =	vst v20  }
0x23b: {  	v0 =	vsub.f32 v52, v0;
	v11 =	vsub.f32 v11, v44;
	[tilespmem:s0+$0xCE80] =	vst v5  }
0x23c: {  	s25 =	sor.u32 $0x60, s15;
	v51 =	vsub.f32 v51, v7;
	v52 =	vsub.f32 v47, v45;
	[tilespmem:s0+$0xDB00] =	vst v49  }
0x23d: {  	v8 =	vsub.f32 v50, v8;
	v0 =	vsub.f32 v0, v13;
	[tilespmem:s25+$0xC200] =	vst v11  }
0x23e: {  	v4 =	vsub.f32 v48, v4;
	v5 =	vsub.f32 v51, v25;
	[tilespmem:s25+$0xCE80] =	vst v52  }
0x23f: {  	s26 =	sor.u32 $0x70, s15;
	v1 =	vmul.f32 $4.000000000e+00, v1;
	v53 =	vsub.f32 v8, v9;
	[tilespmem:s25+$0xDB00] =	vst v0  }
0x240: {  	v54 =	vsub.f32 v4, v38;
	[tilespmem:s26+$0xC200] =	vst v5  }
0x241: {  	v1 =	vmul.f32 v12, v1;
	v56 =	vmul.f32 $4.000000000e+00, v10;
	[tilespmem:s26+$0xCE80] =	vst v53  }
0x242: {  	v57 =	vmul.f32 $4.000000000e+00, v19;
	v55 =	vmul.f32 $4.000000000e+00, v6;
	[tilespmem:s26+$0xDB00] =	vst v54  }
0x243: {  	v60 =	vmul.f32 v18, v56;
	[spmem:s4] =	stream.indirect.scatter.add.f32 [tilespmem:s30], [sflag:$0x3], $0x1, s29, s23, $0xb8;
	[tilespmem:$0x19380] =	vst v63  }
0x244: {  	v1 =	vnsel vm4, $0x0, v1;
	v59 =	vmul.f32 v63, v57;
	v58 =	vmul.f32 v3, v55  }
0x245: {  	v2 =	vadd.f32 v61, v2;
	v1 =	vadd.f32 v1, v21;
	v4 =	vnsel vm1, $0x0, v60;
	[spmem:s6] =	stream.indirect.scatter.add.f32 [tilespmem:s31], [sflag:$0x3], $0x1, s29, s23, $0xb8;
	[tilespmem:$0x19380] =	vst v63  }
0x246: {  	v3 =	vnsel vm2, $0x0, v59;
	v4 =	vadd.f32 v4, v39;
	v0 =	vnsel vm13, $0x0, v58  }
0x247: {  	v2 =	vadd.f32 v3, v2;
	v0 =	vadd.f32 v0, v34;
	[spmem:s7] =	stream.indirect.scatter.add.f32 [tilespmem:s5], [sflag:$0x3], $0x1, s29, s23, $0xb8;
	[tilespmem:$0x19380] =	vst v63  }
0x248: {  	v62 =	vld [tilespmem:$0x10000]  }
0x249: {  	v63 =	vadd.f32 v4, v2;
	v0 =	vadd.f32 v0, v1;
	_ =	sdelay $0x1  }
.Ltmp8:
0x24a: {  	v0 =	vadd.f32 v63, v0;
	(pc) =	sbr.rel .LBB2_10-.Ltmp8, $3  }
0x24b: {  	_ = 	snop  }
0x24c: {  	v0 =	vadd.f32 v62, v0;
	_ =	sdelay $0x1  }
0x24d: {  	[tilespmem:$0x10000] =	vst v0  }
.LBB2_12:
0x24e: {  	_ =	sfence.sel $0x180000  }
0x24f: {  	[bflag:$0x0] =	sbarrier.arrive $0xFFFF  }
0x250: {  	_ =	strace $0x90000047  }
0x251: {  	s0 =	stileid.u32;
	[bflag:$0x2] =	sbarrier.arrive $0xFFFF  }
0x252: {  	p0 =	sne.s32 s0, $0x0;
	s0 =	rddreg [dreg:$0x8]  }
0x253: {  	s0 =	sadd.s32 @!p0 $0x100000, s0  }
0x254: {  	[sflag:s0] =	ssyncadd.tile.s32 @!p0 $0x1;
	_ =	shalt  }
.Lfunc_end2:
_tile_overlayer_lowered:
.L_overlay_start_2:
0x255: {  	(tag) =	ssettag $0x2  }
0x256: {  	s0 =	rddreg [dreg:$0x0];
	s2 =	stileid.u32  }
0x257: {  	s1 =	rddreg [dreg:$0x1];
	p0 =	sne.s32 s2, $0x0  }
0x258: {  	s3 =	rddreg [dreg:$0x2];
	[bflag:$0x3] =	sbarrier.arrive $0xFFFF;
	s2 =	simm.s32 @!p0 $0x1C04  }
0x259: {  	[timem:s3], [sflag:s2] =	dma.local @!p0 [hbm:s0], s1  }
0x25a: {  	s0 =	simm.s32 @!p0 $0x4  }
0x25b: {  	_ =	swait.ge @!p0 [sflag:s0], s1  }
0x25c: {  	s1 =	ssub.s32 @!p0 $0x0, s1;
	[sflag:s0] =	ssyncset.done @!p0 $0x0  }
0x25d: {  	[sflag:s0] =	ssyncadd.s32 @!p0 s1  }
0x25e: {  	[bflag:$0x3] =	sbarrier.arrive $0xFFFF  }
0x25f: {  	_ =	shalt  }

</sc_bundles>
